<compile_context>
chip_gen: v7x
topology: tpu7x:2x2x1
jax: 0.10.2.dev20260603
libtpu: 0.0.44.dev20260713+nightly
codegen_flags: <defaults>
</compile_context>

<pallas_src>
import functools

import jax
import jax.numpy as jnp
import numpy as np
from jax import lax
from jax.experimental import pallas as pl
from jax.experimental.pallas import tpu as pltpu
from jax.experimental.pallas import tpu_sc as plsc

VOCAB = 1000000
HIDDEN = 64
BATCH = 1024
SEQ = 200

_SQRT_D = float(np.sqrt(float(HIDDEN)))


def _pos_code_np(seq_len: int, d: int) -> np.ndarray:
    pos = np.arange(seq_len, dtype=np.float64).reshape(-1, 1)
    div = np.power(10000.0, np.arange(0, d, 2, dtype=np.float64) / d)
    ang = pos / div
    pc = np.zeros((seq_len, d), dtype=np.float32)
    pc[:, 0::2] = np.sin(ang).astype(np.float32)
    pc[:, 1::2] = np.cos(ang).astype(np.float32)
    return pc


_POS = _pos_code_np(SEQ, HIDDEN)

_info = plsc.get_sparse_core_info()
_NC, _NS = _info.num_cores, _info.num_subcores
_NW = _NC * _NS
_B_PER_W = BATCH // _NW
_LANES = 16
_HCHUNKS = HIDDEN // _LANES
_NBUF = 4
_SUNROLL = 4


@jax.jit
def _encode(ids, table, pos):
    mesh = plsc.VectorSubcoreMesh(core_axis_name="c", subcore_axis_name="s")

    @functools.partial(
        pl.kernel,
        mesh=mesh,
        out_type=jax.ShapeDtypeStruct((BATCH, SEQ, HIDDEN), jnp.float32),
        scratch_types=(
            [pltpu.VMEM((_B_PER_W, SEQ), jnp.int32)]
            + [pltpu.VMEM((SEQ, HIDDEN), jnp.float32)]
            + [pltpu.VMEM((SEQ, HIDDEN), jnp.float32)] * _NBUF
            + [pltpu.VMEM((SEQ, HIDDEN), jnp.float32)] * _NBUF
            + [pltpu.SemaphoreType.DMA] * (2 * _NBUF)
        ),
        compiler_params=pltpu.CompilerParams(use_tc_tiling_on_sc=False),
    )
    def k(ids_hbm, table_hbm, pos_hbm, out_hbm, idx_v, pos_v, *bufs):
        rows = bufs[:_NBUF]
        outs = bufs[_NBUF:2 * _NBUF]
        gsem = bufs[2 * _NBUF:3 * _NBUF]
        ssem = bufs[3 * _NBUF:4 * _NBUF]

        wid = lax.axis_index("s") * _NC + lax.axis_index("c")
        base_b = wid * _B_PER_W
        pltpu.sync_copy(ids_hbm.at[pl.ds(base_b, _B_PER_W), :], idx_v)
        pltpu.sync_copy(pos_hbm, pos_v)

        def gather_start(b, slot):
            pltpu.async_copy(table_hbm.at[idx_v.at[b]], rows[slot], gsem[slot])

        def gather_wait(slot):
            pltpu.make_async_copy(table_hbm.at[idx_v.at[0]], rows[slot],
                                  gsem[slot]).wait()

        def store_start(b, slot):
            pltpu.async_copy(outs[slot], out_hbm.at[base_b + b], ssem[slot])

        def store_wait(slot):
            pltpu.make_async_copy(outs[slot], out_hbm.at[base_b], ssem[slot]).wait()

        def compute(slot):
            def s_body(s0, c2):
                s = s0 * _SUNROLL
                for c in range(_SUNROLL):
                    for h in range(HIDDEN // _LANES):
                        sl = pl.ds(h * _LANES, _LANES)
                        outs[slot][s + c, sl] = (
                            rows[slot][s + c, sl] * _SQRT_D + pos_v[s + c, sl]
                        )
                return c2

            lax.fori_loop(0, SEQ // _SUNROLL, s_body, 0)

        for slot in range(_NBUF):
            gather_start(slot, slot)

        def outer(i, carry):
            for slot in range(_NBUF):
                b = i * _NBUF + slot
                gather_wait(slot)

                @pl.when(i > 0)
                def _():
                    store_wait(slot)

                compute(slot)

                @pl.when(i < _B_PER_W // _NBUF - 1)
                def _():
                    gather_start(b + _NBUF, slot)

                store_start(b, slot)
            return carry

        lax.fori_loop(0, _B_PER_W // _NBUF, outer, 0)
        for slot in range(_NBUF):
            store_wait(slot)

    return k(ids, table, pos)


def kernel(input_ids, embedding_weight):
    ids = input_ids.astype(jnp.int32)
    pos = jnp.asarray(_POS)
    return _encode(ids, embedding_weight, pos)

# --- scband reference (transcript-rebuilt; emitter-appended) ---
"""Pipeline reference for scband-decoder-positional-encoding-20727512171017 (READ-ONLY COPY).

The authoritative reference and input builder live on the scoring server;
editing this copy changes nothing except your own understanding.
"""

import jax, jax.numpy as jnp
import numpy as np

VOCAB = 1000000
HIDDEN = 64
MAX_LEN = 2048
BATCH = 1024
SEQ = 200


def _make_pos_code(max_len, d):
    pos = jnp.arange(max_len, dtype=jnp.float32).reshape(-1, 1)
    div = jnp.power(10000.0, jnp.arange(0, d, 2, dtype=jnp.float32) / d)
    ang = pos / div
    pc = jnp.zeros((1, max_len, d), dtype=jnp.float32)
    pc = pc.at[:, :, 0::2].set(jnp.sin(ang))
    pc = pc.at[:, :, 1::2].set(jnp.cos(ang))
    return pc


def setup_inputs(seed: int = 0) -> dict:
    key = jax.random.key(seed)
    k1, k2 = jax.random.split(key)
    input_ids = jax.random.randint(k1, (BATCH, SEQ), 0, VOCAB, dtype=jnp.int64 if jax.config.jax_enable_x64 else jnp.int32)
    embedding_weight = jax.random.normal(k2, (VOCAB, HIDDEN), dtype=jnp.float32)
    return {"input_ids": input_ids, "embedding_weight": embedding_weight}


def reference(input_ids, embedding_weight):
    # DecoderPositionalEncoding.forward (abs_pos_encode=True, embedding_sqrt_mul=True, dropout p=0.0 -> identity)
    sqrt_dim = jnp.sqrt(jnp.asarray(float(HIDDEN), dtype=jnp.float32))
    pos_code = _make_pos_code(MAX_LEN, HIDDEN)
    seq_len = input_ids.shape[1]
    gathered = jnp.take(embedding_weight, input_ids, axis=0)  # [B, S, H]
    encoded = gathered * sqrt_dim + pos_code[:, :seq_len, :]
    return encoded

if __name__ == "__main__":
    import jax
    _d = setup_inputs()
    print(jax.jit(kernel)(*tuple(_d.values())))

</pallas_src>

<mosaic_0001>
#map = affine_map<(d0, d1) -> (0, 0)>
#map1 = affine_map<(d0, d1) -> (0, 0, 0)>
module attributes {stable_mosaic.version = 14 : i64} {
  func.func @k(%arg0: i32, %arg1: i32, %arg2: memref<1024x200xi32, #tpu.memory_space<hbm>>, %arg3: memref<1000000x64xf32, #tpu.memory_space<hbm>>, %arg4: memref<200x64xf32, #tpu.memory_space<hbm>>, %arg5: memref<1024x200x64xf32, #tpu.memory_space<hbm>>, %arg6: memref<32x200xi32, #tpu.memory_space<vmem>>, %arg7: memref<200x64xf32, #tpu.memory_space<vmem>>, %arg8: memref<200x64xf32, #tpu.memory_space<vmem>>, %arg9: memref<200x64xf32, #tpu.memory_space<vmem>>, %arg10: memref<200x64xf32, #tpu.memory_space<vmem>>, %arg11: memref<200x64xf32, #tpu.memory_space<vmem>>, %arg12: memref<200x64xf32, #tpu.memory_space<vmem>>, %arg13: memref<200x64xf32, #tpu.memory_space<vmem>>, %arg14: memref<200x64xf32, #tpu.memory_space<vmem>>, %arg15: memref<200x64xf32, #tpu.memory_space<vmem>>, %arg16: memref<!tpu.dma_semaphore, #tpu.memory_space<semaphore_mem>>, %arg17: memref<!tpu.dma_semaphore, #tpu.memory_space<semaphore_mem>>, %arg18: memref<!tpu.dma_semaphore, #tpu.memory_space<semaphore_mem>>, %arg19: memref<!tpu.dma_semaphore, #tpu.memory_space<semaphore_mem>>, %arg20: memref<!tpu.dma_semaphore, #tpu.memory_space<semaphore_mem>>, %arg21: memref<!tpu.dma_semaphore, #tpu.memory_space<semaphore_mem>>, %arg22: memref<!tpu.dma_semaphore, #tpu.memory_space<semaphore_mem>>, %arg23: memref<!tpu.dma_semaphore, #tpu.memory_space<semaphore_mem>>) attributes {dimension_semantics = [#tpu.dimension_semantics<core_parallel>, #tpu.dimension_semantics<subcore_parallel>], iteration_bounds = array<i64: 2, 16>, scalar_prefetch = 0 : i64, scratch_operands = 18 : i64, tpu.core_type = #tpu.core_type<sc_vector_subcore>, window_params = [{transform_indices = #map}, {transform_indices = #map}, {transform_indices = #map}, {transform_indices = #map1}]} {
    %mul3A = arith.constant 2 : i32
    %mul3A_0 = arith.muli %arg1, %mul3A : i32
    %add3A = arith.addi %mul3A_0, %arg0 : i32
    %mul3A_1 = arith.constant 32 : i32
    %mul3A_2 = arith.muli %add3A, %mul3A_1 : i32
    "tpu.region"() ({
      %run_scoped3A = tpu.sem_alloc : memref<!tpu.dma_semaphore, #tpu.memory_space<semaphore_mem>>
      %dma_start3A_66 = arith.constant 0 : i32
      %dma_start3A_67 = tpu.memref_slice %arg2[%mul3A_2, %dma_start3A_66] : memref<1024x200xi32, #tpu.memory_space<hbm>> -> memref<32x200xi32, #tpu.memory_space<hbm>>
      %dma_start3A_68 = arith.constant 0 : i32
      %dma_start3A_69 = tpu.memref_slice %arg2[%mul3A_2, %dma_start3A_68] : memref<1024x200xi32, #tpu.memory_space<hbm>> -> memref<32x200xi32, #tpu.memory_space<hbm>>
      tpu.enqueue_dma source(%dma_start3A_69 : memref<32x200xi32, #tpu.memory_space<hbm>>) target(%arg6 : memref<32x200xi32, #tpu.memory_space<vmem>>) target_semaphore(%run_scoped3A : memref<!tpu.dma_semaphore, #tpu.memory_space<semaphore_mem>>)
      %dma_wait3A_70 = arith.constant 0 : i32
      %dma_wait3A_71 = tpu.memref_slice %arg2[%mul3A_2, %dma_wait3A_70] : memref<1024x200xi32, #tpu.memory_space<hbm>> -> memref<32x200xi32, #tpu.memory_space<hbm>>
      %dma_wait3A_72 = arith.constant 0 : i32
      %dma_wait3A_73 = tpu.memref_slice %arg2[%mul3A_2, %dma_wait3A_72] : memref<1024x200xi32, #tpu.memory_space<hbm>> -> memref<32x200xi32, #tpu.memory_space<hbm>>
      tpu.wait_dma2 semaphore(%run_scoped3A : memref<!tpu.dma_semaphore, #tpu.memory_space<semaphore_mem>>) src(%dma_wait3A_73 : memref<32x200xi32, #tpu.memory_space<hbm>>) dst(%arg6 : memref<32x200xi32, #tpu.memory_space<vmem>>)
      tpu.yield
    }) : () -> ()
    "tpu.region"() ({
      %run_scoped3A = tpu.sem_alloc : memref<!tpu.dma_semaphore, #tpu.memory_space<semaphore_mem>>
      tpu.enqueue_dma source(%arg4 : memref<200x64xf32, #tpu.memory_space<hbm>>) target(%arg7 : memref<200x64xf32, #tpu.memory_space<vmem>>) target_semaphore(%run_scoped3A : memref<!tpu.dma_semaphore, #tpu.memory_space<semaphore_mem>>)
      tpu.wait_dma2 semaphore(%run_scoped3A : memref<!tpu.dma_semaphore, #tpu.memory_space<semaphore_mem>>) src(%arg4 : memref<200x64xf32, #tpu.memory_space<hbm>>) dst(%arg7 : memref<200x64xf32, #tpu.memory_space<vmem>>)
      tpu.yield
    }) : () -> ()
    %dma_start3A = arith.constant 0 : i32
    %dma_start3A_3 = arith.constant 0 : i32
    %dma_start3A_4 = tpu.memref_slice %arg6[%dma_start3A, %dma_start3A_3] : memref<32x200xi32, #tpu.memory_space<vmem>> -> memref<1x200xi32, #tpu.memory_space<vmem>>
    %dma_start3A_5 = tpu.memref_squeeze %dma_start3A_4 : memref<1x200xi32, #tpu.memory_space<vmem>> -> memref<200xi32, #tpu.memory_space<vmem>>
    %dma_start3A_6 = arith.constant 0 : i32
    %dma_start3A_7 = arith.constant 0 : i32
    %dma_start3A_8 = tpu.memref_slice %arg3[%dma_start3A_6, %dma_start3A_7] : memref<1000000x64xf32, #tpu.memory_space<hbm>> -> memref<1000000x64xf32, #tpu.memory_space<hbm>>
    tpu.enqueue_indirect_dma source(%dma_start3A_8 : memref<1000000x64xf32, #tpu.memory_space<hbm>>) target(%arg8 : memref<200x64xf32, #tpu.memory_space<vmem>>) offsets(%dma_start3A_5 : memref<200xi32, #tpu.memory_space<vmem>>) semaphore(%arg16 : memref<!tpu.dma_semaphore, #tpu.memory_space<semaphore_mem>>)
    %dma_start3A_9 = arith.constant 1 : i32
    %dma_start3A_10 = arith.constant 0 : i32
    %dma_start3A_11 = tpu.memref_slice %arg6[%dma_start3A_9, %dma_start3A_10] : memref<32x200xi32, #tpu.memory_space<vmem>> -> memref<1x200xi32, #tpu.memory_space<vmem>>
    %dma_start3A_12 = tpu.memref_squeeze %dma_start3A_11 : memref<1x200xi32, #tpu.memory_space<vmem>> -> memref<200xi32, #tpu.memory_space<vmem>>
    %dma_start3A_13 = arith.constant 0 : i32
    %dma_start3A_14 = arith.constant 0 : i32
    %dma_start3A_15 = tpu.memref_slice %arg3[%dma_start3A_13, %dma_start3A_14] : memref<1000000x64xf32, #tpu.memory_space<hbm>> -> memref<1000000x64xf32, #tpu.memory_space<hbm>>
    tpu.enqueue_indirect_dma source(%dma_start3A_15 : memref<1000000x64xf32, #tpu.memory_space<hbm>>) target(%arg9 : memref<200x64xf32, #tpu.memory_space<vmem>>) offsets(%dma_start3A_12 : memref<200xi32, #tpu.memory_space<vmem>>) semaphore(%arg17 : memref<!tpu.dma_semaphore, #tpu.memory_space<semaphore_mem>>)
    %dma_start3A_16 = arith.constant 2 : i32
    %dma_start3A_17 = arith.constant 0 : i32
    %dma_start3A_18 = tpu.memref_slice %arg6[%dma_start3A_16, %dma_start3A_17] : memref<32x200xi32, #tpu.memory_space<vmem>> -> memref<1x200xi32, #tpu.memory_space<vmem>>
    %dma_start3A_19 = tpu.memref_squeeze %dma_start3A_18 : memref<1x200xi32, #tpu.memory_space<vmem>> -> memref<200xi32, #tpu.memory_space<vmem>>
    %dma_start3A_20 = arith.constant 0 : i32
    %dma_start3A_21 = arith.constant 0 : i32
    %dma_start3A_22 = tpu.memref_slice %arg3[%dma_start3A_20, %dma_start3A_21] : memref<1000000x64xf32, #tpu.memory_space<hbm>> -> memref<1000000x64xf32, #tpu.memory_space<hbm>>
    tpu.enqueue_indirect_dma source(%dma_start3A_22 : memref<1000000x64xf32, #tpu.memory_space<hbm>>) target(%arg10 : memref<200x64xf32, #tpu.memory_space<vmem>>) offsets(%dma_start3A_19 : memref<200xi32, #tpu.memory_space<vmem>>) semaphore(%arg18 : memref<!tpu.dma_semaphore, #tpu.memory_space<semaphore_mem>>)
    %dma_start3A_23 = arith.constant 3 : i32
    %dma_start3A_24 = arith.constant 0 : i32
    %dma_start3A_25 = tpu.memref_slice %arg6[%dma_start3A_23, %dma_start3A_24] : memref<32x200xi32, #tpu.memory_space<vmem>> -> memref<1x200xi32, #tpu.memory_space<vmem>>
    %dma_start3A_26 = tpu.memref_squeeze %dma_start3A_25 : memref<1x200xi32, #tpu.memory_space<vmem>> -> memref<200xi32, #tpu.memory_space<vmem>>
    %dma_start3A_27 = arith.constant 0 : i32
    %dma_start3A_28 = arith.constant 0 : i32
    %dma_start3A_29 = tpu.memref_slice %arg3[%dma_start3A_27, %dma_start3A_28] : memref<1000000x64xf32, #tpu.memory_space<hbm>> -> memref<1000000x64xf32, #tpu.memory_space<hbm>>
    tpu.enqueue_indirect_dma source(%dma_start3A_29 : memref<1000000x64xf32, #tpu.memory_space<hbm>>) target(%arg11 : memref<200x64xf32, #tpu.memory_space<vmem>>) offsets(%dma_start3A_26 : memref<200xi32, #tpu.memory_space<vmem>>) semaphore(%arg19 : memref<!tpu.dma_semaphore, #tpu.memory_space<semaphore_mem>>)
    %scan3A = arith.constant 0 : i32
    %scan3A_30 = arith.constant 0 : i32
    %scan3A_31 = arith.constant 8 : i32
    %scan3A_32 = arith.addi %scan3A_30, %scan3A_31 : i32
    %scan3A_33 = arith.constant 1 : i32
    scf.for %scan3A_66 = %scan3A_30 to %scan3A_32 step %scan3A_33  : i32 {
      %mul3A_67 = arith.constant 4 : i32
      %mul3A_68 = arith.muli %scan3A_66, %mul3A_67 : i32
      %add3A_69 = arith.constant 0 : i32
      %add3A_70 = arith.addi %mul3A_68, %add3A_69 : i32
      %dma_wait3A_71 = arith.constant 0 : i32
      %dma_wait3A_72 = arith.constant 0 : i32
      %dma_wait3A_73 = tpu.memref_slice %arg6[%dma_wait3A_71, %dma_wait3A_72] : memref<32x200xi32, #tpu.memory_space<vmem>> -> memref<1x200xi32, #tpu.memory_space<vmem>>
      %dma_wait3A_74 = tpu.memref_squeeze %dma_wait3A_73 : memref<1x200xi32, #tpu.memory_space<vmem>> -> memref<200xi32, #tpu.memory_space<vmem>>
      %dma_wait3A_75 = arith.constant 0 : i32
      %dma_wait3A_76 = arith.constant 0 : i32
      %dma_wait3A_77 = tpu.memref_slice %arg3[%dma_wait3A_75, %dma_wait3A_76] : memref<1000000x64xf32, #tpu.memory_space<hbm>> -> memref<1000000x64xf32, #tpu.memory_space<hbm>>
      tpu.wait_indirect_dma semaphore(%arg16 : memref<!tpu.dma_semaphore, #tpu.memory_space<semaphore_mem>>) src(%dma_wait3A_77 : memref<1000000x64xf32, #tpu.memory_space<hbm>>) dst(%arg8 : memref<200x64xf32, #tpu.memory_space<vmem>>)
      %gt3A = arith.constant 0 : i32
      %gt3A_78 = arith.cmpi sgt, %scan3A_66, %gt3A : i32
      %convert_element_type3A = arith.extui %gt3A_78 : i1 to i32
      %cond3A = arith.constant 0 : i32
      %cond3A_79 = arith.cmpi ne, %convert_element_type3A, %cond3A : i32
      scf.if %cond3A_79 {
        %dma_wait3A_207 = arith.constant 0 : i32
        %dma_wait3A_208 = arith.constant 0 : i32
        %dma_wait3A_209 = tpu.memref_slice %arg5[%mul3A_2, %dma_wait3A_207, %dma_wait3A_208] : memref<1024x200x64xf32, #tpu.memory_space<hbm>> -> memref<1x200x64xf32, #tpu.memory_space<hbm>>
        %dma_wait3A_210 = tpu.memref_squeeze %dma_wait3A_209 : memref<1x200x64xf32, #tpu.memory_space<hbm>> -> memref<200x64xf32, #tpu.memory_space<hbm>>
        %dma_wait3A_211 = arith.constant 0 : i32
        %dma_wait3A_212 = arith.constant 0 : i32
        %dma_wait3A_213 = tpu.memref_slice %arg5[%mul3A_2, %dma_wait3A_211, %dma_wait3A_212] : memref<1024x200x64xf32, #tpu.memory_space<hbm>> -> memref<1x200x64xf32, #tpu.memory_space<hbm>>
        %dma_wait3A_214 = tpu.memref_squeeze %dma_wait3A_213 : memref<1x200x64xf32, #tpu.memory_space<hbm>> -> memref<200x64xf32, #tpu.memory_space<hbm>>
        tpu.wait_dma2 semaphore(%arg20 : memref<!tpu.dma_semaphore, #tpu.memory_space<semaphore_mem>>) src(%arg12 : memref<200x64xf32, #tpu.memory_space<vmem>>) dst(%dma_wait3A_214 : memref<200x64xf32, #tpu.memory_space<hbm>>)
      } else {
      }
      %scan3A_80 = arith.constant 0 : i32
      %scan3A_81 = arith.constant 0 : i32
      %scan3A_82 = arith.constant 50 : i32
      %scan3A_83 = arith.addi %scan3A_81, %scan3A_82 : i32
      %scan3A_84 = arith.constant 1 : i32
      scf.for %scan3A_207 = %scan3A_81 to %scan3A_83 step %scan3A_84  : i32 {
        %mul3A_208 = arith.constant 4 : i32
        %mul3A_209 = arith.muli %scan3A_207, %mul3A_208 : i32
        %add3A_210 = arith.constant 0 : i32
        %add3A_211 = arith.addi %mul3A_209, %add3A_210 : i32
        %get3A = arith.index_cast %add3A_211 : i32 to index
        %get3A_212 = arith.constant 0 : index
        %get3A_213 = tpu.vector_load %arg8[%get3A, %get3A_212] {strides = array<i32>} : memref<200x64xf32, #tpu.memory_space<vmem>>, vector<1x16xf32>,
        %get3A_214 = vector.shape_cast %get3A_213 : vector<1x16xf32> to vector<16xf32>
        %mul3A_215 = arith.constant 8.000000e+00 : f32
        %mul3A_216 = vector.broadcast %mul3A_215 : f32 to vector<16xf32>
        %mul3A_217 = arith.mulf %get3A_214, %mul3A_216 : vector<16xf32>
        %add3A_218 = arith.constant 0 : i32
        %add3A_219 = arith.addi %mul3A_209, %add3A_218 : i32
        %get3A_220 = arith.index_cast %add3A_219 : i32 to index
        %get3A_221 = arith.constant 0 : index
        %get3A_222 = tpu.vector_load %arg7[%get3A_220, %get3A_221] {strides = array<i32>} : memref<200x64xf32, #tpu.memory_space<vmem>>, vector<1x16xf32>,
        %get3A_223 = vector.shape_cast %get3A_222 : vector<1x16xf32> to vector<16xf32>
        %add3A_224 = arith.addf %mul3A_217, %get3A_223 : vector<16xf32>
        %add3A_225 = arith.constant 0 : i32
        %add3A_226 = arith.addi %mul3A_209, %add3A_225 : i32
        %swap3A = arith.index_cast %add3A_226 : i32 to index
        %swap3A_227 = arith.constant 0 : index
        %swap3A_228 = tpu.vector_load %arg12[%swap3A, %swap3A_227] {strides = array<i32>} : memref<200x64xf32, #tpu.memory_space<vmem>>, vector<1x16xf32>,
        %swap3A_229 = vector.shape_cast %swap3A_228 : vector<1x16xf32> to vector<16xf32>
        %swap3A_230 = vector.shape_cast %add3A_224 : vector<16xf32> to vector<1x16xf32>
        tpu.vector_store %arg12[%swap3A, %swap3A_227], %swap3A_230 {strides = array<i32>} : memref<200x64xf32, #tpu.memory_space<vmem>>, vector<1x16xf32>,
        %add3A_231 = arith.constant 0 : i32
        %add3A_232 = arith.addi %mul3A_209, %add3A_231 : i32
        %get3A_233 = arith.index_cast %add3A_232 : i32 to index
        %get3A_234 = arith.constant 16 : index
        %get3A_235 = tpu.vector_load %arg8[%get3A_233, %get3A_234] {strides = array<i32>} : memref<200x64xf32, #tpu.memory_space<vmem>>, vector<1x16xf32>,
        %get3A_236 = vector.shape_cast %get3A_235 : vector<1x16xf32> to vector<16xf32>
        %mul3A_237 = arith.constant 8.000000e+00 : f32
        %mul3A_238 = vector.broadcast %mul3A_237 : f32 to vector<16xf32>
        %mul3A_239 = arith.mulf %get3A_236, %mul3A_238 : vector<16xf32>
        %add3A_240 = arith.constant 0 : i32
        %add3A_241 = arith.addi %mul3A_209, %add3A_240 : i32
        %get3A_242 = arith.index_cast %add3A_241 : i32 to index
        %get3A_243 = arith.constant 16 : index
        %get3A_244 = tpu.vector_load %arg7[%get3A_242, %get3A_243] {strides = array<i32>} : memref<200x64xf32, #tpu.memory_space<vmem>>, vector<1x16xf32>,
        %get3A_245 = vector.shape_cast %get3A_244 : vector<1x16xf32> to vector<16xf32>
        %add3A_246 = arith.addf %mul3A_239, %get3A_245 : vector<16xf32>
        %add3A_247 = arith.constant 0 : i32
        %add3A_248 = arith.addi %mul3A_209, %add3A_247 : i32
        %swap3A_249 = arith.index_cast %add3A_248 : i32 to index
        %swap3A_250 = arith.constant 16 : index
        %swap3A_251 = tpu.vector_load %arg12[%swap3A_249, %swap3A_250] {strides = array<i32>} : memref<200x64xf32, #tpu.memory_space<vmem>>, vector<1x16xf32>,
        %swap3A_252 = vector.shape_cast %swap3A_251 : vector<1x16xf32> to vector<16xf32>
        %swap3A_253 = vector.shape_cast %add3A_246 : vector<16xf32> to vector<1x16xf32>
        tpu.vector_store %arg12[%swap3A_249, %swap3A_250], %swap3A_253 {strides = array<i32>} : memref<200x64xf32, #tpu.memory_space<vmem>>, vector<1x16xf32>,
        %add3A_254 = arith.constant 0 : i32
        %add3A_255 = arith.addi %mul3A_209, %add3A_254 : i32
        %get3A_256 = arith.index_cast %add3A_255 : i32 to index
        %get3A_257 = arith.constant 32 : index
        %get3A_258 = tpu.vector_load %arg8[%get3A_256, %get3A_257] {strides = array<i32>} : memref<200x64xf32, #tpu.memory_space<vmem>>, vector<1x16xf32>,
        %get3A_259 = vector.shape_cast %get3A_258 : vector<1x16xf32> to vector<16xf32>
        %mul3A_260 = arith.constant 8.000000e+00 : f32
        %mul3A_261 = vector.broadcast %mul3A_260 : f32 to vector<16xf32>
        %mul3A_262 = arith.mulf %get3A_259, %mul3A_261 : vector<16xf32>
        %add3A_263 = arith.constant 0 : i32
        %add3A_264 = arith.addi %mul3A_209, %add3A_263 : i32
        %get3A_265 = arith.index_cast %add3A_264 : i32 to index
        %get3A_266 = arith.constant 32 : index
        %get3A_267 = tpu.vector_load %arg7[%get3A_265, %get3A_266] {strides = array<i32>} : memref<200x64xf32, #tpu.memory_space<vmem>>, vector<1x16xf32>,
        %get3A_268 = vector.shape_cast %get3A_267 : vector<1x16xf32> to vector<16xf32>
        %add3A_269 = arith.addf %mul3A_262, %get3A_268 : vector<16xf32>
        %add3A_270 = arith.constant 0 : i32
        %add3A_271 = arith.addi %mul3A_209, %add3A_270 : i32
        %swap3A_272 = arith.index_cast %add3A_271 : i32 to index
        %swap3A_273 = arith.constant 32 : index
        %swap3A_274 = tpu.vector_load %arg12[%swap3A_272, %swap3A_273] {strides = array<i32>} : memref<200x64xf32, #tpu.memory_space<vmem>>, vector<1x16xf32>,
        %swap3A_275 = vector.shape_cast %swap3A_274 : vector<1x16xf32> to vector<16xf32>
        %swap3A_276 = vector.shape_cast %add3A_269 : vector<16xf32> to vector<1x16xf32>
        tpu.vector_store %arg12[%swap3A_272, %swap3A_273], %swap3A_276 {strides = array<i32>} : memref<200x64xf32, #tpu.memory_space<vmem>>, vector<1x16xf32>,
        %add3A_277 = arith.constant 0 : i32
        %add3A_278 = arith.addi %mul3A_209, %add3A_277 : i32
        %get3A_279 = arith.index_cast %add3A_278 : i32 to index
        %get3A_280 = arith.constant 48 : index
        %get3A_281 = tpu.vector_load %arg8[%get3A_279, %get3A_280] {strides = array<i32>} : memref<200x64xf32, #tpu.memory_space<vmem>>, vector<1x16xf32>,
        %get3A_282 = vector.shape_cast %get3A_281 : vector<1x16xf32> to vector<16xf32>
        %mul3A_283 = arith.constant 8.000000e+00 : f32
        %mul3A_284 = vector.broadcast %mul3A_283 : f32 to vector<16xf32>
        %mul3A_285 = arith.mulf %get3A_282, %mul3A_284 : vector<16xf32>
        %add3A_286 = arith.constant 0 : i32
        %add3A_287 = arith.addi %mul3A_209, %add3A_286 : i32
        %get3A_288 = arith.index_cast %add3A_287 : i32 to index
        %get3A_289 = arith.constant 48 : index
        %get3A_290 = tpu.vector_load %arg7[%get3A_288, %get3A_289] {strides = array<i32>} : memref<200x64xf32, #tpu.memory_space<vmem>>, vector<1x16xf32>,
        %get3A_291 = vector.shape_cast %get3A_290 : vector<1x16xf32> to vector<16xf32>
        %add3A_292 = arith.addf %mul3A_285, %get3A_291 : vector<16xf32>
        %add3A_293 = arith.constant 0 : i32
        %add3A_294 = arith.addi %mul3A_209, %add3A_293 : i32
        %swap3A_295 = arith.index_cast %add3A_294 : i32 to index
        %swap3A_296 = arith.constant 48 : index
        %swap3A_297 = tpu.vector_load %arg12[%swap3A_295, %swap3A_296] {strides = array<i32>} : memref<200x64xf32, #tpu.memory_space<vmem>>, vector<1x16xf32>,
        %swap3A_298 = vector.shape_cast %swap3A_297 : vector<1x16xf32> to vector<16xf32>
        %swap3A_299 = vector.shape_cast %add3A_292 : vector<16xf32> to vector<1x16xf32>
        tpu.vector_store %arg12[%swap3A_295, %swap3A_296], %swap3A_299 {strides = array<i32>} : memref<200x64xf32, #tpu.memory_space<vmem>>, vector<1x16xf32>,
        %add3A_300 = arith.constant 1 : i32
        %add3A_301 = arith.addi %mul3A_209, %add3A_300 : i32
        %get3A_302 = arith.index_cast %add3A_301 : i32 to index
        %get3A_303 = arith.constant 0 : index
        %get3A_304 = tpu.vector_load %arg8[%get3A_302, %get3A_303] {strides = array<i32>} : memref<200x64xf32, #tpu.memory_space<vmem>>, vector<1x16xf32>,
        %get3A_305 = vector.shape_cast %get3A_304 : vector<1x16xf32> to vector<16xf32>
        %mul3A_306 = arith.constant 8.000000e+00 : f32
        %mul3A_307 = vector.broadcast %mul3A_306 : f32 to vector<16xf32>
        %mul3A_308 = arith.mulf %get3A_305, %mul3A_307 : vector<16xf32>
        %add3A_309 = arith.constant 1 : i32
        %add3A_310 = arith.addi %mul3A_209, %add3A_309 : i32
        %get3A_311 = arith.index_cast %add3A_310 : i32 to index
        %get3A_312 = arith.constant 0 : index
        %get3A_313 = tpu.vector_load %arg7[%get3A_311, %get3A_312] {strides = array<i32>} : memref<200x64xf32, #tpu.memory_space<vmem>>, vector<1x16xf32>,
        %get3A_314 = vector.shape_cast %get3A_313 : vector<1x16xf32> to vector<16xf32>
        %add3A_315 = arith.addf %mul3A_308, %get3A_314 : vector<16xf32>
        %add3A_316 = arith.constant 1 : i32
        %add3A_317 = arith.addi %mul3A_209, %add3A_316 : i32
        %swap3A_318 = arith.index_cast %add3A_317 : i32 to index
        %swap3A_319 = arith.constant 0 : index
        %swap3A_320 = tpu.vector_load %arg12[%swap3A_318, %swap3A_319] {strides = array<i32>} : memref<200x64xf32, #tpu.memory_space<vmem>>, vector<1x16xf32>,
        %swap3A_321 = vector.shape_cast %swap3A_320 : vector<1x16xf32> to vector<16xf32>
        %swap3A_322 = vector.shape_cast %add3A_315 : vector<16xf32> to vector<1x16xf32>
        tpu.vector_store %arg12[%swap3A_318, %swap3A_319], %swap3A_322 {strides = array<i32>} : memref<200x64xf32, #tpu.memory_space<vmem>>, vector<1x16xf32>,
        %add3A_323 = arith.constant 1 : i32
        %add3A_324 = arith.addi %mul3A_209, %add3A_323 : i32
        %get3A_325 = arith.index_cast %add3A_324 : i32 to index
        %get3A_326 = arith.constant 16 : index
        %get3A_327 = tpu.vector_load %arg8[%get3A_325, %get3A_326] {strides = array<i32>} : memref<200x64xf32, #tpu.memory_space<vmem>>, vector<1x16xf32>,
        %get3A_328 = vector.shape_cast %get3A_327 : vector<1x16xf32> to vector<16xf32>
        %mul3A_329 = arith.constant 8.000000e+00 : f32
        %mul3A_330 = vector.broadcast %mul3A_329 : f32 to vector<16xf32>
        %mul3A_331 = arith.mulf %get3A_328, %mul3A_330 : vector<16xf32>
        %add3A_332 = arith.constant 1 : i32
        %add3A_333 = arith.addi %mul3A_209, %add3A_332 : i32
        %get3A_334 = arith.index_cast %add3A_333 : i32 to index
        %get3A_335 = arith.constant 16 : index
        %get3A_336 = tpu.vector_load %arg7[%get3A_334, %get3A_335] {strides = array<i32>} : memref<200x64xf32, #tpu.memory_space<vmem>>, vector<1x16xf32>,
        %get3A_337 = vector.shape_cast %get3A_336 : vector<1x16xf32> to vector<16xf32>
        %add3A_338 = arith.addf %mul3A_331, %get3A_337 : vector<16xf32>
        %add3A_339 = arith.constant 1 : i32
        %add3A_340 = arith.addi %mul3A_209, %add3A_339 : i32
        %swap3A_341 = arith.index_cast %add3A_340 : i32 to index
        %swap3A_342 = arith.constant 16 : index
        %swap3A_343 = tpu.vector_load %arg12[%swap3A_341, %swap3A_342] {strides = array<i32>} : memref<200x64xf32, #tpu.memory_space<vmem>>, vector<1x16xf32>,
        %swap3A_344 = vector.shape_cast %swap3A_343 : vector<1x16xf32> to vector<16xf32>
        %swap3A_345 = vector.shape_cast %add3A_338 : vector<16xf32> to vector<1x16xf32>
        tpu.vector_store %arg12[%swap3A_341, %swap3A_342], %swap3A_345 {strides = array<i32>} : memref<200x64xf32, #tpu.memory_space<vmem>>, vector<1x16xf32>,
        %add3A_346 = arith.constant 1 : i32
        %add3A_347 = arith.addi %mul3A_209, %add3A_346 : i32
        %get3A_348 = arith.index_cast %add3A_347 : i32 to index
        %get3A_349 = arith.constant 32 : index
        %get3A_350 = tpu.vector_load %arg8[%get3A_348, %get3A_349] {strides = array<i32>} : memref<200x64xf32, #tpu.memory_space<vmem>>, vector<1x16xf32>,
        %get3A_351 = vector.shape_cast %get3A_350 : vector<1x16xf32> to vector<16xf32>
        %mul3A_352 = arith.constant 8.000000e+00 : f32
        %mul3A_353 = vector.broadcast %mul3A_352 : f32 to vector<16xf32>
        %mul3A_354 = arith.mulf %get3A_351, %mul3A_353 : vector<16xf32>
        %add3A_355 = arith.constant 1 : i32
        %add3A_356 = arith.addi %mul3A_209, %add3A_355 : i32
        %get3A_357 = arith.index_cast %add3A_356 : i32 to index
        %get3A_358 = arith.constant 32 : index
        %get3A_359 = tpu.vector_load %arg7[%get3A_357, %get3A_358] {strides = array<i32>} : memref<200x64xf32, #tpu.memory_space<vmem>>, vector<1x16xf32>,
        %get3A_360 = vector.shape_cast %get3A_359 : vector<1x16xf32> to vector<16xf32>
        %add3A_361 = arith.addf %mul3A_354, %get3A_360 : vector<16xf32>
        %add3A_362 = arith.constant 1 : i32
        %add3A_363 = arith.addi %mul3A_209, %add3A_362 : i32
        %swap3A_364 = arith.index_cast %add3A_363 : i32 to index
        %swap3A_365 = arith.constant 32 : index
        %swap3A_366 = tpu.vector_load %arg12[%swap3A_364, %swap3A_365] {strides = array<i32>} : memref<200x64xf32, #tpu.memory_space<vmem>>, vector<1x16xf32>,
        %swap3A_367 = vector.shape_cast %swap3A_366 : vector<1x16xf32> to vector<16xf32>
        %swap3A_368 = vector.shape_cast %add3A_361 : vector<16xf32> to vector<1x16xf32>
        tpu.vector_store %arg12[%swap3A_364, %swap3A_365], %swap3A_368 {strides = array<i32>} : memref<200x64xf32, #tpu.memory_space<vmem>>, vector<1x16xf32>,
        %add3A_369 = arith.constant 1 : i32
        %add3A_370 = arith.addi %mul3A_209, %add3A_369 : i32
        %get3A_371 = arith.index_cast %add3A_370 : i32 to index
        %get3A_372 = arith.constant 48 : index
        %get3A_373 = tpu.vector_load %arg8[%get3A_371, %get3A_372] {strides = array<i32>} : memref<200x64xf32, #tpu.memory_space<vmem>>, vector<1x16xf32>,
        %get3A_374 = vector.shape_cast %get3A_373 : vector<1x16xf32> to vector<16xf32>
        %mul3A_375 = arith.constant 8.000000e+00 : f32
        %mul3A_376 = vector.broadcast %mul3A_375 : f32 to vector<16xf32>
        %mul3A_377 = arith.mulf %get3A_374, %mul3A_376 : vector<16xf32>
        %add3A_378 = arith.constant 1 : i32
        %add3A_379 = arith.addi %mul3A_209, %add3A_378 : i32
        %get3A_380 = arith.index_cast %add3A_379 : i32 to index
        %get3A_381 = arith.constant 48 : index
        %get3A_382 = tpu.vector_load %arg7[%get3A_380, %get3A_381] {strides = array<i32>} : memref<200x64xf32, #tpu.memory_space<vmem>>, vector<1x16xf32>,
        %get3A_383 = vector.shape_cast %get3A_382 : vector<1x16xf32> to vector<16xf32>
        %add3A_384 = arith.addf %mul3A_377, %get3A_383 : vector<16xf32>
        %add3A_385 = arith.constant 1 : i32
        %add3A_386 = arith.addi %mul3A_209, %add3A_385 : i32
        %swap3A_387 = arith.index_cast %add3A_386 : i32 to index
        %swap3A_388 = arith.constant 48 : index
        %swap3A_389 = tpu.vector_load %arg12[%swap3A_387, %swap3A_388] {strides = array<i32>} : memref<200x64xf32, #tpu.memory_space<vmem>>, vector<1x16xf32>,
        %swap3A_390 = vector.shape_cast %swap3A_389 : vector<1x16xf32> to vector<16xf32>
        %swap3A_391 = vector.shape_cast %add3A_384 : vector<16xf32> to vector<1x16xf32>
        tpu.vector_store %arg12[%swap3A_387, %swap3A_388], %swap3A_391 {strides = array<i32>} : memref<200x64xf32, #tpu.memory_space<vmem>>, vector<1x16xf32>,
        %add3A_392 = arith.constant 2 : i32
        %add3A_393 = arith.addi %mul3A_209, %add3A_392 : i32
        %get3A_394 = arith.index_cast %add3A_393 : i32 to index
        %get3A_395 = arith.constant 0 : index
        %get3A_396 = tpu.vector_load %arg8[%get3A_394, %get3A_395] {strides = array<i32>} : memref<200x64xf32, #tpu.memory_space<vmem>>, vector<1x16xf32>,
        %get3A_397 = vector.shape_cast %get3A_396 : vector<1x16xf32> to vector<16xf32>
        %mul3A_398 = arith.constant 8.000000e+00 : f32
        %mul3A_399 = vector.broadcast %mul3A_398 : f32 to vector<16xf32>
        %mul3A_400 = arith.mulf %get3A_397, %mul3A_399 : vector<16xf32>
        %add3A_401 = arith.constant 2 : i32
        %add3A_402 = arith.addi %mul3A_209, %add3A_401 : i32
        %get3A_403 = arith.index_cast %add3A_402 : i32 to index
        %get3A_404 = arith.constant 0 : index
        %get3A_405 = tpu.vector_load %arg7[%get3A_403, %get3A_404] {strides = array<i32>} : memref<200x64xf32, #tpu.memory_space<vmem>>, vector<1x16xf32>,
        %get3A_406 = vector.shape_cast %get3A_405 : vector<1x16xf32> to vector<16xf32>
        %add3A_407 = arith.addf %mul3A_400, %get3A_406 : vector<16xf32>
        %add3A_408 = arith.constant 2 : i32
        %add3A_409 = arith.addi %mul3A_209, %add3A_408 : i32
        %swap3A_410 = arith.index_cast %add3A_409 : i32 to index
        %swap3A_411 = arith.constant 0 : index
        %swap3A_412 = tpu.vector_load %arg12[%swap3A_410, %swap3A_411] {strides = array<i32>} : memref<200x64xf32, #tpu.memory_space<vmem>>, vector<1x16xf32>,
        %swap3A_413 = vector.shape_cast %swap3A_412 : vector<1x16xf32> to vector<16xf32>
        %swap3A_414 = vector.shape_cast %add3A_407 : vector<16xf32> to vector<1x16xf32>
        tpu.vector_store %arg12[%swap3A_410, %swap3A_411], %swap3A_414 {strides = array<i32>} : memref<200x64xf32, #tpu.memory_space<vmem>>, vector<1x16xf32>,
        %add3A_415 = arith.constant 2 : i32
        %add3A_416 = arith.addi %mul3A_209, %add3A_415 : i32
        %get3A_417 = arith.index_cast %add3A_416 : i32 to index
        %get3A_418 = arith.constant 16 : index
        %get3A_419 = tpu.vector_load %arg8[%get3A_417, %get3A_418] {strides = array<i32>} : memref<200x64xf32, #tpu.memory_space<vmem>>, vector<1x16xf32>,
        %get3A_420 = vector.shape_cast %get3A_419 : vector<1x16xf32> to vector<16xf32>
        %mul3A_421 = arith.constant 8.000000e+00 : f32
        %mul3A_422 = vector.broadcast %mul3A_421 : f32 to vector<16xf32>
        %mul3A_423 = arith.mulf %get3A_420, %mul3A_422 : vector<16xf32>
        %add3A_424 = arith.constant 2 : i32
        %add3A_425 = arith.addi %mul3A_209, %add3A_424 : i32
        %get3A_426 = arith.index_cast %add3A_425 : i32 to index
        %get3A_427 = arith.constant 16 : index
        %get3A_428 = tpu.vector_load %arg7[%get3A_426, %get3A_427] {strides = array<i32>} : memref<200x64xf32, #tpu.memory_space<vmem>>, vector<1x16xf32>,
        %get3A_429 = vector.shape_cast %get3A_428 : vector<1x16xf32> to vector<16xf32>
        %add3A_430 = arith.addf %mul3A_423, %get3A_429 : vector<16xf32>
        %add3A_431 = arith.constant 2 : i32
        %add3A_432 = arith.addi %mul3A_209, %add3A_431 : i32
        %swap3A_433 = arith.index_cast %add3A_432 : i32 to index
        %swap3A_434 = arith.constant 16 : index
        %swap3A_435 = tpu.vector_load %arg12[%swap3A_433, %swap3A_434] {strides = array<i32>} : memref<200x64xf32, #tpu.memory_space<vmem>>, vector<1x16xf32>,
        %swap3A_436 = vector.shape_cast %swap3A_435 : vector<1x16xf32> to vector<16xf32>
        %swap3A_437 = vector.shape_cast %add3A_430 : vector<16xf32> to vector<1x16xf32>
        tpu.vector_store %arg12[%swap3A_433, %swap3A_434], %swap3A_437 {strides = array<i32>} : memref<200x64xf32, #tpu.memory_space<vmem>>, vector<1x16xf32>,
        %add3A_438 = arith.constant 2 : i32
        %add3A_439 = arith.addi %mul3A_209, %add3A_438 : i32
        %get3A_440 = arith.index_cast %add3A_439 : i32 to index
        %get3A_441 = arith.constant 32 : index
        %get3A_442 = tpu.vector_load %arg8[%get3A_440, %get3A_441] {strides = array<i32>} : memref<200x64xf32, #tpu.memory_space<vmem>>, vector<1x16xf32>,
        %get3A_443 = vector.shape_cast %get3A_442 : vector<1x16xf32> to vector<16xf32>
        %mul3A_444 = arith.constant 8.000000e+00 : f32
        %mul3A_445 = vector.broadcast %mul3A_444 : f32 to vector<16xf32>
        %mul3A_446 = arith.mulf %get3A_443, %mul3A_445 : vector<16xf32>
        %add3A_447 = arith.constant 2 : i32
        %add3A_448 = arith.addi %mul3A_209, %add3A_447 : i32
        %get3A_449 = arith.index_cast %add3A_448 : i32 to index
        %get3A_450 = arith.constant 32 : index
        %get3A_451 = tpu.vector_load %arg7[%get3A_449, %get3A_450] {strides = array<i32>} : memref<200x64xf32, #tpu.memory_space<vmem>>, vector<1x16xf32>,
        %get3A_452 = vector.shape_cast %get3A_451 : vector<1x16xf32> to vector<16xf32>
        %add3A_453 = arith.addf %mul3A_446, %get3A_452 : vector<16xf32>
        %add3A_454 = arith.constant 2 : i32
        %add3A_455 = arith.addi %mul3A_209, %add3A_454 : i32
        %swap3A_456 = arith.index_cast %add3A_455 : i32 to index
        %swap3A_457 = arith.constant 32 : index
        %swap3A_458 = tpu.vector_load %arg12[%swap3A_456, %swap3A_457] {strides = array<i32>} : memref<200x64xf32, #tpu.memory_space<vmem>>, vector<1x16xf32>,
        %swap3A_459 = vector.shape_cast %swap3A_458 : vector<1x16xf32> to vector<16xf32>
        %swap3A_460 = vector.shape_cast %add3A_453 : vector<16xf32> to vector<1x16xf32>
        tpu.vector_store %arg12[%swap3A_456, %swap3A_457], %swap3A_460 {strides = array<i32>} : memref<200x64xf32, #tpu.memory_space<vmem>>, vector<1x16xf32>,
        %add3A_461 = arith.constant 2 : i32
        %add3A_462 = arith.addi %mul3A_209, %add3A_461 : i32
        %get3A_463 = arith.index_cast %add3A_462 : i32 to index
        %get3A_464 = arith.constant 48 : index
        %get3A_465 = tpu.vector_load %arg8[%get3A_463, %get3A_464] {strides = array<i32>} : memref<200x64xf32, #tpu.memory_space<vmem>>, vector<1x16xf32>,
        %get3A_466 = vector.shape_cast %get3A_465 : vector<1x16xf32> to vector<16xf32>
        %mul3A_467 = arith.constant 8.000000e+00 : f32
        %mul3A_468 = vector.broadcast %mul3A_467 : f32 to vector<16xf32>
        %mul3A_469 = arith.mulf %get3A_466, %mul3A_468 : vector<16xf32>
        %add3A_470 = arith.constant 2 : i32
        %add3A_471 = arith.addi %mul3A_209, %add3A_470 : i32
        %get3A_472 = arith.index_cast %add3A_471 : i32 to index
        %get3A_473 = arith.constant 48 : index
        %get3A_474 = tpu.vector_load %arg7[%get3A_472, %get3A_473] {strides = array<i32>} : memref<200x64xf32, #tpu.memory_space<vmem>>, vector<1x16xf32>,
        %get3A_475 = vector.shape_cast %get3A_474 : vector<1x16xf32> to vector<16xf32>
        %add3A_476 = arith.addf %mul3A_469, %get3A_475 : vector<16xf32>
        %add3A_477 = arith.constant 2 : i32
        %add3A_478 = arith.addi %mul3A_209, %add3A_477 : i32
        %swap3A_479 = arith.index_cast %add3A_478 : i32 to index
        %swap3A_480 = arith.constant 48 : index
        %swap3A_481 = tpu.vector_load %arg12[%swap3A_479, %swap3A_480] {strides = array<i32>} : memref<200x64xf32, #tpu.memory_space<vmem>>, vector<1x16xf32>,
        %swap3A_482 = vector.shape_cast %swap3A_481 : vector<1x16xf32> to vector<16xf32>
        %swap3A_483 = vector.shape_cast %add3A_476 : vector<16xf32> to vector<1x16xf32>
        tpu.vector_store %arg12[%swap3A_479, %swap3A_480], %swap3A_483 {strides = array<i32>} : memref<200x64xf32, #tpu.memory_space<vmem>>, vector<1x16xf32>,
        %add3A_484 = arith.constant 3 : i32
        %add3A_485 = arith.addi %mul3A_209, %add3A_484 : i32
        %get3A_486 = arith.index_cast %add3A_485 : i32 to index
        %get3A_487 = arith.constant 0 : index
        %get3A_488 = tpu.vector_load %arg8[%get3A_486, %get3A_487] {strides = array<i32>} : memref<200x64xf32, #tpu.memory_space<vmem>>, vector<1x16xf32>,
        %get3A_489 = vector.shape_cast %get3A_488 : vector<1x16xf32> to vector<16xf32>
        %mul3A_490 = arith.constant 8.000000e+00 : f32
        %mul3A_491 = vector.broadcast %mul3A_490 : f32 to vector<16xf32>
        %mul3A_492 = arith.mulf %get3A_489, %mul3A_491 : vector<16xf32>
        %add3A_493 = arith.constant 3 : i32
        %add3A_494 = arith.addi %mul3A_209, %add3A_493 : i32
        %get3A_495 = arith.index_cast %add3A_494 : i32 to index
        %get3A_496 = arith.constant 0 : index
        %get3A_497 = tpu.vector_load %arg7[%get3A_495, %get3A_496] {strides = array<i32>} : memref<200x64xf32, #tpu.memory_space<vmem>>, vector<1x16xf32>,
        %get3A_498 = vector.shape_cast %get3A_497 : vector<1x16xf32> to vector<16xf32>
        %add3A_499 = arith.addf %mul3A_492, %get3A_498 : vector<16xf32>
        %add3A_500 = arith.constant 3 : i32
        %add3A_501 = arith.addi %mul3A_209, %add3A_500 : i32
        %swap3A_502 = arith.index_cast %add3A_501 : i32 to index
        %swap3A_503 = arith.constant 0 : index
        %swap3A_504 = tpu.vector_load %arg12[%swap3A_502, %swap3A_503] {strides = array<i32>} : memref<200x64xf32, #tpu.memory_space<vmem>>, vector<1x16xf32>,
        %swap3A_505 = vector.shape_cast %swap3A_504 : vector<1x16xf32> to vector<16xf32>
        %swap3A_506 = vector.shape_cast %add3A_499 : vector<16xf32> to vector<1x16xf32>
        tpu.vector_store %arg12[%swap3A_502, %swap3A_503], %swap3A_506 {strides = array<i32>} : memref<200x64xf32, #tpu.memory_space<vmem>>, vector<1x16xf32>,
        %add3A_507 = arith.constant 3 : i32
        %add3A_508 = arith.addi %mul3A_209, %add3A_507 : i32
        %get3A_509 = arith.index_cast %add3A_508 : i32 to index
        %get3A_510 = arith.constant 16 : index
        %get3A_511 = tpu.vector_load %arg8[%get3A_509, %get3A_510] {strides = array<i32>} : memref<200x64xf32, #tpu.memory_space<vmem>>, vector<1x16xf32>,
        %get3A_512 = vector.shape_cast %get3A_511 : vector<1x16xf32> to vector<16xf32>
        %mul3A_513 = arith.constant 8.000000e+00 : f32
        %mul3A_514 = vector.broadcast %mul3A_513 : f32 to vector<16xf32>
        %mul3A_515 = arith.mulf %get3A_512, %mul3A_514 : vector<16xf32>
        %add3A_516 = arith.constant 3 : i32
        %add3A_517 = arith.addi %mul3A_209, %add3A_516 : i32
        %get3A_518 = arith.index_cast %add3A_517 : i32 to index
        %get3A_519 = arith.constant 16 : index
        %get3A_520 = tpu.vector_load %arg7[%get3A_518, %get3A_519] {strides = array<i32>} : memref<200x64xf32, #tpu.memory_space<vmem>>, vector<1x16xf32>,
        %get3A_521 = vector.shape_cast %get3A_520 : vector<1x16xf32> to vector<16xf32>
        %add3A_522 = arith.addf %mul3A_515, %get3A_521 : vector<16xf32>
        %add3A_523 = arith.constant 3 : i32
        %add3A_524 = arith.addi %mul3A_209, %add3A_523 : i32
        %swap3A_525 = arith.index_cast %add3A_524 : i32 to index
        %swap3A_526 = arith.constant 16 : index
        %swap3A_527 = tpu.vector_load %arg12[%swap3A_525, %swap3A_526] {strides = array<i32>} : memref<200x64xf32, #tpu.memory_space<vmem>>, vector<1x16xf32>,
        %swap3A_528 = vector.shape_cast %swap3A_527 : vector<1x16xf32> to vector<16xf32>
        %swap3A_529 = vector.shape_cast %add3A_522 : vector<16xf32> to vector<1x16xf32>
        tpu.vector_store %arg12[%swap3A_525, %swap3A_526], %swap3A_529 {strides = array<i32>} : memref<200x64xf32, #tpu.memory_space<vmem>>, vector<1x16xf32>,
        %add3A_530 = arith.constant 3 : i32
        %add3A_531 = arith.addi %mul3A_209, %add3A_530 : i32
        %get3A_532 = arith.index_cast %add3A_531 : i32 to index
        %get3A_533 = arith.constant 32 : index
        %get3A_534 = tpu.vector_load %arg8[%get3A_532, %get3A_533] {strides = array<i32>} : memref<200x64xf32, #tpu.memory_space<vmem>>, vector<1x16xf32>,
        %get3A_535 = vector.shape_cast %get3A_534 : vector<1x16xf32> to vector<16xf32>
        %mul3A_536 = arith.constant 8.000000e+00 : f32
        %mul3A_537 = vector.broadcast %mul3A_536 : f32 to vector<16xf32>
        %mul3A_538 = arith.mulf %get3A_535, %mul3A_537 : vector<16xf32>
        %add3A_539 = arith.constant 3 : i32
        %add3A_540 = arith.addi %mul3A_209, %add3A_539 : i32
        %get3A_541 = arith.index_cast %add3A_540 : i32 to index
        %get3A_542 = arith.constant 32 : index
        %get3A_543 = tpu.vector_load %arg7[%get3A_541, %get3A_542] {strides = array<i32>} : memref<200x64xf32, #tpu.memory_space<vmem>>, vector<1x16xf32>,
        %get3A_544 = vector.shape_cast %get3A_543 : vector<1x16xf32> to vector<16xf32>
        %add3A_545 = arith.addf %mul3A_538, %get3A_544 : vector<16xf32>
        %add3A_546 = arith.constant 3 : i32
        %add3A_547 = arith.addi %mul3A_209, %add3A_546 : i32
        %swap3A_548 = arith.index_cast %add3A_547 : i32 to index
        %swap3A_549 = arith.constant 32 : index
        %swap3A_550 = tpu.vector_load %arg12[%swap3A_548, %swap3A_549] {strides = array<i32>} : memref<200x64xf32, #tpu.memory_space<vmem>>, vector<1x16xf32>,
        %swap3A_551 = vector.shape_cast %swap3A_550 : vector<1x16xf32> to vector<16xf32>
        %swap3A_552 = vector.shape_cast %add3A_545 : vector<16xf32> to vector<1x16xf32>
        tpu.vector_store %arg12[%swap3A_548, %swap3A_549], %swap3A_552 {strides = array<i32>} : memref<200x64xf32, #tpu.memory_space<vmem>>, vector<1x16xf32>,
        %add3A_553 = arith.constant 3 : i32
        %add3A_554 = arith.addi %mul3A_209, %add3A_553 : i32
        %get3A_555 = arith.index_cast %add3A_554 : i32 to index
        %get3A_556 = arith.constant 48 : index
        %get3A_557 = tpu.vector_load %arg8[%get3A_555, %get3A_556] {strides = array<i32>} : memref<200x64xf32, #tpu.memory_space<vmem>>, vector<1x16xf32>,
        %get3A_558 = vector.shape_cast %get3A_557 : vector<1x16xf32> to vector<16xf32>
        %mul3A_559 = arith.constant 8.000000e+00 : f32
        %mul3A_560 = vector.broadcast %mul3A_559 : f32 to vector<16xf32>
        %mul3A_561 = arith.mulf %get3A_558, %mul3A_560 : vector<16xf32>
        %add3A_562 = arith.constant 3 : i32
        %add3A_563 = arith.addi %mul3A_209, %add3A_562 : i32
        %get3A_564 = arith.index_cast %add3A_563 : i32 to index
        %get3A_565 = arith.constant 48 : index
        %get3A_566 = tpu.vector_load %arg7[%get3A_564, %get3A_565] {strides = array<i32>} : memref<200x64xf32, #tpu.memory_space<vmem>>, vector<1x16xf32>,
        %get3A_567 = vector.shape_cast %get3A_566 : vector<1x16xf32> to vector<16xf32>
        %add3A_568 = arith.addf %mul3A_561, %get3A_567 : vector<16xf32>
        %add3A_569 = arith.constant 3 : i32
        %add3A_570 = arith.addi %mul3A_209, %add3A_569 : i32
        %swap3A_571 = arith.index_cast %add3A_570 : i32 to index
        %swap3A_572 = arith.constant 48 : index
        %swap3A_573 = tpu.vector_load %arg12[%swap3A_571, %swap3A_572] {strides = array<i32>} : memref<200x64xf32, #tpu.memory_space<vmem>>, vector<1x16xf32>,
        %swap3A_574 = vector.shape_cast %swap3A_573 : vector<1x16xf32> to vector<16xf32>
        %swap3A_575 = vector.shape_cast %add3A_568 : vector<16xf32> to vector<1x16xf32>
        tpu.vector_store %arg12[%swap3A_571, %swap3A_572], %swap3A_575 {strides = array<i32>} : memref<200x64xf32, #tpu.memory_space<vmem>>, vector<1x16xf32>,
      }
      %scan3A_85 = arith.constant 50 : i32
      %lt3A = arith.constant 7 : i32
      %lt3A_86 = arith.cmpi slt, %scan3A_66, %lt3A : i32
      %convert_element_type3A_87 = arith.extui %lt3A_86 : i1 to i32
      %cond3A_88 = arith.constant 0 : i32
      %cond3A_89 = arith.cmpi ne, %convert_element_type3A_87, %cond3A_88 : i32
      scf.if %cond3A_89 {
        %add3A_207 = arith.constant 4 : i32
        %add3A_208 = arith.addi %add3A_70, %add3A_207 : i32
        %dma_start3A_209 = arith.constant 0 : i32
        %dma_start3A_210 = tpu.memref_slice %arg6[%add3A_208, %dma_start3A_209] : memref<32x200xi32, #tpu.memory_space<vmem>> -> memref<1x200xi32, #tpu.memory_space<vmem>>
        %dma_start3A_211 = tpu.memref_squeeze %dma_start3A_210 : memref<1x200xi32, #tpu.memory_space<vmem>> -> memref<200xi32, #tpu.memory_space<vmem>>
        %dma_start3A_212 = arith.constant 0 : i32
        %dma_start3A_213 = arith.constant 0 : i32
        %dma_start3A_214 = tpu.memref_slice %arg3[%dma_start3A_212, %dma_start3A_213] : memref<1000000x64xf32, #tpu.memory_space<hbm>> -> memref<1000000x64xf32, #tpu.memory_space<hbm>>
        tpu.enqueue_indirect_dma source(%dma_start3A_214 : memref<1000000x64xf32, #tpu.memory_space<hbm>>) target(%arg8 : memref<200x64xf32, #tpu.memory_space<vmem>>) offsets(%dma_start3A_211 : memref<200xi32, #tpu.memory_space<vmem>>) semaphore(%arg16 : memref<!tpu.dma_semaphore, #tpu.memory_space<semaphore_mem>>)
      } else {
      }
      %add3A_90 = arith.addi %mul3A_2, %add3A_70 : i32
      %dma_start3A_91 = arith.constant 0 : i32
      %dma_start3A_92 = arith.constant 0 : i32
      %dma_start3A_93 = tpu.memref_slice %arg5[%add3A_90, %dma_start3A_91, %dma_start3A_92] : memref<1024x200x64xf32, #tpu.memory_space<hbm>> -> memref<1x200x64xf32, #tpu.memory_space<hbm>>
      %dma_start3A_94 = tpu.memref_squeeze %dma_start3A_93 : memref<1x200x64xf32, #tpu.memory_space<hbm>> -> memref<200x64xf32, #tpu.memory_space<hbm>>
      %dma_start3A_95 = arith.constant 0 : i32
      %dma_start3A_96 = arith.constant 0 : i32
      %dma_start3A_97 = tpu.memref_slice %arg5[%add3A_90, %dma_start3A_95, %dma_start3A_96] : memref<1024x200x64xf32, #tpu.memory_space<hbm>> -> memref<1x200x64xf32, #tpu.memory_space<hbm>>
      %dma_start3A_98 = tpu.memref_squeeze %dma_start3A_97 : memref<1x200x64xf32, #tpu.memory_space<hbm>> -> memref<200x64xf32, #tpu.memory_space<hbm>>
      tpu.enqueue_dma source(%arg12 : memref<200x64xf32, #tpu.memory_space<vmem>>) target(%dma_start3A_98 : memref<200x64xf32, #tpu.memory_space<hbm>>) target_semaphore(%arg20 : memref<!tpu.dma_semaphore, #tpu.memory_space<semaphore_mem>>)
      %mul3A_99 = arith.constant 4 : i32
      %mul3A_100 = arith.muli %scan3A_66, %mul3A_99 : i32
      %add3A_101 = arith.constant 1 : i32
      %add3A_102 = arith.addi %mul3A_100, %add3A_101 : i32
      %dma_wait3A_103 = arith.constant 0 : i32
      %dma_wait3A_104 = arith.constant 0 : i32
      %dma_wait3A_105 = tpu.memref_slice %arg6[%dma_wait3A_103, %dma_wait3A_104] : memref<32x200xi32, #tpu.memory_space<vmem>> -> memref<1x200xi32, #tpu.memory_space<vmem>>
      %dma_wait3A_106 = tpu.memref_squeeze %dma_wait3A_105 : memref<1x200xi32, #tpu.memory_space<vmem>> -> memref<200xi32, #tpu.memory_space<vmem>>
      %dma_wait3A_107 = arith.constant 0 : i32
      %dma_wait3A_108 = arith.constant 0 : i32
      %dma_wait3A_109 = tpu.memref_slice %arg3[%dma_wait3A_107, %dma_wait3A_108] : memref<1000000x64xf32, #tpu.memory_space<hbm>> -> memref<1000000x64xf32, #tpu.memory_space<hbm>>
      tpu.wait_indirect_dma semaphore(%arg17 : memref<!tpu.dma_semaphore, #tpu.memory_space<semaphore_mem>>) src(%dma_wait3A_109 : memref<1000000x64xf32, #tpu.memory_space<hbm>>) dst(%arg9 : memref<200x64xf32, #tpu.memory_space<vmem>>)
      %gt3A_110 = arith.constant 0 : i32
      %gt3A_111 = arith.cmpi sgt, %scan3A_66, %gt3A_110 : i32
      %convert_element_type3A_112 = arith.extui %gt3A_111 : i1 to i32
      %cond3A_113 = arith.constant 0 : i32
      %cond3A_114 = arith.cmpi ne, %convert_element_type3A_112, %cond3A_113 : i32
      scf.if %cond3A_114 {
        %dma_wait3A_207 = arith.constant 0 : i32
        %dma_wait3A_208 = arith.constant 0 : i32
        %dma_wait3A_209 = tpu.memref_slice %arg5[%mul3A_2, %dma_wait3A_207, %dma_wait3A_208] : memref<1024x200x64xf32, #tpu.memory_space<hbm>> -> memref<1x200x64xf32, #tpu.memory_space<hbm>>
        %dma_wait3A_210 = tpu.memref_squeeze %dma_wait3A_209 : memref<1x200x64xf32, #tpu.memory_space<hbm>> -> memref<200x64xf32, #tpu.memory_space<hbm>>
        %dma_wait3A_211 = arith.constant 0 : i32
        %dma_wait3A_212 = arith.constant 0 : i32
        %dma_wait3A_213 = tpu.memref_slice %arg5[%mul3A_2, %dma_wait3A_211, %dma_wait3A_212] : memref<1024x200x64xf32, #tpu.memory_space<hbm>> -> memref<1x200x64xf32, #tpu.memory_space<hbm>>
        %dma_wait3A_214 = tpu.memref_squeeze %dma_wait3A_213 : memref<1x200x64xf32, #tpu.memory_space<hbm>> -> memref<200x64xf32, #tpu.memory_space<hbm>>
        tpu.wait_dma2 semaphore(%arg21 : memref<!tpu.dma_semaphore, #tpu.memory_space<semaphore_mem>>) src(%arg13 : memref<200x64xf32, #tpu.memory_space<vmem>>) dst(%dma_wait3A_214 : memref<200x64xf32, #tpu.memory_space<hbm>>)
      } else {
      }
      %scan3A_115 = arith.constant 0 : i32
      %scan3A_116 = arith.constant 0 : i32
      %scan3A_117 = arith.constant 50 : i32
      %scan3A_118 = arith.addi %scan3A_116, %scan3A_117 : i32
      %scan3A_119 = arith.constant 1 : i32
      scf.for %scan3A_207 = %scan3A_116 to %scan3A_118 step %scan3A_119  : i32 {
        %mul3A_208 = arith.constant 4 : i32
        %mul3A_209 = arith.muli %scan3A_207, %mul3A_208 : i32
        %add3A_210 = arith.constant 0 : i32
        %add3A_211 = arith.addi %mul3A_209, %add3A_210 : i32
        %get3A = arith.index_cast %add3A_211 : i32 to index
        %get3A_212 = arith.constant 0 : index
        %get3A_213 = tpu.vector_load %arg9[%get3A, %get3A_212] {strides = array<i32>} : memref<200x64xf32, #tpu.memory_space<vmem>>, vector<1x16xf32>,
        %get3A_214 = vector.shape_cast %get3A_213 : vector<1x16xf32> to vector<16xf32>
        %mul3A_215 = arith.constant 8.000000e+00 : f32
        %mul3A_216 = vector.broadcast %mul3A_215 : f32 to vector<16xf32>
        %mul3A_217 = arith.mulf %get3A_214, %mul3A_216 : vector<16xf32>
        %add3A_218 = arith.constant 0 : i32
        %add3A_219 = arith.addi %mul3A_209, %add3A_218 : i32
        %get3A_220 = arith.index_cast %add3A_219 : i32 to index
        %get3A_221 = arith.constant 0 : index
        %get3A_222 = tpu.vector_load %arg7[%get3A_220, %get3A_221] {strides = array<i32>} : memref<200x64xf32, #tpu.memory_space<vmem>>, vector<1x16xf32>,
        %get3A_223 = vector.shape_cast %get3A_222 : vector<1x16xf32> to vector<16xf32>
        %add3A_224 = arith.addf %mul3A_217, %get3A_223 : vector<16xf32>
        %add3A_225 = arith.constant 0 : i32
        %add3A_226 = arith.addi %mul3A_209, %add3A_225 : i32
        %swap3A = arith.index_cast %add3A_226 : i32 to index
        %swap3A_227 = arith.constant 0 : index
        %swap3A_228 = tpu.vector_load %arg13[%swap3A, %swap3A_227] {strides = array<i32>} : memref<200x64xf32, #tpu.memory_space<vmem>>, vector<1x16xf32>,
        %swap3A_229 = vector.shape_cast %swap3A_228 : vector<1x16xf32> to vector<16xf32>
        %swap3A_230 = vector.shape_cast %add3A_224 : vector<16xf32> to vector<1x16xf32>
        tpu.vector_store %arg13[%swap3A, %swap3A_227], %swap3A_230 {strides = array<i32>} : memref<200x64xf32, #tpu.memory_space<vmem>>, vector<1x16xf32>,
        %add3A_231 = arith.constant 0 : i32
        %add3A_232 = arith.addi %mul3A_209, %add3A_231 : i32
        %get3A_233 = arith.index_cast %add3A_232 : i32 to index
        %get3A_234 = arith.constant 16 : index
        %get3A_235 = tpu.vector_load %arg9[%get3A_233, %get3A_234] {strides = array<i32>} : memref<200x64xf32, #tpu.memory_space<vmem>>, vector<1x16xf32>,
        %get3A_236 = vector.shape_cast %get3A_235 : vector<1x16xf32> to vector<16xf32>
        %mul3A_237 = arith.constant 8.000000e+00 : f32
        %mul3A_238 = vector.broadcast %mul3A_237 : f32 to vector<16xf32>
        %mul3A_239 = arith.mulf %get3A_236, %mul3A_238 : vector<16xf32>
        %add3A_240 = arith.constant 0 : i32
        %add3A_241 = arith.addi %mul3A_209, %add3A_240 : i32
        %get3A_242 = arith.index_cast %add3A_241 : i32 to index
        %get3A_243 = arith.constant 16 : index
        %get3A_244 = tpu.vector_load %arg7[%get3A_242, %get3A_243] {strides = array<i32>} : memref<200x64xf32, #tpu.memory_space<vmem>>, vector<1x16xf32>,
        %get3A_245 = vector.shape_cast %get3A_244 : vector<1x16xf32> to vector<16xf32>
        %add3A_246 = arith.addf %mul3A_239, %get3A_245 : vector<16xf32>
        %add3A_247 = arith.constant 0 : i32
        %add3A_248 = arith.addi %mul3A_209, %add3A_247 : i32
        %swap3A_249 = arith.index_cast %add3A_248 : i32 to index
        %swap3A_250 = arith.constant 16 : index
        %swap3A_251 = tpu.vector_load %arg13[%swap3A_249, %swap3A_250] {strides = array<i32>} : memref<200x64xf32, #tpu.memory_space<vmem>>, vector<1x16xf32>,
        %swap3A_252 = vector.shape_cast %swap3A_251 : vector<1x16xf32> to vector<16xf32>
        %swap3A_253 = vector.shape_cast %add3A_246 : vector<16xf32> to vector<1x16xf32>
        tpu.vector_store %arg13[%swap3A_249, %swap3A_250], %swap3A_253 {strides = array<i32>} : memref<200x64xf32, #tpu.memory_space<vmem>>, vector<1x16xf32>,
        %add3A_254 = arith.constant 0 : i32
        %add3A_255 = arith.addi %mul3A_209, %add3A_254 : i32
        %get3A_256 = arith.index_cast %add3A_255 : i32 to index
        %get3A_257 = arith.constant 32 : index
        %get3A_258 = tpu.vector_load %arg9[%get3A_256, %get3A_257] {strides = array<i32>} : memref<200x64xf32, #tpu.memory_space<vmem>>, vector<1x16xf32>,
        %get3A_259 = vector.shape_cast %get3A_258 : vector<1x16xf32> to vector<16xf32>
        %mul3A_260 = arith.constant 8.000000e+00 : f32
        %mul3A_261 = vector.broadcast %mul3A_260 : f32 to vector<16xf32>
        %mul3A_262 = arith.mulf %get3A_259, %mul3A_261 : vector<16xf32>
        %add3A_263 = arith.constant 0 : i32
        %add3A_264 = arith.addi %mul3A_209, %add3A_263 : i32
        %get3A_265 = arith.index_cast %add3A_264 : i32 to index
        %get3A_266 = arith.constant 32 : index
        %get3A_267 = tpu.vector_load %arg7[%get3A_265, %get3A_266] {strides = array<i32>} : memref<200x64xf32, #tpu.memory_space<vmem>>, vector<1x16xf32>,
        %get3A_268 = vector.shape_cast %get3A_267 : vector<1x16xf32> to vector<16xf32>
        %add3A_269 = arith.addf %mul3A_262, %get3A_268 : vector<16xf32>
        %add3A_270 = arith.constant 0 : i32
        %add3A_271 = arith.addi %mul3A_209, %add3A_270 : i32
        %swap3A_272 = arith.index_cast %add3A_271 : i32 to index
        %swap3A_273 = arith.constant 32 : index
        %swap3A_274 = tpu.vector_load %arg13[%swap3A_272, %swap3A_273] {strides = array<i32>} : memref<200x64xf32, #tpu.memory_space<vmem>>, vector<1x16xf32>,
        %swap3A_275 = vector.shape_cast %swap3A_274 : vector<1x16xf32> to vector<16xf32>
        %swap3A_276 = vector.shape_cast %add3A_269 : vector<16xf32> to vector<1x16xf32>
        tpu.vector_store %arg13[%swap3A_272, %swap3A_273], %swap3A_276 {strides = array<i32>} : memref<200x64xf32, #tpu.memory_space<vmem>>, vector<1x16xf32>,
        %add3A_277 = arith.constant 0 : i32
        %add3A_278 = arith.addi %mul3A_209, %add3A_277 : i32
        %get3A_279 = arith.index_cast %add3A_278 : i32 to index
        %get3A_280 = arith.constant 48 : index
        %get3A_281 = tpu.vector_load %arg9[%get3A_279, %get3A_280] {strides = array<i32>} : memref<200x64xf32, #tpu.memory_space<vmem>>, vector<1x16xf32>,
        %get3A_282 = vector.shape_cast %get3A_281 : vector<1x16xf32> to vector<16xf32>
        %mul3A_283 = arith.constant 8.000000e+00 : f32
        %mul3A_284 = vector.broadcast %mul3A_283 : f32 to vector<16xf32>
        %mul3A_285 = arith.mulf %get3A_282, %mul3A_284 : vector<16xf32>
        %add3A_286 = arith.constant 0 : i32
        %add3A_287 = arith.addi %mul3A_209, %add3A_286 : i32
        %get3A_288 = arith.index_cast %add3A_287 : i32 to index
        %get3A_289 = arith.constant 48 : index
        %get3A_290 = tpu.vector_load %arg7[%get3A_288, %get3A_289] {strides = array<i32>} : memref<200x64xf32, #tpu.memory_space<vmem>>, vector<1x16xf32>,
        %get3A_291 = vector.shape_cast %get3A_290 : vector<1x16xf32> to vector<16xf32>
        %add3A_292 = arith.addf %mul3A_285, %get3A_291 : vector<16xf32>
        %add3A_293 = arith.constant 0 : i32
        %add3A_294 = arith.addi %mul3A_209, %add3A_293 : i32
        %swap3A_295 = arith.index_cast %add3A_294 : i32 to index
        %swap3A_296 = arith.constant 48 : index
        %swap3A_297 = tpu.vector_load %arg13[%swap3A_295, %swap3A_296] {strides = array<i32>} : memref<200x64xf32, #tpu.memory_space<vmem>>, vector<1x16xf32>,
        %swap3A_298 = vector.shape_cast %swap3A_297 : vector<1x16xf32> to vector<16xf32>
        %swap3A_299 = vector.shape_cast %add3A_292 : vector<16xf32> to vector<1x16xf32>
        tpu.vector_store %arg13[%swap3A_295, %swap3A_296], %swap3A_299 {strides = array<i32>} : memref<200x64xf32, #tpu.memory_space<vmem>>, vector<1x16xf32>,
        %add3A_300 = arith.constant 1 : i32
        %add3A_301 = arith.addi %mul3A_209, %add3A_300 : i32
        %get3A_302 = arith.index_cast %add3A_301 : i32 to index
        %get3A_303 = arith.constant 0 : index
        %get3A_304 = tpu.vector_load %arg9[%get3A_302, %get3A_303] {strides = array<i32>} : memref<200x64xf32, #tpu.memory_space<vmem>>, vector<1x16xf32>,
        %get3A_305 = vector.shape_cast %get3A_304 : vector<1x16xf32> to vector<16xf32>
        %mul3A_306 = arith.constant 8.000000e+00 : f32
        %mul3A_307 = vector.broadcast %mul3A_306 : f32 to vector<16xf32>
        %mul3A_308 = arith.mulf %get3A_305, %mul3A_307 : vector<16xf32>
        %add3A_309 = arith.constant 1 : i32
        %add3A_310 = arith.addi %mul3A_209, %add3A_309 : i32
        %get3A_311 = arith.index_cast %add3A_310 : i32 to index
        %get3A_312 = arith.constant 0 : index
        %get3A_313 = tpu.vector_load %arg7[%get3A_311, %get3A_312] {strides = array<i32>} : memref<200x64xf32, #tpu.memory_space<vmem>>, vector<1x16xf32>,
        %get3A_314 = vector.shape_cast %get3A_313 : vector<1x16xf32> to vector<16xf32>
        %add3A_315 = arith.addf %mul3A_308, %get3A_314 : vector<16xf32>
        %add3A_316 = arith.constant 1 : i32
        %add3A_317 = arith.addi %mul3A_209, %add3A_316 : i32
        %swap3A_318 = arith.index_cast %add3A_317 : i32 to index
        %swap3A_319 = arith.constant 0 : index
        %swap3A_320 = tpu.vector_load %arg13[%swap3A_318, %swap3A_319] {strides = array<i32>} : memref<200x64xf32, #tpu.memory_space<vmem>>, vector<1x16xf32>,
        %swap3A_321 = vector.shape_cast %swap3A_320 : vector<1x16xf32> to vector<16xf32>
        %swap3A_322 = vector.shape_cast %add3A_315 : vector<16xf32> to vector<1x16xf32>
        tpu.vector_store %arg13[%swap3A_318, %swap3A_319], %swap3A_322 {strides = array<i32>} : memref<200x64xf32, #tpu.memory_space<vmem>>, vector<1x16xf32>,
        %add3A_323 = arith.constant 1 : i32
        %add3A_324 = arith.addi %mul3A_209, %add3A_323 : i32
        %get3A_325 = arith.index_cast %add3A_324 : i32 to index
        %get3A_326 = arith.constant 16 : index
        %get3A_327 = tpu.vector_load %arg9[%get3A_325, %get3A_326] {strides = array<i32>} : memref<200x64xf32, #tpu.memory_space<vmem>>, vector<1x16xf32>,
        %get3A_328 = vector.shape_cast %get3A_327 : vector<1x16xf32> to vector<16xf32>
        %mul3A_329 = arith.constant 8.000000e+00 : f32
        %mul3A_330 = vector.broadcast %mul3A_329 : f32 to vector<16xf32>
        %mul3A_331 = arith.mulf %get3A_328, %mul3A_330 : vector<16xf32>
        %add3A_332 = arith.constant 1 : i32
        %add3A_333 = arith.addi %mul3A_209, %add3A_332 : i32
        %get3A_334 = arith.index_cast %add3A_333 : i32 to index
        %get3A_335 = arith.constant 16 : index
        %get3A_336 = tpu.vector_load %arg7[%get3A_334, %get3A_335] {strides = array<i32>} : memref<200x64xf32, #tpu.memory_space<vmem>>, vector<1x16xf32>,
        %get3A_337 = vector.shape_cast %get3A_336 : vector<1x16xf32> to vector<16xf32>
        %add3A_338 = arith.addf %mul3A_331, %get3A_337 : vector<16xf32>
        %add3A_339 = arith.constant 1 : i32
        %add3A_340 = arith.addi %mul3A_209, %add3A_339 : i32
        %swap3A_341 = arith.index_cast %add3A_340 : i32 to index
        %swap3A_342 = arith.constant 16 : index
        %swap3A_343 = tpu.vector_load %arg13[%swap3A_341, %swap3A_342] {strides = array<i32>} : memref<200x64xf32, #tpu.memory_space<vmem>>, vector<1x16xf32>,
        %swap3A_344 = vector.shape_cast %swap3A_343 : vector<1x16xf32> to vector<16xf32>
        %swap3A_345 = vector.shape_cast %add3A_338 : vector<16xf32> to vector<1x16xf32>
        tpu.vector_store %arg13[%swap3A_341, %swap3A_342], %swap3A_345 {strides = array<i32>} : memref<200x64xf32, #tpu.memory_space<vmem>>, vector<1x16xf32>,
        %add3A_346 = arith.constant 1 : i32
        %add3A_347 = arith.addi %mul3A_209, %add3A_346 : i32
        %get3A_348 = arith.index_cast %add3A_347 : i32 to index
        %get3A_349 = arith.constant 32 : index
        %get3A_350 = tpu.vector_load %arg9[%get3A_348, %get3A_349] {strides = array<i32>} : memref<200x64xf32, #tpu.memory_space<vmem>>, vector<1x16xf32>,
        %get3A_351 = vector.shape_cast %get3A_350 : vector<1x16xf32> to vector<16xf32>
        %mul3A_352 = arith.constant 8.000000e+00 : f32
        %mul3A_353 = vector.broadcast %mul3A_352 : f32 to vector<16xf32>
        %mul3A_354 = arith.mulf %get3A_351, %mul3A_353 : vector<16xf32>
        %add3A_355 = arith.constant 1 : i32
        %add3A_356 = arith.addi %mul3A_209, %add3A_355 : i32
        %get3A_357 = arith.index_cast %add3A_356 : i32 to index
        %get3A_358 = arith.constant 32 : index
        %get3A_359 = tpu.vector_load %arg7[%get3A_357, %get3A_358] {strides = array<i32>} : memref<200x64xf32, #tpu.memory_space<vmem>>, vector<1x16xf32>,
        %get3A_360 = vector.shape_cast %get3A_359 : vector<1x16xf32> to vector<16xf32>
        %add3A_361 = arith.addf %mul3A_354, %get3A_360 : vector<16xf32>
        %add3A_362 = arith.constant 1 : i32
        %add3A_363 = arith.addi %mul3A_209, %add3A_362 : i32
        %swap3A_364 = arith.index_cast %add3A_363 : i32 to index
        %swap3A_365 = arith.constant 32 : index
        %swap3A_366 = tpu.vector_load %arg13[%swap3A_364, %swap3A_365] {strides = array<i32>} : memref<200x64xf32, #tpu.memory_space<vmem>>, vector<1x16xf32>,
        %swap3A_367 = vector.shape_cast %swap3A_366 : vector<1x16xf32> to vector<16xf32>
        %swap3A_368 = vector.shape_cast %add3A_361 : vector<16xf32> to vector<1x16xf32>
        tpu.vector_store %arg13[%swap3A_364, %swap3A_365], %swap3A_368 {strides = array<i32>} : memref<200x64xf32, #tpu.memory_space<vmem>>, vector<1x16xf32>,
        %add3A_369 = arith.constant 1 : i32
        %add3A_370 = arith.addi %mul3A_209, %add3A_369 : i32
        %get3A_371 = arith.index_cast %add3A_370 : i32 to index
        %get3A_372 = arith.constant 48 : index
        %get3A_373 = tpu.vector_load %arg9[%get3A_371, %get3A_372] {strides = array<i32>} : memref<200x64xf32, #tpu.memory_space<vmem>>, vector<1x16xf32>,
        %get3A_374 = vector.shape_cast %get3A_373 : vector<1x16xf32> to vector<16xf32>
        %mul3A_375 = arith.constant 8.000000e+00 : f32
        %mul3A_376 = vector.broadcast %mul3A_375 : f32 to vector<16xf32>
        %mul3A_377 = arith.mulf %get3A_374, %mul3A_376 : vector<16xf32>
        %add3A_378 = arith.constant 1 : i32
        %add3A_379 = arith.addi %mul3A_209, %add3A_378 : i32
        %get3A_380 = arith.index_cast %add3A_379 : i32 to index
        %get3A_381 = arith.constant 48 : index
        %get3A_382 = tpu.vector_load %arg7[%get3A_380, %get3A_381] {strides = array<i32>} : memref<200x64xf32, #tpu.memory_space<vmem>>, vector<1x16xf32>,
        %get3A_383 = vector.shape_cast %get3A_382 : vector<1x16xf32> to vector<16xf32>
        %add3A_384 = arith.addf %mul3A_377, %get3A_383 : vector<16xf32>
        %add3A_385 = arith.constant 1 : i32
        %add3A_386 = arith.addi %mul3A_209, %add3A_385 : i32
        %swap3A_387 = arith.index_cast %add3A_386 : i32 to index
        %swap3A_388 = arith.constant 48 : index
        %swap3A_389 = tpu.vector_load %arg13[%swap3A_387, %swap3A_388] {strides = array<i32>} : memref<200x64xf32, #tpu.memory_space<vmem>>, vector<1x16xf32>,
        %swap3A_390 = vector.shape_cast %swap3A_389 : vector<1x16xf32> to vector<16xf32>
        %swap3A_391 = vector.shape_cast %add3A_384 : vector<16xf32> to vector<1x16xf32>
        tpu.vector_store %arg13[%swap3A_387, %swap3A_388], %swap3A_391 {strides = array<i32>} : memref<200x64xf32, #tpu.memory_space<vmem>>, vector<1x16xf32>,
        %add3A_392 = arith.constant 2 : i32
        %add3A_393 = arith.addi %mul3A_209, %add3A_392 : i32
        %get3A_394 = arith.index_cast %add3A_393 : i32 to index
        %get3A_395 = arith.constant 0 : index
        %get3A_396 = tpu.vector_load %arg9[%get3A_394, %get3A_395] {strides = array<i32>} : memref<200x64xf32, #tpu.memory_space<vmem>>, vector<1x16xf32>,
        %get3A_397 = vector.shape_cast %get3A_396 : vector<1x16xf32> to vector<16xf32>
        %mul3A_398 = arith.constant 8.000000e+00 : f32
        %mul3A_399 = vector.broadcast %mul3A_398 : f32 to vector<16xf32>
        %mul3A_400 = arith.mulf %get3A_397, %mul3A_399 : vector<16xf32>
        %add3A_401 = arith.constant 2 : i32
        %add3A_402 = arith.addi %mul3A_209, %add3A_401 : i32
        %get3A_403 = arith.index_cast %add3A_402 : i32 to index
        %get3A_404 = arith.constant 0 : index
        %get3A_405 = tpu.vector_load %arg7[%get3A_403, %get3A_404] {strides = array<i32>} : memref<200x64xf32, #tpu.memory_space<vmem>>, vector<1x16xf32>,
        %get3A_406 = vector.shape_cast %get3A_405 : vector<1x16xf32> to vector<16xf32>
        %add3A_407 = arith.addf %mul3A_400, %get3A_406 : vector<16xf32>
        %add3A_408 = arith.constant 2 : i32
        %add3A_409 = arith.addi %mul3A_209, %add3A_408 : i32
        %swap3A_410 = arith.index_cast %add3A_409 : i32 to index
        %swap3A_411 = arith.constant 0 : index
        %swap3A_412 = tpu.vector_load %arg13[%swap3A_410, %swap3A_411] {strides = array<i32>} : memref<200x64xf32, #tpu.memory_space<vmem>>, vector<1x16xf32>,
        %swap3A_413 = vector.shape_cast %swap3A_412 : vector<1x16xf32> to vector<16xf32>
        %swap3A_414 = vector.shape_cast %add3A_407 : vector<16xf32> to vector<1x16xf32>
        tpu.vector_store %arg13[%swap3A_410, %swap3A_411], %swap3A_414 {strides = array<i32>} : memref<200x64xf32, #tpu.memory_space<vmem>>, vector<1x16xf32>,
        %add3A_415 = arith.constant 2 : i32
        %add3A_416 = arith.addi %mul3A_209, %add3A_415 : i32
        %get3A_417 = arith.index_cast %add3A_416 : i32 to index
        %get3A_418 = arith.constant 16 : index
        %get3A_419 = tpu.vector_load %arg9[%get3A_417, %get3A_418] {strides = array<i32>} : memref<200x64xf32, #tpu.memory_space<vmem>>, vector<1x16xf32>,
        %get3A_420 = vector.shape_cast %get3A_419 : vector<1x16xf32> to vector<16xf32>
        %mul3A_421 = arith.constant 8.000000e+00 : f32
        %mul3A_422 = vector.broadcast %mul3A_421 : f32 to vector<16xf32>
        %mul3A_423 = arith.mulf %get3A_420, %mul3A_422 : vector<16xf32>
        %add3A_424 = arith.constant 2 : i32
        %add3A_425 = arith.addi %mul3A_209, %add3A_424 : i32
        %get3A_426 = arith.index_cast %add3A_425 : i32 to index
        %get3A_427 = arith.constant 16 : index
        %get3A_428 = tpu.vector_load %arg7[%get3A_426, %get3A_427] {strides = array<i32>} : memref<200x64xf32, #tpu.memory_space<vmem>>, vector<1x16xf32>,
        %get3A_429 = vector.shape_cast %get3A_428 : vector<1x16xf32> to vector<16xf32>
        %add3A_430 = arith.addf %mul3A_423, %get3A_429 : vector<16xf32>
        %add3A_431 = arith.constant 2 : i32
        %add3A_432 = arith.addi %mul3A_209, %add3A_431 : i32
        %swap3A_433 = arith.index_cast %add3A_432 : i32 to index
        %swap3A_434 = arith.constant 16 : index
        %swap3A_435 = tpu.vector_load %arg13[%swap3A_433, %swap3A_434] {strides = array<i32>} : memref<200x64xf32, #tpu.memory_space<vmem>>, vector<1x16xf32>,
        %swap3A_436 = vector.shape_cast %swap3A_435 : vector<1x16xf32> to vector<16xf32>
        %swap3A_437 = vector.shape_cast %add3A_430 : vector<16xf32> to vector<1x16xf32>
        tpu.vector_store %arg13[%swap3A_433, %swap3A_434], %swap3A_437 {strides = array<i32>} : memref<200x64xf32, #tpu.memory_space<vmem>>, vector<1x16xf32>,
        %add3A_438 = arith.constant 2 : i32
        %add3A_439 = arith.addi %mul3A_209, %add3A_438 : i32
        %get3A_440 = arith.index_cast %add3A_439 : i32 to index
        %get3A_441 = arith.constant 32 : index
        %get3A_442 = tpu.vector_load %arg9[%get3A_440, %get3A_441] {strides = array<i32>} : memref<200x64xf32, #tpu.memory_space<vmem>>, vector<1x16xf32>,
        %get3A_443 = vector.shape_cast %get3A_442 : vector<1x16xf32> to vector<16xf32>
        %mul3A_444 = arith.constant 8.000000e+00 : f32
        %mul3A_445 = vector.broadcast %mul3A_444 : f32 to vector<16xf32>
        %mul3A_446 = arith.mulf %get3A_443, %mul3A_445 : vector<16xf32>
        %add3A_447 = arith.constant 2 : i32
        %add3A_448 = arith.addi %mul3A_209, %add3A_447 : i32
        %get3A_449 = arith.index_cast %add3A_448 : i32 to index
        %get3A_450 = arith.constant 32 : index
        %get3A_451 = tpu.vector_load %arg7[%get3A_449, %get3A_450] {strides = array<i32>} : memref<200x64xf32, #tpu.memory_space<vmem>>, vector<1x16xf32>,
        %get3A_452 = vector.shape_cast %get3A_451 : vector<1x16xf32> to vector<16xf32>
        %add3A_453 = arith.addf %mul3A_446, %get3A_452 : vector<16xf32>
        %add3A_454 = arith.constant 2 : i32
        %add3A_455 = arith.addi %mul3A_209, %add3A_454 : i32
        %swap3A_456 = arith.index_cast %add3A_455 : i32 to index
        %swap3A_457 = arith.constant 32 : index
        %swap3A_458 = tpu.vector_load %arg13[%swap3A_456, %swap3A_457] {strides = array<i32>} : memref<200x64xf32, #tpu.memory_space<vmem>>, vector<1x16xf32>,
        %swap3A_459 = vector.shape_cast %swap3A_458 : vector<1x16xf32> to vector<16xf32>
        %swap3A_460 = vector.shape_cast %add3A_453 : vector<16xf32> to vector<1x16xf32>
        tpu.vector_store %arg13[%swap3A_456, %swap3A_457], %swap3A_460 {strides = array<i32>} : memref<200x64xf32, #tpu.memory_space<vmem>>, vector<1x16xf32>,
        %add3A_461 = arith.constant 2 : i32
        %add3A_462 = arith.addi %mul3A_209, %add3A_461 : i32
        %get3A_463 = arith.index_cast %add3A_462 : i32 to index
        %get3A_464 = arith.constant 48 : index
        %get3A_465 = tpu.vector_load %arg9[%get3A_463, %get3A_464] {strides = array<i32>} : memref<200x64xf32, #tpu.memory_space<vmem>>, vector<1x16xf32>,
        %get3A_466 = vector.shape_cast %get3A_465 : vector<1x16xf32> to vector<16xf32>
        %mul3A_467 = arith.constant 8.000000e+00 : f32
        %mul3A_468 = vector.broadcast %mul3A_467 : f32 to vector<16xf32>
        %mul3A_469 = arith.mulf %get3A_466, %mul3A_468 : vector<16xf32>
        %add3A_470 = arith.constant 2 : i32
        %add3A_471 = arith.addi %mul3A_209, %add3A_470 : i32
        %get3A_472 = arith.index_cast %add3A_471 : i32 to index
        %get3A_473 = arith.constant 48 : index
        %get3A_474 = tpu.vector_load %arg7[%get3A_472, %get3A_473] {strides = array<i32>} : memref<200x64xf32, #tpu.memory_space<vmem>>, vector<1x16xf32>,
        %get3A_475 = vector.shape_cast %get3A_474 : vector<1x16xf32> to vector<16xf32>
        %add3A_476 = arith.addf %mul3A_469, %get3A_475 : vector<16xf32>
        %add3A_477 = arith.constant 2 : i32
        %add3A_478 = arith.addi %mul3A_209, %add3A_477 : i32
        %swap3A_479 = arith.index_cast %add3A_478 : i32 to index
        %swap3A_480 = arith.constant 48 : index
        %swap3A_481 = tpu.vector_load %arg13[%swap3A_479, %swap3A_480] {strides = array<i32>} : memref<200x64xf32, #tpu.memory_space<vmem>>, vector<1x16xf32>,
        %swap3A_482 = vector.shape_cast %swap3A_481 : vector<1x16xf32> to vector<16xf32>
        %swap3A_483 = vector.shape_cast %add3A_476 : vector<16xf32> to vector<1x16xf32>
        tpu.vector_store %arg13[%swap3A_479, %swap3A_480], %swap3A_483 {strides = array<i32>} : memref<200x64xf32, #tpu.memory_space<vmem>>, vector<1x16xf32>,
        %add3A_484 = arith.constant 3 : i32
        %add3A_485 = arith.addi %mul3A_209, %add3A_484 : i32
        %get3A_486 = arith.index_cast %add3A_485 : i32 to index
        %get3A_487 = arith.constant 0 : index
        %get3A_488 = tpu.vector_load %arg9[%get3A_486, %get3A_487] {strides = array<i32>} : memref<200x64xf32, #tpu.memory_space<vmem>>, vector<1x16xf32>,
        %get3A_489 = vector.shape_cast %get3A_488 : vector<1x16xf32> to vector<16xf32>
        %mul3A_490 = arith.constant 8.000000e+00 : f32
        %mul3A_491 = vector.broadcast %mul3A_490 : f32 to vector<16xf32>
        %mul3A_492 = arith.mulf %get3A_489, %mul3A_491 : vector<16xf32>
        %add3A_493 = arith.constant 3 : i32
        %add3A_494 = arith.addi %mul3A_209, %add3A_493 : i32
        %get3A_495 = arith.index_cast %add3A_494 : i32 to index
        %get3A_496 = arith.constant 0 : index
        %get3A_497 = tpu.vector_load %arg7[%get3A_495, %get3A_496] {strides = array<i32>} : memref<200x64xf32, #tpu.memory_space<vmem>>, vector<1x16xf32>,
        %get3A_498 = vector.shape_cast %get3A_497 : vector<1x16xf32> to vector<16xf32>
        %add3A_499 = arith.addf %mul3A_492, %get3A_498 : vector<16xf32>
        %add3A_500 = arith.constant 3 : i32
        %add3A_501 = arith.addi %mul3A_209, %add3A_500 : i32
        %swap3A_502 = arith.index_cast %add3A_501 : i32 to index
        %swap3A_503 = arith.constant 0 : index
        %swap3A_504 = tpu.vector_load %arg13[%swap3A_502, %swap3A_503] {strides = array<i32>} : memref<200x64xf32, #tpu.memory_space<vmem>>, vector<1x16xf32>,
        %swap3A_505 = vector.shape_cast %swap3A_504 : vector<1x16xf32> to vector<16xf32>
        %swap3A_506 = vector.shape_cast %add3A_499 : vector<16xf32> to vector<1x16xf32>
        tpu.vector_store %arg13[%swap3A_502, %swap3A_503], %swap3A_506 {strides = array<i32>} : memref<200x64xf32, #tpu.memory_space<vmem>>, vector<1x16xf32>,
        %add3A_507 = arith.constant 3 : i32
        %add3A_508 = arith.addi %mul3A_209, %add3A_507 : i32
        %get3A_509 = arith.index_cast %add3A_508 : i32 to index
        %get3A_510 = arith.constant 16 : index
        %get3A_511 = tpu.vector_load %arg9[%get3A_509, %get3A_510] {strides = array<i32>} : memref<200x64xf32, #tpu.memory_space<vmem>>, vector<1x16xf32>,
        %get3A_512 = vector.shape_cast %get3A_511 : vector<1x16xf32> to vector<16xf32>
        %mul3A_513 = arith.constant 8.000000e+00 : f32
        %mul3A_514 = vector.broadcast %mul3A_513 : f32 to vector<16xf32>
        %mul3A_515 = arith.mulf %get3A_512, %mul3A_514 : vector<16xf32>
        %add3A_516 = arith.constant 3 : i32
        %add3A_517 = arith.addi %mul3A_209, %add3A_516 : i32
        %get3A_518 = arith.index_cast %add3A_517 : i32 to index
        %get3A_519 = arith.constant 16 : index
        %get3A_520 = tpu.vector_load %arg7[%get3A_518, %get3A_519] {strides = array<i32>} : memref<200x64xf32, #tpu.memory_space<vmem>>, vector<1x16xf32>,
        %get3A_521 = vector.shape_cast %get3A_520 : vector<1x16xf32> to vector<16xf32>
        %add3A_522 = arith.addf %mul3A_515, %get3A_521 : vector<16xf32>
        %add3A_523 = arith.constant 3 : i32
        %add3A_524 = arith.addi %mul3A_209, %add3A_523 : i32
        %swap3A_525 = arith.index_cast %add3A_524 : i32 to index
        %swap3A_526 = arith.constant 16 : index
        %swap3A_527 = tpu.vector_load %arg13[%swap3A_525, %swap3A_526] {strides = array<i32>} : memref<200x64xf32, #tpu.memory_space<vmem>>, vector<1x16xf32>,
        %swap3A_528 = vector.shape_cast %swap3A_527 : vector<1x16xf32> to vector<16xf32>
        %swap3A_529 = vector.shape_cast %add3A_522 : vector<16xf32> to vector<1x16xf32>
        tpu.vector_store %arg13[%swap3A_525, %swap3A_526], %swap3A_529 {strides = array<i32>} : memref<200x64xf32, #tpu.memory_space<vmem>>, vector<1x16xf32>,
        %add3A_530 = arith.constant 3 : i32
        %add3A_531 = arith.addi %mul3A_209, %add3A_530 : i32
        %get3A_532 = arith.index_cast %add3A_531 : i32 to index
        %get3A_533 = arith.constant 32 : index
        %get3A_534 = tpu.vector_load %arg9[%get3A_532, %get3A_533] {strides = array<i32>} : memref<200x64xf32, #tpu.memory_space<vmem>>, vector<1x16xf32>,
        %get3A_535 = vector.shape_cast %get3A_534 : vector<1x16xf32> to vector<16xf32>
        %mul3A_536 = arith.constant 8.000000e+00 : f32
        %mul3A_537 = vector.broadcast %mul3A_536 : f32 to vector<16xf32>
        %mul3A_538 = arith.mulf %get3A_535, %mul3A_537 : vector<16xf32>
        %add3A_539 = arith.constant 3 : i32
        %add3A_540 = arith.addi %mul3A_209, %add3A_539 : i32
        %get3A_541 = arith.index_cast %add3A_540 : i32 to index
        %get3A_542 = arith.constant 32 : index
        %get3A_543 = tpu.vector_load %arg7[%get3A_541, %get3A_542] {strides = array<i32>} : memref<200x64xf32, #tpu.memory_space<vmem>>, vector<1x16xf32>,
        %get3A_544 = vector.shape_cast %get3A_543 : vector<1x16xf32> to vector<16xf32>
        %add3A_545 = arith.addf %mul3A_538, %get3A_544 : vector<16xf32>
        %add3A_546 = arith.constant 3 : i32
        %add3A_547 = arith.addi %mul3A_209, %add3A_546 : i32
        %swap3A_548 = arith.index_cast %add3A_547 : i32 to index
        %swap3A_549 = arith.constant 32 : index
        %swap3A_550 = tpu.vector_load %arg13[%swap3A_548, %swap3A_549] {strides = array<i32>} : memref<200x64xf32, #tpu.memory_space<vmem>>, vector<1x16xf32>,
        %swap3A_551 = vector.shape_cast %swap3A_550 : vector<1x16xf32> to vector<16xf32>
        %swap3A_552 = vector.shape_cast %add3A_545 : vector<16xf32> to vector<1x16xf32>
        tpu.vector_store %arg13[%swap3A_548, %swap3A_549], %swap3A_552 {strides = array<i32>} : memref<200x64xf32, #tpu.memory_space<vmem>>, vector<1x16xf32>,
        %add3A_553 = arith.constant 3 : i32
        %add3A_554 = arith.addi %mul3A_209, %add3A_553 : i32
        %get3A_555 = arith.index_cast %add3A_554 : i32 to index
        %get3A_556 = arith.constant 48 : index
        %get3A_557 = tpu.vector_load %arg9[%get3A_555, %get3A_556] {strides = array<i32>} : memref<200x64xf32, #tpu.memory_space<vmem>>, vector<1x16xf32>,
        %get3A_558 = vector.shape_cast %get3A_557 : vector<1x16xf32> to vector<16xf32>
        %mul3A_559 = arith.constant 8.000000e+00 : f32
        %mul3A_560 = vector.broadcast %mul3A_559 : f32 to vector<16xf32>
        %mul3A_561 = arith.mulf %get3A_558, %mul3A_560 : vector<16xf32>
        %add3A_562 = arith.constant 3 : i32
        %add3A_563 = arith.addi %mul3A_209, %add3A_562 : i32
        %get3A_564 = arith.index_cast %add3A_563 : i32 to index
        %get3A_565 = arith.constant 48 : index
        %get3A_566 = tpu.vector_load %arg7[%get3A_564, %get3A_565] {strides = array<i32>} : memref<200x64xf32, #tpu.memory_space<vmem>>, vector<1x16xf32>,
        %get3A_567 = vector.shape_cast %get3A_566 : vector<1x16xf32> to vector<16xf32>
        %add3A_568 = arith.addf %mul3A_561, %get3A_567 : vector<16xf32>
        %add3A_569 = arith.constant 3 : i32
        %add3A_570 = arith.addi %mul3A_209, %add3A_569 : i32
        %swap3A_571 = arith.index_cast %add3A_570 : i32 to index
        %swap3A_572 = arith.constant 48 : index
        %swap3A_573 = tpu.vector_load %arg13[%swap3A_571, %swap3A_572] {strides = array<i32>} : memref<200x64xf32, #tpu.memory_space<vmem>>, vector<1x16xf32>,
        %swap3A_574 = vector.shape_cast %swap3A_573 : vector<1x16xf32> to vector<16xf32>
        %swap3A_575 = vector.shape_cast %add3A_568 : vector<16xf32> to vector<1x16xf32>
        tpu.vector_store %arg13[%swap3A_571, %swap3A_572], %swap3A_575 {strides = array<i32>} : memref<200x64xf32, #tpu.memory_space<vmem>>, vector<1x16xf32>,
      }
      %scan3A_120 = arith.constant 50 : i32
      %lt3A_121 = arith.constant 7 : i32
      %lt3A_122 = arith.cmpi slt, %scan3A_66, %lt3A_121 : i32
      %convert_element_type3A_123 = arith.extui %lt3A_122 : i1 to i32
      %cond3A_124 = arith.constant 0 : i32
      %cond3A_125 = arith.cmpi ne, %convert_element_type3A_123, %cond3A_124 : i32
      scf.if %cond3A_125 {
        %add3A_207 = arith.constant 4 : i32
        %add3A_208 = arith.addi %add3A_102, %add3A_207 : i32
        %dma_start3A_209 = arith.constant 0 : i32
        %dma_start3A_210 = tpu.memref_slice %arg6[%add3A_208, %dma_start3A_209] : memref<32x200xi32, #tpu.memory_space<vmem>> -> memref<1x200xi32, #tpu.memory_space<vmem>>
        %dma_start3A_211 = tpu.memref_squeeze %dma_start3A_210 : memref<1x200xi32, #tpu.memory_space<vmem>> -> memref<200xi32, #tpu.memory_space<vmem>>
        %dma_start3A_212 = arith.constant 0 : i32
        %dma_start3A_213 = arith.constant 0 : i32
        %dma_start3A_214 = tpu.memref_slice %arg3[%dma_start3A_212, %dma_start3A_213] : memref<1000000x64xf32, #tpu.memory_space<hbm>> -> memref<1000000x64xf32, #tpu.memory_space<hbm>>
        tpu.enqueue_indirect_dma source(%dma_start3A_214 : memref<1000000x64xf32, #tpu.memory_space<hbm>>) target(%arg9 : memref<200x64xf32, #tpu.memory_space<vmem>>) offsets(%dma_start3A_211 : memref<200xi32, #tpu.memory_space<vmem>>) semaphore(%arg17 : memref<!tpu.dma_semaphore, #tpu.memory_space<semaphore_mem>>)
      } else {
      }
      %add3A_126 = arith.addi %mul3A_2, %add3A_102 : i32
      %dma_start3A_127 = arith.constant 0 : i32
      %dma_start3A_128 = arith.constant 0 : i32
      %dma_start3A_129 = tpu.memref_slice %arg5[%add3A_126, %dma_start3A_127, %dma_start3A_128] : memref<1024x200x64xf32, #tpu.memory_space<hbm>> -> memref<1x200x64xf32, #tpu.memory_space<hbm>>
      %dma_start3A_130 = tpu.memref_squeeze %dma_start3A_129 : memref<1x200x64xf32, #tpu.memory_space<hbm>> -> memref<200x64xf32, #tpu.memory_space<hbm>>
      %dma_start3A_131 = arith.constant 0 : i32
      %dma_start3A_132 = arith.constant 0 : i32
      %dma_start3A_133 = tpu.memref_slice %arg5[%add3A_126, %dma_start3A_131, %dma_start3A_132] : memref<1024x200x64xf32, #tpu.memory_space<hbm>> -> memref<1x200x64xf32, #tpu.memory_space<hbm>>
      %dma_start3A_134 = tpu.memref_squeeze %dma_start3A_133 : memref<1x200x64xf32, #tpu.memory_space<hbm>> -> memref<200x64xf32, #tpu.memory_space<hbm>>
      tpu.enqueue_dma source(%arg13 : memref<200x64xf32, #tpu.memory_space<vmem>>) target(%dma_start3A_134 : memref<200x64xf32, #tpu.memory_space<hbm>>) target_semaphore(%arg21 : memref<!tpu.dma_semaphore, #tpu.memory_space<semaphore_mem>>)
      %mul3A_135 = arith.constant 4 : i32
      %mul3A_136 = arith.muli %scan3A_66, %mul3A_135 : i32
      %add3A_137 = arith.constant 2 : i32
      %add3A_138 = arith.addi %mul3A_136, %add3A_137 : i32
      %dma_wait3A_139 = arith.constant 0 : i32
      %dma_wait3A_140 = arith.constant 0 : i32
      %dma_wait3A_141 = tpu.memref_slice %arg6[%dma_wait3A_139, %dma_wait3A_140] : memref<32x200xi32, #tpu.memory_space<vmem>> -> memref<1x200xi32, #tpu.memory_space<vmem>>
      %dma_wait3A_142 = tpu.memref_squeeze %dma_wait3A_141 : memref<1x200xi32, #tpu.memory_space<vmem>> -> memref<200xi32, #tpu.memory_space<vmem>>
      %dma_wait3A_143 = arith.constant 0 : i32
      %dma_wait3A_144 = arith.constant 0 : i32
      %dma_wait3A_145 = tpu.memref_slice %arg3[%dma_wait3A_143, %dma_wait3A_144] : memref<1000000x64xf32, #tpu.memory_space<hbm>> -> memref<1000000x64xf32, #tpu.memory_space<hbm>>
      tpu.wait_indirect_dma semaphore(%arg18 : memref<!tpu.dma_semaphore, #tpu.memory_space<semaphore_mem>>) src(%dma_wait3A_145 : memref<1000000x64xf32, #tpu.memory_space<hbm>>) dst(%arg10 : memref<200x64xf32, #tpu.memory_space<vmem>>)
      %gt3A_146 = arith.constant 0 : i32
      %gt3A_147 = arith.cmpi sgt, %scan3A_66, %gt3A_146 : i32
      %convert_element_type3A_148 = arith.extui %gt3A_147 : i1 to i32
      %cond3A_149 = arith.constant 0 : i32
      %cond3A_150 = arith.cmpi ne, %convert_element_type3A_148, %cond3A_149 : i32
      scf.if %cond3A_150 {
        %dma_wait3A_207 = arith.constant 0 : i32
        %dma_wait3A_208 = arith.constant 0 : i32
        %dma_wait3A_209 = tpu.memref_slice %arg5[%mul3A_2, %dma_wait3A_207, %dma_wait3A_208] : memref<1024x200x64xf32, #tpu.memory_space<hbm>> -> memref<1x200x64xf32, #tpu.memory_space<hbm>>
        %dma_wait3A_210 = tpu.memref_squeeze %dma_wait3A_209 : memref<1x200x64xf32, #tpu.memory_space<hbm>> -> memref<200x64xf32, #tpu.memory_space<hbm>>
        %dma_wait3A_211 = arith.constant 0 : i32
        %dma_wait3A_212 = arith.constant 0 : i32
        %dma_wait3A_213 = tpu.memref_slice %arg5[%mul3A_2, %dma_wait3A_211, %dma_wait3A_212] : memref<1024x200x64xf32, #tpu.memory_space<hbm>> -> memref<1x200x64xf32, #tpu.memory_space<hbm>>
        %dma_wait3A_214 = tpu.memref_squeeze %dma_wait3A_213 : memref<1x200x64xf32, #tpu.memory_space<hbm>> -> memref<200x64xf32, #tpu.memory_space<hbm>>
        tpu.wait_dma2 semaphore(%arg22 : memref<!tpu.dma_semaphore, #tpu.memory_space<semaphore_mem>>) src(%arg14 : memref<200x64xf32, #tpu.memory_space<vmem>>) dst(%dma_wait3A_214 : memref<200x64xf32, #tpu.memory_space<hbm>>)
      } else {
      }
      %scan3A_151 = arith.constant 0 : i32
      %scan3A_152 = arith.constant 0 : i32
      %scan3A_153 = arith.constant 50 : i32
      %scan3A_154 = arith.addi %scan3A_152, %scan3A_153 : i32
      %scan3A_155 = arith.constant 1 : i32
      scf.for %scan3A_207 = %scan3A_152 to %scan3A_154 step %scan3A_155  : i32 {
        %mul3A_208 = arith.constant 4 : i32
        %mul3A_209 = arith.muli %scan3A_207, %mul3A_208 : i32
        %add3A_210 = arith.constant 0 : i32
        %add3A_211 = arith.addi %mul3A_209, %add3A_210 : i32
        %get3A = arith.index_cast %add3A_211 : i32 to index
        %get3A_212 = arith.constant 0 : index
        %get3A_213 = tpu.vector_load %arg10[%get3A, %get3A_212] {strides = array<i32>} : memref<200x64xf32, #tpu.memory_space<vmem>>, vector<1x16xf32>,
        %get3A_214 = vector.shape_cast %get3A_213 : vector<1x16xf32> to vector<16xf32>
        %mul3A_215 = arith.constant 8.000000e+00 : f32
        %mul3A_216 = vector.broadcast %mul3A_215 : f32 to vector<16xf32>
        %mul3A_217 = arith.mulf %get3A_214, %mul3A_216 : vector<16xf32>
        %add3A_218 = arith.constant 0 : i32
        %add3A_219 = arith.addi %mul3A_209, %add3A_218 : i32
        %get3A_220 = arith.index_cast %add3A_219 : i32 to index
        %get3A_221 = arith.constant 0 : index
        %get3A_222 = tpu.vector_load %arg7[%get3A_220, %get3A_221] {strides = array<i32>} : memref<200x64xf32, #tpu.memory_space<vmem>>, vector<1x16xf32>,
        %get3A_223 = vector.shape_cast %get3A_222 : vector<1x16xf32> to vector<16xf32>
        %add3A_224 = arith.addf %mul3A_217, %get3A_223 : vector<16xf32>
        %add3A_225 = arith.constant 0 : i32
        %add3A_226 = arith.addi %mul3A_209, %add3A_225 : i32
        %swap3A = arith.index_cast %add3A_226 : i32 to index
        %swap3A_227 = arith.constant 0 : index
        %swap3A_228 = tpu.vector_load %arg14[%swap3A, %swap3A_227] {strides = array<i32>} : memref<200x64xf32, #tpu.memory_space<vmem>>, vector<1x16xf32>,
        %swap3A_229 = vector.shape_cast %swap3A_228 : vector<1x16xf32> to vector<16xf32>
        %swap3A_230 = vector.shape_cast %add3A_224 : vector<16xf32> to vector<1x16xf32>
        tpu.vector_store %arg14[%swap3A, %swap3A_227], %swap3A_230 {strides = array<i32>} : memref<200x64xf32, #tpu.memory_space<vmem>>, vector<1x16xf32>,
        %add3A_231 = arith.constant 0 : i32
        %add3A_232 = arith.addi %mul3A_209, %add3A_231 : i32
        %get3A_233 = arith.index_cast %add3A_232 : i32 to index
        %get3A_234 = arith.constant 16 : index
        %get3A_235 = tpu.vector_load %arg10[%get3A_233, %get3A_234] {strides = array<i32>} : memref<200x64xf32, #tpu.memory_space<vmem>>, vector<1x16xf32>,
        %get3A_236 = vector.shape_cast %get3A_235 : vector<1x16xf32> to vector<16xf32>
        %mul3A_237 = arith.constant 8.000000e+00 : f32
        %mul3A_238 = vector.broadcast %mul3A_237 : f32 to vector<16xf32>
        %mul3A_239 = arith.mulf %get3A_236, %mul3A_238 : vector<16xf32>
        %add3A_240 = arith.constant 0 : i32
        %add3A_241 = arith.addi %mul3A_209, %add3A_240 : i32
        %get3A_242 = arith.index_cast %add3A_241 : i32 to index
        %get3A_243 = arith.constant 16 : index
        %get3A_244 = tpu.vector_load %arg7[%get3A_242, %get3A_243] {strides = array<i32>} : memref<200x64xf32, #tpu.memory_space<vmem>>, vector<1x16xf32>,
        %get3A_245 = vector.shape_cast %get3A_244 : vector<1x16xf32> to vector<16xf32>
        %add3A_246 = arith.addf %mul3A_239, %get3A_245 : vector<16xf32>
        %add3A_247 = arith.constant 0 : i32
        %add3A_248 = arith.addi %mul3A_209, %add3A_247 : i32
        %swap3A_249 = arith.index_cast %add3A_248 : i32 to index
        %swap3A_250 = arith.constant 16 : index
        %swap3A_251 = tpu.vector_load %arg14[%swap3A_249, %swap3A_250] {strides = array<i32>} : memref<200x64xf32, #tpu.memory_space<vmem>>, vector<1x16xf32>,
        %swap3A_252 = vector.shape_cast %swap3A_251 : vector<1x16xf32> to vector<16xf32>
        %swap3A_253 = vector.shape_cast %add3A_246 : vector<16xf32> to vector<1x16xf32>
        tpu.vector_store %arg14[%swap3A_249, %swap3A_250], %swap3A_253 {strides = array<i32>} : memref<200x64xf32, #tpu.memory_space<vmem>>, vector<1x16xf32>,
        %add3A_254 = arith.constant 0 : i32
        %add3A_255 = arith.addi %mul3A_209, %add3A_254 : i32
        %get3A_256 = arith.index_cast %add3A_255 : i32 to index
        %get3A_257 = arith.constant 32 : index
        %get3A_258 = tpu.vector_load %arg10[%get3A_256, %get3A_257] {strides = array<i32>} : memref<200x64xf32, #tpu.memory_space<vmem>>, vector<1x16xf32>,
        %get3A_259 = vector.shape_cast %get3A_258 : vector<1x16xf32> to vector<16xf32>
        %mul3A_260 = arith.constant 8.000000e+00 : f32
        %mul3A_261 = vector.broadcast %mul3A_260 : f32 to vector<16xf32>
        %mul3A_262 = arith.mulf %get3A_259, %mul3A_261 : vector<16xf32>
        %add3A_263 = arith.constant 0 : i32
        %add3A_264 = arith.addi %mul3A_209, %add3A_263 : i32
        %get3A_265 = arith.index_cast %add3A_264 : i32 to index
        %get3A_266 = arith.constant 32 : index
        %get3A_267 = tpu.vector_load %arg7[%get3A_265, %get3A_266] {strides = array<i32>} : memref<200x64xf32, #tpu.memory_space<vmem>>, vector<1x16xf32>,
        %get3A_268 = vector.shape_cast %get3A_267 : vector<1x16xf32> to vector<16xf32>
        %add3A_269 = arith.addf %mul3A_262, %get3A_268 : vector<16xf32>
        %add3A_270 = arith.constant 0 : i32
        %add3A_271 = arith.addi %mul3A_209, %add3A_270 : i32
        %swap3A_272 = arith.index_cast %add3A_271 : i32 to index
        %swap3A_273 = arith.constant 32 : index
        %swap3A_274 = tpu.vector_load %arg14[%swap3A_272, %swap3A_273] {strides = array<i32>} : memref<200x64xf32, #tpu.memory_space<vmem>>, vector<1x16xf32>,
        %swap3A_275 = vector.shape_cast %swap3A_274 : vector<1x16xf32> to vector<16xf32>
        %swap3A_276 = vector.shape_cast %add3A_269 : vector<16xf32> to vector<1x16xf32>
        tpu.vector_store %arg14[%swap3A_272, %swap3A_273], %swap3A_276 {strides = array<i32>} : memref<200x64xf32, #tpu.memory_space<vmem>>, vector<1x16xf32>,
        %add3A_277 = arith.constant 0 : i32
        %add3A_278 = arith.addi %mul3A_209, %add3A_277 : i32
        %get3A_279 = arith.index_cast %add3A_278 : i32 to index
        %get3A_280 = arith.constant 48 : index
        %get3A_281 = tpu.vector_load %arg10[%get3A_279, %get3A_280] {strides = array<i32>} : memref<200x64xf32, #tpu.memory_space<vmem>>, vector<1x16xf32>,
        %get3A_282 = vector.shape_cast %get3A_281 : vector<1x16xf32> to vector<16xf32>
        %mul3A_283 = arith.constant 8.000000e+00 : f32
        %mul3A_284 = vector.broadcast %mul3A_283 : f32 to vector<16xf32>
        %mul3A_285 = arith.mulf %get3A_282, %mul3A_284 : vector<16xf32>
        %add3A_286 = arith.constant 0 : i32
        %add3A_287 = arith.addi %mul3A_209, %add3A_286 : i32
        %get3A_288 = arith.index_cast %add3A_287 : i32 to index
        %get3A_289 = arith.constant 48 : index
        %get3A_290 = tpu.vector_load %arg7[%get3A_288, %get3A_289] {strides = array<i32>} : memref<200x64xf32, #tpu.memory_space<vmem>>, vector<1x16xf32>,
        %get3A_291 = vector.shape_cast %get3A_290 : vector<1x16xf32> to vector<16xf32>
        %add3A_292 = arith.addf %mul3A_285, %get3A_291 : vector<16xf32>
        %add3A_293 = arith.constant 0 : i32
        %add3A_294 = arith.addi %mul3A_209, %add3A_293 : i32
        %swap3A_295 = arith.index_cast %add3A_294 : i32 to index
        %swap3A_296 = arith.constant 48 : index
        %swap3A_297 = tpu.vector_load %arg14[%swap3A_295, %swap3A_296] {strides = array<i32>} : memref<200x64xf32, #tpu.memory_space<vmem>>, vector<1x16xf32>,
        %swap3A_298 = vector.shape_cast %swap3A_297 : vector<1x16xf32> to vector<16xf32>
        %swap3A_299 = vector.shape_cast %add3A_292 : vector<16xf32> to vector<1x16xf32>
        tpu.vector_store %arg14[%swap3A_295, %swap3A_296], %swap3A_299 {strides = array<i32>} : memref<200x64xf32, #tpu.memory_space<vmem>>, vector<1x16xf32>,
        %add3A_300 = arith.constant 1 : i32
        %add3A_301 = arith.addi %mul3A_209, %add3A_300 : i32
        %get3A_302 = arith.index_cast %add3A_301 : i32 to index
        %get3A_303 = arith.constant 0 : index
        %get3A_304 = tpu.vector_load %arg10[%get3A_302, %get3A_303] {strides = array<i32>} : memref<200x64xf32, #tpu.memory_space<vmem>>, vector<1x16xf32>,
        %get3A_305 = vector.shape_cast %get3A_304 : vector<1x16xf32> to vector<16xf32>
        %mul3A_306 = arith.constant 8.000000e+00 : f32
        %mul3A_307 = vector.broadcast %mul3A_306 : f32 to vector<16xf32>
        %mul3A_308 = arith.mulf %get3A_305, %mul3A_307 : vector<16xf32>
        %add3A_309 = arith.constant 1 : i32
        %add3A_310 = arith.addi %mul3A_209, %add3A_309 : i32
        %get3A_311 = arith.index_cast %add3A_310 : i32 to index
        %get3A_312 = arith.constant 0 : index
        %get3A_313 = tpu.vector_load %arg7[%get3A_311, %get3A_312] {strides = array<i32>} : memref<200x64xf32, #tpu.memory_space<vmem>>, vector<1x16xf32>,
        %get3A_314 = vector.shape_cast %get3A_313 : vector<1x16xf32> to vector<16xf32>
        %add3A_315 = arith.addf %mul3A_308, %get3A_314 : vector<16xf32>
        %add3A_316 = arith.constant 1 : i32
        %add3A_317 = arith.addi %mul3A_209, %add3A_316 : i32
        %swap3A_318 = arith.index_cast %add3A_317 : i32 to index
        %swap3A_319 = arith.constant 0 : index
        %swap3A_320 = tpu.vector_load %arg14[%swap3A_318, %swap3A_319] {strides = array<i32>} : memref<200x64xf32, #tpu.memory_space<vmem>>, vector<1x16xf32>,
        %swap3A_321 = vector.shape_cast %swap3A_320 : vector<1x16xf32> to vector<16xf32>
        %swap3A_322 = vector.shape_cast %add3A_315 : vector<16xf32> to vector<1x16xf32>
        tpu.vector_store %arg14[%swap3A_318, %swap3A_319], %swap3A_322 {strides = array<i32>} : memref<200x64xf32, #tpu.memory_space<vmem>>, vector<1x16xf32>,
        %add3A_323 = arith.constant 1 : i32
        %add3A_324 = arith.addi %mul3A_209, %add3A_323 : i32
        %get3A_325 = arith.index_cast %add3A_324 : i32 to index
        %get3A_326 = arith.constant 16 : index
        %get3A_327 = tpu.vector_load %arg10[%get3A_325, %get3A_326] {strides = array<i32>} : memref<200x64xf32, #tpu.memory_space<vmem>>, vector<1x16xf32>,
        %get3A_328 = vector.shape_cast %get3A_327 : vector<1x16xf32> to vector<16xf32>
        %mul3A_329 = arith.constant 8.000000e+00 : f32
        %mul3A_330 = vector.broadcast %mul3A_329 : f32 to vector<16xf32>
        %mul3A_331 = arith.mulf %get3A_328, %mul3A_330 : vector<16xf32>
        %add3A_332 = arith.constant 1 : i32
        %add3A_333 = arith.addi %mul3A_209, %add3A_332 : i32
        %get3A_334 = arith.index_cast %add3A_333 : i32 to index
        %get3A_335 = arith.constant 16 : index
        %get3A_336 = tpu.vector_load %arg7[%get3A_334, %get3A_335] {strides = array<i32>} : memref<200x64xf32, #tpu.memory_space<vmem>>, vector<1x16xf32>,
        %get3A_337 = vector.shape_cast %get3A_336 : vector<1x16xf32> to vector<16xf32>
        %add3A_338 = arith.addf %mul3A_331, %get3A_337 : vector<16xf32>
        %add3A_339 = arith.constant 1 : i32
        %add3A_340 = arith.addi %mul3A_209, %add3A_339 : i32
        %swap3A_341 = arith.index_cast %add3A_340 : i32 to index
        %swap3A_342 = arith.constant 16 : index
        %swap3A_343 = tpu.vector_load %arg14[%swap3A_341, %swap3A_342] {strides = array<i32>} : memref<200x64xf32, #tpu.memory_space<vmem>>, vector<1x16xf32>,
        %swap3A_344 = vector.shape_cast %swap3A_343 : vector<1x16xf32> to vector<16xf32>
        %swap3A_345 = vector.shape_cast %add3A_338 : vector<16xf32> to vector<1x16xf32>
        tpu.vector_store %arg14[%swap3A_341, %swap3A_342], %swap3A_345 {strides = array<i32>} : memref<200x64xf32, #tpu.memory_space<vmem>>, vector<1x16xf32>,
        %add3A_346 = arith.constant 1 : i32
        %add3A_347 = arith.addi %mul3A_209, %add3A_346 : i32
        %get3A_348 = arith.index_cast %add3A_347 : i32 to index
        %get3A_349 = arith.constant 32 : index
        %get3A_350 = tpu.vector_load %arg10[%get3A_348, %get3A_349] {strides = array<i32>} : memref<200x64xf32, #tpu.memory_space<vmem>>, vector<1x16xf32>,
        %get3A_351 = vector.shape_cast %get3A_350 : vector<1x16xf32> to vector<16xf32>
        %mul3A_352 = arith.constant 8.000000e+00 : f32
        %mul3A_353 = vector.broadcast %mul3A_352 : f32 to vector<16xf32>
        %mul3A_354 = arith.mulf %get3A_351, %mul3A_353 : vector<16xf32>
        %add3A_355 = arith.constant 1 : i32
        %add3A_356 = arith.addi %mul3A_209, %add3A_355 : i32
        %get3A_357 = arith.index_cast %add3A_356 : i32 to index
        %get3A_358 = arith.constant 32 : index
        %get3A_359 = tpu.vector_load %arg7[%get3A_357, %get3A_358] {strides = array<i32>} : memref<200x64xf32, #tpu.memory_space<vmem>>, vector<1x16xf32>,
        %get3A_360 = vector.shape_cast %get3A_359 : vector<1x16xf32> to vector<16xf32>
        %add3A_361 = arith.addf %mul3A_354, %get3A_360 : vector<16xf32>
        %add3A_362 = arith.constant 1 : i32
        %add3A_363 = arith.addi %mul3A_209, %add3A_362 : i32
        %swap3A_364 = arith.index_cast %add3A_363 : i32 to index
        %swap3A_365 = arith.constant 32 : index
        %swap3A_366 = tpu.vector_load %arg14[%swap3A_364, %swap3A_365] {strides = array<i32>} : memref<200x64xf32, #tpu.memory_space<vmem>>, vector<1x16xf32>,
        %swap3A_367 = vector.shape_cast %swap3A_366 : vector<1x16xf32> to vector<16xf32>
        %swap3A_368 = vector.shape_cast %add3A_361 : vector<16xf32> to vector<1x16xf32>
        tpu.vector_store %arg14[%swap3A_364, %swap3A_365], %swap3A_368 {strides = array<i32>} : memref<200x64xf32, #tpu.memory_space<vmem>>, vector<1x16xf32>,
        %add3A_369 = arith.constant 1 : i32
        %add3A_370 = arith.addi %mul3A_209, %add3A_369 : i32
        %get3A_371 = arith.index_cast %add3A_370 : i32 to index
        %get3A_372 = arith.constant 48 : index
        %get3A_373 = tpu.vector_load %arg10[%get3A_371, %get3A_372] {strides = array<i32>} : memref<200x64xf32, #tpu.memory_space<vmem>>, vector<1x16xf32>,
        %get3A_374 = vector.shape_cast %get3A_373 : vector<1x16xf32> to vector<16xf32>
        %mul3A_375 = arith.constant 8.000000e+00 : f32
        %mul3A_376 = vector.broadcast %mul3A_375 : f32 to vector<16xf32>
        %mul3A_377 = arith.mulf %get3A_374, %mul3A_376 : vector<16xf32>
        %add3A_378 = arith.constant 1 : i32
        %add3A_379 = arith.addi %mul3A_209, %add3A_378 : i32
        %get3A_380 = arith.index_cast %add3A_379 : i32 to index
        %get3A_381 = arith.constant 48 : index
        %get3A_382 = tpu.vector_load %arg7[%get3A_380, %get3A_381] {strides = array<i32>} : memref<200x64xf32, #tpu.memory_space<vmem>>, vector<1x16xf32>,
        %get3A_383 = vector.shape_cast %get3A_382 : vector<1x16xf32> to vector<16xf32>
        %add3A_384 = arith.addf %mul3A_377, %get3A_383 : vector<16xf32>
        %add3A_385 = arith.constant 1 : i32
        %add3A_386 = arith.addi %mul3A_209, %add3A_385 : i32
        %swap3A_387 = arith.index_cast %add3A_386 : i32 to index
        %swap3A_388 = arith.constant 48 : index
        %swap3A_389 = tpu.vector_load %arg14[%swap3A_387, %swap3A_388] {strides = array<i32>} : memref<200x64xf32, #tpu.memory_space<vmem>>, vector<1x16xf32>,
        %swap3A_390 = vector.shape_cast %swap3A_389 : vector<1x16xf32> to vector<16xf32>
        %swap3A_391 = vector.shape_cast %add3A_384 : vector<16xf32> to vector<1x16xf32>
        tpu.vector_store %arg14[%swap3A_387, %swap3A_388], %swap3A_391 {strides = array<i32>} : memref<200x64xf32, #tpu.memory_space<vmem>>, vector<1x16xf32>,
        %add3A_392 = arith.constant 2 : i32
        %add3A_393 = arith.addi %mul3A_209, %add3A_392 : i32
        %get3A_394 = arith.index_cast %add3A_393 : i32 to index
        %get3A_395 = arith.constant 0 : index
        %get3A_396 = tpu.vector_load %arg10[%get3A_394, %get3A_395] {strides = array<i32>} : memref<200x64xf32, #tpu.memory_space<vmem>>, vector<1x16xf32>,
        %get3A_397 = vector.shape_cast %get3A_396 : vector<1x16xf32> to vector<16xf32>
        %mul3A_398 = arith.constant 8.000000e+00 : f32
        %mul3A_399 = vector.broadcast %mul3A_398 : f32 to vector<16xf32>
        %mul3A_400 = arith.mulf %get3A_397, %mul3A_399 : vector<16xf32>
        %add3A_401 = arith.constant 2 : i32
        %add3A_402 = arith.addi %mul3A_209, %add3A_401 : i32
        %get3A_403 = arith.index_cast %add3A_402 : i32 to index
        %get3A_404 = arith.constant 0 : index
        %get3A_405 = tpu.vector_load %arg7[%get3A_403, %get3A_404] {strides = array<i32>} : memref<200x64xf32, #tpu.memory_space<vmem>>, vector<1x16xf32>,
        %get3A_406 = vector.shape_cast %get3A_405 : vector<1x16xf32> to vector<16xf32>
        %add3A_407 = arith.addf %mul3A_400, %get3A_406 : vector<16xf32>
        %add3A_408 = arith.constant 2 : i32
        %add3A_409 = arith.addi %mul3A_209, %add3A_408 : i32
        %swap3A_410 = arith.index_cast %add3A_409 : i32 to index
        %swap3A_411 = arith.constant 0 : index
        %swap3A_412 = tpu.vector_load %arg14[%swap3A_410, %swap3A_411] {strides = array<i32>} : memref<200x64xf32, #tpu.memory_space<vmem>>, vector<1x16xf32>,
        %swap3A_413 = vector.shape_cast %swap3A_412 : vector<1x16xf32> to vector<16xf32>
        %swap3A_414 = vector.shape_cast %add3A_407 : vector<16xf32> to vector<1x16xf32>
        tpu.vector_store %arg14[%swap3A_410, %swap3A_411], %swap3A_414 {strides = array<i32>} : memref<200x64xf32, #tpu.memory_space<vmem>>, vector<1x16xf32>,
        %add3A_415 = arith.constant 2 : i32
        %add3A_416 = arith.addi %mul3A_209, %add3A_415 : i32
        %get3A_417 = arith.index_cast %add3A_416 : i32 to index
        %get3A_418 = arith.constant 16 : index
        %get3A_419 = tpu.vector_load %arg10[%get3A_417, %get3A_418] {strides = array<i32>} : memref<200x64xf32, #tpu.memory_space<vmem>>, vector<1x16xf32>,
        %get3A_420 = vector.shape_cast %get3A_419 : vector<1x16xf32> to vector<16xf32>
        %mul3A_421 = arith.constant 8.000000e+00 : f32
        %mul3A_422 = vector.broadcast %mul3A_421 : f32 to vector<16xf32>
        %mul3A_423 = arith.mulf %get3A_420, %mul3A_422 : vector<16xf32>
        %add3A_424 = arith.constant 2 : i32
        %add3A_425 = arith.addi %mul3A_209, %add3A_424 : i32
        %get3A_426 = arith.index_cast %add3A_425 : i32 to index
        %get3A_427 = arith.constant 16 : index
        %get3A_428 = tpu.vector_load %arg7[%get3A_426, %get3A_427] {strides = array<i32>} : memref<200x64xf32, #tpu.memory_space<vmem>>, vector<1x16xf32>,
        %get3A_429 = vector.shape_cast %get3A_428 : vector<1x16xf32> to vector<16xf32>
        %add3A_430 = arith.addf %mul3A_423, %get3A_429 : vector<16xf32>
        %add3A_431 = arith.constant 2 : i32
        %add3A_432 = arith.addi %mul3A_209, %add3A_431 : i32
        %swap3A_433 = arith.index_cast %add3A_432 : i32 to index
        %swap3A_434 = arith.constant 16 : index
        %swap3A_435 = tpu.vector_load %arg14[%swap3A_433, %swap3A_434] {strides = array<i32>} : memref<200x64xf32, #tpu.memory_space<vmem>>, vector<1x16xf32>,
        %swap3A_436 = vector.shape_cast %swap3A_435 : vector<1x16xf32> to vector<16xf32>
        %swap3A_437 = vector.shape_cast %add3A_430 : vector<16xf32> to vector<1x16xf32>
        tpu.vector_store %arg14[%swap3A_433, %swap3A_434], %swap3A_437 {strides = array<i32>} : memref<200x64xf32, #tpu.memory_space<vmem>>, vector<1x16xf32>,
        %add3A_438 = arith.constant 2 : i32
        %add3A_439 = arith.addi %mul3A_209, %add3A_438 : i32
        %get3A_440 = arith.index_cast %add3A_439 : i32 to index
        %get3A_441 = arith.constant 32 : index
        %get3A_442 = tpu.vector_load %arg10[%get3A_440, %get3A_441] {strides = array<i32>} : memref<200x64xf32, #tpu.memory_space<vmem>>, vector<1x16xf32>,
        %get3A_443 = vector.shape_cast %get3A_442 : vector<1x16xf32> to vector<16xf32>
        %mul3A_444 = arith.constant 8.000000e+00 : f32
        %mul3A_445 = vector.broadcast %mul3A_444 : f32 to vector<16xf32>
        %mul3A_446 = arith.mulf %get3A_443, %mul3A_445 : vector<16xf32>
        %add3A_447 = arith.constant 2 : i32
        %add3A_448 = arith.addi %mul3A_209, %add3A_447 : i32
        %get3A_449 = arith.index_cast %add3A_448 : i32 to index
        %get3A_450 = arith.constant 32 : index
        %get3A_451 = tpu.vector_load %arg7[%get3A_449, %get3A_450] {strides = array<i32>} : memref<200x64xf32, #tpu.memory_space<vmem>>, vector<1x16xf32>,
        %get3A_452 = vector.shape_cast %get3A_451 : vector<1x16xf32> to vector<16xf32>
        %add3A_453 = arith.addf %mul3A_446, %get3A_452 : vector<16xf32>
        %add3A_454 = arith.constant 2 : i32
        %add3A_455 = arith.addi %mul3A_209, %add3A_454 : i32
        %swap3A_456 = arith.index_cast %add3A_455 : i32 to index
        %swap3A_457 = arith.constant 32 : index
        %swap3A_458 = tpu.vector_load %arg14[%swap3A_456, %swap3A_457] {strides = array<i32>} : memref<200x64xf32, #tpu.memory_space<vmem>>, vector<1x16xf32>,
        %swap3A_459 = vector.shape_cast %swap3A_458 : vector<1x16xf32> to vector<16xf32>
        %swap3A_460 = vector.shape_cast %add3A_453 : vector<16xf32> to vector<1x16xf32>
        tpu.vector_store %arg14[%swap3A_456, %swap3A_457], %swap3A_460 {strides = array<i32>} : memref<200x64xf32, #tpu.memory_space<vmem>>, vector<1x16xf32>,
        %add3A_461 = arith.constant 2 : i32
        %add3A_462 = arith.addi %mul3A_209, %add3A_461 : i32
        %get3A_463 = arith.index_cast %add3A_462 : i32 to index
        %get3A_464 = arith.constant 48 : index
        %get3A_465 = tpu.vector_load %arg10[%get3A_463, %get3A_464] {strides = array<i32>} : memref<200x64xf32, #tpu.memory_space<vmem>>, vector<1x16xf32>,
        %get3A_466 = vector.shape_cast %get3A_465 : vector<1x16xf32> to vector<16xf32>
        %mul3A_467 = arith.constant 8.000000e+00 : f32
        %mul3A_468 = vector.broadcast %mul3A_467 : f32 to vector<16xf32>
        %mul3A_469 = arith.mulf %get3A_466, %mul3A_468 : vector<16xf32>
        %add3A_470 = arith.constant 2 : i32
        %add3A_471 = arith.addi %mul3A_209, %add3A_470 : i32
        %get3A_472 = arith.index_cast %add3A_471 : i32 to index
        %get3A_473 = arith.constant 48 : index
        %get3A_474 = tpu.vector_load %arg7[%get3A_472, %get3A_473] {strides = array<i32>} : memref<200x64xf32, #tpu.memory_space<vmem>>, vector<1x16xf32>,
        %get3A_475 = vector.shape_cast %get3A_474 : vector<1x16xf32> to vector<16xf32>
        %add3A_476 = arith.addf %mul3A_469, %get3A_475 : vector<16xf32>
        %add3A_477 = arith.constant 2 : i32
        %add3A_478 = arith.addi %mul3A_209, %add3A_477 : i32
        %swap3A_479 = arith.index_cast %add3A_478 : i32 to index
        %swap3A_480 = arith.constant 48 : index
        %swap3A_481 = tpu.vector_load %arg14[%swap3A_479, %swap3A_480] {strides = array<i32>} : memref<200x64xf32, #tpu.memory_space<vmem>>, vector<1x16xf32>,
        %swap3A_482 = vector.shape_cast %swap3A_481 : vector<1x16xf32> to vector<16xf32>
        %swap3A_483 = vector.shape_cast %add3A_476 : vector<16xf32> to vector<1x16xf32>
        tpu.vector_store %arg14[%swap3A_479, %swap3A_480], %swap3A_483 {strides = array<i32>} : memref<200x64xf32, #tpu.memory_space<vmem>>, vector<1x16xf32>,
        %add3A_484 = arith.constant 3 : i32
        %add3A_485 = arith.addi %mul3A_209, %add3A_484 : i32
        %get3A_486 = arith.index_cast %add3A_485 : i32 to index
        %get3A_487 = arith.constant 0 : index
        %get3A_488 = tpu.vector_load %arg10[%get3A_486, %get3A_487] {strides = array<i32>} : memref<200x64xf32, #tpu.memory_space<vmem>>, vector<1x16xf32>,
        %get3A_489 = vector.shape_cast %get3A_488 : vector<1x16xf32> to vector<16xf32>
        %mul3A_490 = arith.constant 8.000000e+00 : f32
        %mul3A_491 = vector.broadcast %mul3A_490 : f32 to vector<16xf32>
        %mul3A_492 = arith.mulf %get3A_489, %mul3A_491 : vector<16xf32>
        %add3A_493 = arith.constant 3 : i32
        %add3A_494 = arith.addi %mul3A_209, %add3A_493 : i32
        %get3A_495 = arith.index_cast %add3A_494 : i32 to index
        %get3A_496 = arith.constant 0 : index
        %get3A_497 = tpu.vector_load %arg7[%get3A_495, %get3A_496] {strides = array<i32>} : memref<200x64xf32, #tpu.memory_space<vmem>>, vector<1x16xf32>,
        %get3A_498 = vector.shape_cast %get3A_497 : vector<1x16xf32> to vector<16xf32>
        %add3A_499 = arith.addf %mul3A_492, %get3A_498 : vector<16xf32>
        %add3A_500 = arith.constant 3 : i32
        %add3A_501 = arith.addi %mul3A_209, %add3A_500 : i32
        %swap3A_502 = arith.index_cast %add3A_501 : i32 to index
        %swap3A_503 = arith.constant 0 : index
        %swap3A_504 = tpu.vector_load %arg14[%swap3A_502, %swap3A_503] {strides = array<i32>} : memref<200x64xf32, #tpu.memory_space<vmem>>, vector<1x16xf32>,
        %swap3A_505 = vector.shape_cast %swap3A_504 : vector<1x16xf32> to vector<16xf32>
        %swap3A_506 = vector.shape_cast %add3A_499 : vector<16xf32> to vector<1x16xf32>
        tpu.vector_store %arg14[%swap3A_502, %swap3A_503], %swap3A_506 {strides = array<i32>} : memref<200x64xf32, #tpu.memory_space<vmem>>, vector<1x16xf32>,
        %add3A_507 = arith.constant 3 : i32
        %add3A_508 = arith.addi %mul3A_209, %add3A_507 : i32
        %get3A_509 = arith.index_cast %add3A_508 : i32 to index
        %get3A_510 = arith.constant 16 : index
        %get3A_511 = tpu.vector_load %arg10[%get3A_509, %get3A_510] {strides = array<i32>} : memref<200x64xf32, #tpu.memory_space<vmem>>, vector<1x16xf32>,
        %get3A_512 = vector.shape_cast %get3A_511 : vector<1x16xf32> to vector<16xf32>
        %mul3A_513 = arith.constant 8.000000e+00 : f32
        %mul3A_514 = vector.broadcast %mul3A_513 : f32 to vector<16xf32>
        %mul3A_515 = arith.mulf %get3A_512, %mul3A_514 : vector<16xf32>
        %add3A_516 = arith.constant 3 : i32
        %add3A_517 = arith.addi %mul3A_209, %add3A_516 : i32
        %get3A_518 = arith.index_cast %add3A_517 : i32 to index
        %get3A_519 = arith.constant 16 : index
        %get3A_520 = tpu.vector_load %arg7[%get3A_518, %get3A_519] {strides = array<i32>} : memref<200x64xf32, #tpu.memory_space<vmem>>, vector<1x16xf32>,
        %get3A_521 = vector.shape_cast %get3A_520 : vector<1x16xf32> to vector<16xf32>
        %add3A_522 = arith.addf %mul3A_515, %get3A_521 : vector<16xf32>
        %add3A_523 = arith.constant 3 : i32
        %add3A_524 = arith.addi %mul3A_209, %add3A_523 : i32
        %swap3A_525 = arith.index_cast %add3A_524 : i32 to index
        %swap3A_526 = arith.constant 16 : index
        %swap3A_527 = tpu.vector_load %arg14[%swap3A_525, %swap3A_526] {strides = array<i32>} : memref<200x64xf32, #tpu.memory_space<vmem>>, vector<1x16xf32>,
        %swap3A_528 = vector.shape_cast %swap3A_527 : vector<1x16xf32> to vector<16xf32>
        %swap3A_529 = vector.shape_cast %add3A_522 : vector<16xf32> to vector<1x16xf32>
        tpu.vector_store %arg14[%swap3A_525, %swap3A_526], %swap3A_529 {strides = array<i32>} : memref<200x64xf32, #tpu.memory_space<vmem>>, vector<1x16xf32>,
        %add3A_530 = arith.constant 3 : i32
        %add3A_531 = arith.addi %mul3A_209, %add3A_530 : i32
        %get3A_532 = arith.index_cast %add3A_531 : i32 to index
        %get3A_533 = arith.constant 32 : index
        %get3A_534 = tpu.vector_load %arg10[%get3A_532, %get3A_533] {strides = array<i32>} : memref<200x64xf32, #tpu.memory_space<vmem>>, vector<1x16xf32>,
        %get3A_535 = vector.shape_cast %get3A_534 : vector<1x16xf32> to vector<16xf32>
        %mul3A_536 = arith.constant 8.000000e+00 : f32
        %mul3A_537 = vector.broadcast %mul3A_536 : f32 to vector<16xf32>
        %mul3A_538 = arith.mulf %get3A_535, %mul3A_537 : vector<16xf32>
        %add3A_539 = arith.constant 3 : i32
        %add3A_540 = arith.addi %mul3A_209, %add3A_539 : i32
        %get3A_541 = arith.index_cast %add3A_540 : i32 to index
        %get3A_542 = arith.constant 32 : index
        %get3A_543 = tpu.vector_load %arg7[%get3A_541, %get3A_542] {strides = array<i32>} : memref<200x64xf32, #tpu.memory_space<vmem>>, vector<1x16xf32>,
        %get3A_544 = vector.shape_cast %get3A_543 : vector<1x16xf32> to vector<16xf32>
        %add3A_545 = arith.addf %mul3A_538, %get3A_544 : vector<16xf32>
        %add3A_546 = arith.constant 3 : i32
        %add3A_547 = arith.addi %mul3A_209, %add3A_546 : i32
        %swap3A_548 = arith.index_cast %add3A_547 : i32 to index
        %swap3A_549 = arith.constant 32 : index
        %swap3A_550 = tpu.vector_load %arg14[%swap3A_548, %swap3A_549] {strides = array<i32>} : memref<200x64xf32, #tpu.memory_space<vmem>>, vector<1x16xf32>,
        %swap3A_551 = vector.shape_cast %swap3A_550 : vector<1x16xf32> to vector<16xf32>
        %swap3A_552 = vector.shape_cast %add3A_545 : vector<16xf32> to vector<1x16xf32>
        tpu.vector_store %arg14[%swap3A_548, %swap3A_549], %swap3A_552 {strides = array<i32>} : memref<200x64xf32, #tpu.memory_space<vmem>>, vector<1x16xf32>,
        %add3A_553 = arith.constant 3 : i32
        %add3A_554 = arith.addi %mul3A_209, %add3A_553 : i32
        %get3A_555 = arith.index_cast %add3A_554 : i32 to index
        %get3A_556 = arith.constant 48 : index
        %get3A_557 = tpu.vector_load %arg10[%get3A_555, %get3A_556] {strides = array<i32>} : memref<200x64xf32, #tpu.memory_space<vmem>>, vector<1x16xf32>,
        %get3A_558 = vector.shape_cast %get3A_557 : vector<1x16xf32> to vector<16xf32>
        %mul3A_559 = arith.constant 8.000000e+00 : f32
        %mul3A_560 = vector.broadcast %mul3A_559 : f32 to vector<16xf32>
        %mul3A_561 = arith.mulf %get3A_558, %mul3A_560 : vector<16xf32>
        %add3A_562 = arith.constant 3 : i32
        %add3A_563 = arith.addi %mul3A_209, %add3A_562 : i32
        %get3A_564 = arith.index_cast %add3A_563 : i32 to index
        %get3A_565 = arith.constant 48 : index
        %get3A_566 = tpu.vector_load %arg7[%get3A_564, %get3A_565] {strides = array<i32>} : memref<200x64xf32, #tpu.memory_space<vmem>>, vector<1x16xf32>,
        %get3A_567 = vector.shape_cast %get3A_566 : vector<1x16xf32> to vector<16xf32>
        %add3A_568 = arith.addf %mul3A_561, %get3A_567 : vector<16xf32>
        %add3A_569 = arith.constant 3 : i32
        %add3A_570 = arith.addi %mul3A_209, %add3A_569 : i32
        %swap3A_571 = arith.index_cast %add3A_570 : i32 to index
        %swap3A_572 = arith.constant 48 : index
        %swap3A_573 = tpu.vector_load %arg14[%swap3A_571, %swap3A_572] {strides = array<i32>} : memref<200x64xf32, #tpu.memory_space<vmem>>, vector<1x16xf32>,
        %swap3A_574 = vector.shape_cast %swap3A_573 : vector<1x16xf32> to vector<16xf32>
        %swap3A_575 = vector.shape_cast %add3A_568 : vector<16xf32> to vector<1x16xf32>
        tpu.vector_store %arg14[%swap3A_571, %swap3A_572], %swap3A_575 {strides = array<i32>} : memref<200x64xf32, #tpu.memory_space<vmem>>, vector<1x16xf32>,
      }
      %scan3A_156 = arith.constant 50 : i32
      %lt3A_157 = arith.constant 7 : i32
      %lt3A_158 = arith.cmpi slt, %scan3A_66, %lt3A_157 : i32
      %convert_element_type3A_159 = arith.extui %lt3A_158 : i1 to i32
      %cond3A_160 = arith.constant 0 : i32
      %cond3A_161 = arith.cmpi ne, %convert_element_type3A_159, %cond3A_160 : i32
      scf.if %cond3A_161 {
        %add3A_207 = arith.constant 4 : i32
        %add3A_208 = arith.addi %add3A_138, %add3A_207 : i32
        %dma_start3A_209 = arith.constant 0 : i32
        %dma_start3A_210 = tpu.memref_slice %arg6[%add3A_208, %dma_start3A_209] : memref<32x200xi32, #tpu.memory_space<vmem>> -> memref<1x200xi32, #tpu.memory_space<vmem>>
        %dma_start3A_211 = tpu.memref_squeeze %dma_start3A_210 : memref<1x200xi32, #tpu.memory_space<vmem>> -> memref<200xi32, #tpu.memory_space<vmem>>
        %dma_start3A_212 = arith.constant 0 : i32
        %dma_start3A_213 = arith.constant 0 : i32
        %dma_start3A_214 = tpu.memref_slice %arg3[%dma_start3A_212, %dma_start3A_213] : memref<1000000x64xf32, #tpu.memory_space<hbm>> -> memref<1000000x64xf32, #tpu.memory_space<hbm>>
        tpu.enqueue_indirect_dma source(%dma_start3A_214 : memref<1000000x64xf32, #tpu.memory_space<hbm>>) target(%arg10 : memref<200x64xf32, #tpu.memory_space<vmem>>) offsets(%dma_start3A_211 : memref<200xi32, #tpu.memory_space<vmem>>) semaphore(%arg18 : memref<!tpu.dma_semaphore, #tpu.memory_space<semaphore_mem>>)
      } else {
      }
      %add3A_162 = arith.addi %mul3A_2, %add3A_138 : i32
      %dma_start3A_163 = arith.constant 0 : i32
      %dma_start3A_164 = arith.constant 0 : i32
      %dma_start3A_165 = tpu.memref_slice %arg5[%add3A_162, %dma_start3A_163, %dma_start3A_164] : memref<1024x200x64xf32, #tpu.memory_space<hbm>> -> memref<1x200x64xf32, #tpu.memory_space<hbm>>
      %dma_start3A_166 = tpu.memref_squeeze %dma_start3A_165 : memref<1x200x64xf32, #tpu.memory_space<hbm>> -> memref<200x64xf32, #tpu.memory_space<hbm>>
      %dma_start3A_167 = arith.constant 0 : i32
      %dma_start3A_168 = arith.constant 0 : i32
      %dma_start3A_169 = tpu.memref_slice %arg5[%add3A_162, %dma_start3A_167, %dma_start3A_168] : memref<1024x200x64xf32, #tpu.memory_space<hbm>> -> memref<1x200x64xf32, #tpu.memory_space<hbm>>
      %dma_start3A_170 = tpu.memref_squeeze %dma_start3A_169 : memref<1x200x64xf32, #tpu.memory_space<hbm>> -> memref<200x64xf32, #tpu.memory_space<hbm>>
      tpu.enqueue_dma source(%arg14 : memref<200x64xf32, #tpu.memory_space<vmem>>) target(%dma_start3A_170 : memref<200x64xf32, #tpu.memory_space<hbm>>) target_semaphore(%arg22 : memref<!tpu.dma_semaphore, #tpu.memory_space<semaphore_mem>>)
      %mul3A_171 = arith.constant 4 : i32
      %mul3A_172 = arith.muli %scan3A_66, %mul3A_171 : i32
      %add3A_173 = arith.constant 3 : i32
      %add3A_174 = arith.addi %mul3A_172, %add3A_173 : i32
      %dma_wait3A_175 = arith.constant 0 : i32
      %dma_wait3A_176 = arith.constant 0 : i32
      %dma_wait3A_177 = tpu.memref_slice %arg6[%dma_wait3A_175, %dma_wait3A_176] : memref<32x200xi32, #tpu.memory_space<vmem>> -> memref<1x200xi32, #tpu.memory_space<vmem>>
      %dma_wait3A_178 = tpu.memref_squeeze %dma_wait3A_177 : memref<1x200xi32, #tpu.memory_space<vmem>> -> memref<200xi32, #tpu.memory_space<vmem>>
      %dma_wait3A_179 = arith.constant 0 : i32
      %dma_wait3A_180 = arith.constant 0 : i32
      %dma_wait3A_181 = tpu.memref_slice %arg3[%dma_wait3A_179, %dma_wait3A_180] : memref<1000000x64xf32, #tpu.memory_space<hbm>> -> memref<1000000x64xf32, #tpu.memory_space<hbm>>
      tpu.wait_indirect_dma semaphore(%arg19 : memref<!tpu.dma_semaphore, #tpu.memory_space<semaphore_mem>>) src(%dma_wait3A_181 : memref<1000000x64xf32, #tpu.memory_space<hbm>>) dst(%arg11 : memref<200x64xf32, #tpu.memory_space<vmem>>)
      %gt3A_182 = arith.constant 0 : i32
      %gt3A_183 = arith.cmpi sgt, %scan3A_66, %gt3A_182 : i32
      %convert_element_type3A_184 = arith.extui %gt3A_183 : i1 to i32
      %cond3A_185 = arith.constant 0 : i32
      %cond3A_186 = arith.cmpi ne, %convert_element_type3A_184, %cond3A_185 : i32
      scf.if %cond3A_186 {
        %dma_wait3A_207 = arith.constant 0 : i32
        %dma_wait3A_208 = arith.constant 0 : i32
        %dma_wait3A_209 = tpu.memref_slice %arg5[%mul3A_2, %dma_wait3A_207, %dma_wait3A_208] : memref<1024x200x64xf32, #tpu.memory_space<hbm>> -> memref<1x200x64xf32, #tpu.memory_space<hbm>>
        %dma_wait3A_210 = tpu.memref_squeeze %dma_wait3A_209 : memref<1x200x64xf32, #tpu.memory_space<hbm>> -> memref<200x64xf32, #tpu.memory_space<hbm>>
        %dma_wait3A_211 = arith.constant 0 : i32
        %dma_wait3A_212 = arith.constant 0 : i32
        %dma_wait3A_213 = tpu.memref_slice %arg5[%mul3A_2, %dma_wait3A_211, %dma_wait3A_212] : memref<1024x200x64xf32, #tpu.memory_space<hbm>> -> memref<1x200x64xf32, #tpu.memory_space<hbm>>
        %dma_wait3A_214 = tpu.memref_squeeze %dma_wait3A_213 : memref<1x200x64xf32, #tpu.memory_space<hbm>> -> memref<200x64xf32, #tpu.memory_space<hbm>>
        tpu.wait_dma2 semaphore(%arg23 : memref<!tpu.dma_semaphore, #tpu.memory_space<semaphore_mem>>) src(%arg15 : memref<200x64xf32, #tpu.memory_space<vmem>>) dst(%dma_wait3A_214 : memref<200x64xf32, #tpu.memory_space<hbm>>)
      } else {
      }
      %scan3A_187 = arith.constant 0 : i32
      %scan3A_188 = arith.constant 0 : i32
      %scan3A_189 = arith.constant 50 : i32
      %scan3A_190 = arith.addi %scan3A_188, %scan3A_189 : i32
      %scan3A_191 = arith.constant 1 : i32
      scf.for %scan3A_207 = %scan3A_188 to %scan3A_190 step %scan3A_191  : i32 {
        %mul3A_208 = arith.constant 4 : i32
        %mul3A_209 = arith.muli %scan3A_207, %mul3A_208 : i32
        %add3A_210 = arith.constant 0 : i32
        %add3A_211 = arith.addi %mul3A_209, %add3A_210 : i32
        %get3A = arith.index_cast %add3A_211 : i32 to index
        %get3A_212 = arith.constant 0 : index
        %get3A_213 = tpu.vector_load %arg11[%get3A, %get3A_212] {strides = array<i32>} : memref<200x64xf32, #tpu.memory_space<vmem>>, vector<1x16xf32>,
        %get3A_214 = vector.shape_cast %get3A_213 : vector<1x16xf32> to vector<16xf32>
        %mul3A_215 = arith.constant 8.000000e+00 : f32
        %mul3A_216 = vector.broadcast %mul3A_215 : f32 to vector<16xf32>
        %mul3A_217 = arith.mulf %get3A_214, %mul3A_216 : vector<16xf32>
        %add3A_218 = arith.constant 0 : i32
        %add3A_219 = arith.addi %mul3A_209, %add3A_218 : i32
        %get3A_220 = arith.index_cast %add3A_219 : i32 to index
        %get3A_221 = arith.constant 0 : index
        %get3A_222 = tpu.vector_load %arg7[%get3A_220, %get3A_221] {strides = array<i32>} : memref<200x64xf32, #tpu.memory_space<vmem>>, vector<1x16xf32>,
        %get3A_223 = vector.shape_cast %get3A_222 : vector<1x16xf32> to vector<16xf32>
        %add3A_224 = arith.addf %mul3A_217, %get3A_223 : vector<16xf32>
        %add3A_225 = arith.constant 0 : i32
        %add3A_226 = arith.addi %mul3A_209, %add3A_225 : i32
        %swap3A = arith.index_cast %add3A_226 : i32 to index
        %swap3A_227 = arith.constant 0 : index
        %swap3A_228 = tpu.vector_load %arg15[%swap3A, %swap3A_227] {strides = array<i32>} : memref<200x64xf32, #tpu.memory_space<vmem>>, vector<1x16xf32>,
        %swap3A_229 = vector.shape_cast %swap3A_228 : vector<1x16xf32> to vector<16xf32>
        %swap3A_230 = vector.shape_cast %add3A_224 : vector<16xf32> to vector<1x16xf32>
        tpu.vector_store %arg15[%swap3A, %swap3A_227], %swap3A_230 {strides = array<i32>} : memref<200x64xf32, #tpu.memory_space<vmem>>, vector<1x16xf32>,
        %add3A_231 = arith.constant 0 : i32
        %add3A_232 = arith.addi %mul3A_209, %add3A_231 : i32
        %get3A_233 = arith.index_cast %add3A_232 : i32 to index
        %get3A_234 = arith.constant 16 : index
        %get3A_235 = tpu.vector_load %arg11[%get3A_233, %get3A_234] {strides = array<i32>} : memref<200x64xf32, #tpu.memory_space<vmem>>, vector<1x16xf32>,
        %get3A_236 = vector.shape_cast %get3A_235 : vector<1x16xf32> to vector<16xf32>
        %mul3A_237 = arith.constant 8.000000e+00 : f32
        %mul3A_238 = vector.broadcast %mul3A_237 : f32 to vector<16xf32>
        %mul3A_239 = arith.mulf %get3A_236, %mul3A_238 : vector<16xf32>
        %add3A_240 = arith.constant 0 : i32
        %add3A_241 = arith.addi %mul3A_209, %add3A_240 : i32
        %get3A_242 = arith.index_cast %add3A_241 : i32 to index
        %get3A_243 = arith.constant 16 : index
        %get3A_244 = tpu.vector_load %arg7[%get3A_242, %get3A_243] {strides = array<i32>} : memref<200x64xf32, #tpu.memory_space<vmem>>, vector<1x16xf32>,
        %get3A_245 = vector.shape_cast %get3A_244 : vector<1x16xf32> to vector<16xf32>
        %add3A_246 = arith.addf %mul3A_239, %get3A_245 : vector<16xf32>
        %add3A_247 = arith.constant 0 : i32
        %add3A_248 = arith.addi %mul3A_209, %add3A_247 : i32
        %swap3A_249 = arith.index_cast %add3A_248 : i32 to index
        %swap3A_250 = arith.constant 16 : index
        %swap3A_251 = tpu.vector_load %arg15[%swap3A_249, %swap3A_250] {strides = array<i32>} : memref<200x64xf32, #tpu.memory_space<vmem>>, vector<1x16xf32>,
        %swap3A_252 = vector.shape_cast %swap3A_251 : vector<1x16xf32> to vector<16xf32>
        %swap3A_253 = vector.shape_cast %add3A_246 : vector<16xf32> to vector<1x16xf32>
        tpu.vector_store %arg15[%swap3A_249, %swap3A_250], %swap3A_253 {strides = array<i32>} : memref<200x64xf32, #tpu.memory_space<vmem>>, vector<1x16xf32>,
        %add3A_254 = arith.constant 0 : i32
        %add3A_255 = arith.addi %mul3A_209, %add3A_254 : i32
        %get3A_256 = arith.index_cast %add3A_255 : i32 to index
        %get3A_257 = arith.constant 32 : index
        %get3A_258 = tpu.vector_load %arg11[%get3A_256, %get3A_257] {strides = array<i32>} : memref<200x64xf32, #tpu.memory_space<vmem>>, vector<1x16xf32>,
        %get3A_259 = vector.shape_cast %get3A_258 : vector<1x16xf32> to vector<16xf32>
        %mul3A_260 = arith.constant 8.000000e+00 : f32
        %mul3A_261 = vector.broadcast %mul3A_260 : f32 to vector<16xf32>
        %mul3A_262 = arith.mulf %get3A_259, %mul3A_261 : vector<16xf32>
        %add3A_263 = arith.constant 0 : i32
        %add3A_264 = arith.addi %mul3A_209, %add3A_263 : i32
        %get3A_265 = arith.index_cast %add3A_264 : i32 to index
        %get3A_266 = arith.constant 32 : index
        %get3A_267 = tpu.vector_load %arg7[%get3A_265, %get3A_266] {strides = array<i32>} : memref<200x64xf32, #tpu.memory_space<vmem>>, vector<1x16xf32>,
        %get3A_268 = vector.shape_cast %get3A_267 : vector<1x16xf32> to vector<16xf32>
        %add3A_269 = arith.addf %mul3A_262, %get3A_268 : vector<16xf32>
        %add3A_270 = arith.constant 0 : i32
        %add3A_271 = arith.addi %mul3A_209, %add3A_270 : i32
        %swap3A_272 = arith.index_cast %add3A_271 : i32 to index
        %swap3A_273 = arith.constant 32 : index
        %swap3A_274 = tpu.vector_load %arg15[%swap3A_272, %swap3A_273] {strides = array<i32>} : memref<200x64xf32, #tpu.memory_space<vmem>>, vector<1x16xf32>,
        %swap3A_275 = vector.shape_cast %swap3A_274 : vector<1x16xf32> to vector<16xf32>
        %swap3A_276 = vector.shape_cast %add3A_269 : vector<16xf32> to vector<1x16xf32>
        tpu.vector_store %arg15[%swap3A_272, %swap3A_273], %swap3A_276 {strides = array<i32>} : memref<200x64xf32, #tpu.memory_space<vmem>>, vector<1x16xf32>,
        %add3A_277 = arith.constant 0 : i32
        %add3A_278 = arith.addi %mul3A_209, %add3A_277 : i32
        %get3A_279 = arith.index_cast %add3A_278 : i32 to index
        %get3A_280 = arith.constant 48 : index
        %get3A_281 = tpu.vector_load %arg11[%get3A_279, %get3A_280] {strides = array<i32>} : memref<200x64xf32, #tpu.memory_space<vmem>>, vector<1x16xf32>,
        %get3A_282 = vector.shape_cast %get3A_281 : vector<1x16xf32> to vector<16xf32>
        %mul3A_283 = arith.constant 8.000000e+00 : f32
        %mul3A_284 = vector.broadcast %mul3A_283 : f32 to vector<16xf32>
        %mul3A_285 = arith.mulf %get3A_282, %mul3A_284 : vector<16xf32>
        %add3A_286 = arith.constant 0 : i32
        %add3A_287 = arith.addi %mul3A_209, %add3A_286 : i32
        %get3A_288 = arith.index_cast %add3A_287 : i32 to index
        %get3A_289 = arith.constant 48 : index
        %get3A_290 = tpu.vector_load %arg7[%get3A_288, %get3A_289] {strides = array<i32>} : memref<200x64xf32, #tpu.memory_space<vmem>>, vector<1x16xf32>,
        %get3A_291 = vector.shape_cast %get3A_290 : vector<1x16xf32> to vector<16xf32>
        %add3A_292 = arith.addf %mul3A_285, %get3A_291 : vector<16xf32>
        %add3A_293 = arith.constant 0 : i32
        %add3A_294 = arith.addi %mul3A_209, %add3A_293 : i32
        %swap3A_295 = arith.index_cast %add3A_294 : i32 to index
        %swap3A_296 = arith.constant 48 : index
        %swap3A_297 = tpu.vector_load %arg15[%swap3A_295, %swap3A_296] {strides = array<i32>} : memref<200x64xf32, #tpu.memory_space<vmem>>, vector<1x16xf32>,
        %swap3A_298 = vector.shape_cast %swap3A_297 : vector<1x16xf32> to vector<16xf32>
        %swap3A_299 = vector.shape_cast %add3A_292 : vector<16xf32> to vector<1x16xf32>
        tpu.vector_store %arg15[%swap3A_295, %swap3A_296], %swap3A_299 {strides = array<i32>} : memref<200x64xf32, #tpu.memory_space<vmem>>, vector<1x16xf32>,
        %add3A_300 = arith.constant 1 : i32
        %add3A_301 = arith.addi %mul3A_209, %add3A_300 : i32
        %get3A_302 = arith.index_cast %add3A_301 : i32 to index
        %get3A_303 = arith.constant 0 : index
        %get3A_304 = tpu.vector_load %arg11[%get3A_302, %get3A_303] {strides = array<i32>} : memref<200x64xf32, #tpu.memory_space<vmem>>, vector<1x16xf32>,
        %get3A_305 = vector.shape_cast %get3A_304 : vector<1x16xf32> to vector<16xf32>
        %mul3A_306 = arith.constant 8.000000e+00 : f32
        %mul3A_307 = vector.broadcast %mul3A_306 : f32 to vector<16xf32>
        %mul3A_308 = arith.mulf %get3A_305, %mul3A_307 : vector<16xf32>
        %add3A_309 = arith.constant 1 : i32
        %add3A_310 = arith.addi %mul3A_209, %add3A_309 : i32
        %get3A_311 = arith.index_cast %add3A_310 : i32 to index
        %get3A_312 = arith.constant 0 : index
        %get3A_313 = tpu.vector_load %arg7[%get3A_311, %get3A_312] {strides = array<i32>} : memref<200x64xf32, #tpu.memory_space<vmem>>, vector<1x16xf32>,
        %get3A_314 = vector.shape_cast %get3A_313 : vector<1x16xf32> to vector<16xf32>
        %add3A_315 = arith.addf %mul3A_308, %get3A_314 : vector<16xf32>
        %add3A_316 = arith.constant 1 : i32
        %add3A_317 = arith.addi %mul3A_209, %add3A_316 : i32
        %swap3A_318 = arith.index_cast %add3A_317 : i32 to index
        %swap3A_319 = arith.constant 0 : index
        %swap3A_320 = tpu.vector_load %arg15[%swap3A_318, %swap3A_319] {strides = array<i32>} : memref<200x64xf32, #tpu.memory_space<vmem>>, vector<1x16xf32>,
        %swap3A_321 = vector.shape_cast %swap3A_320 : vector<1x16xf32> to vector<16xf32>
        %swap3A_322 = vector.shape_cast %add3A_315 : vector<16xf32> to vector<1x16xf32>
        tpu.vector_store %arg15[%swap3A_318, %swap3A_319], %swap3A_322 {strides = array<i32>} : memref<200x64xf32, #tpu.memory_space<vmem>>, vector<1x16xf32>,
        %add3A_323 = arith.constant 1 : i32
        %add3A_324 = arith.addi %mul3A_209, %add3A_323 : i32
        %get3A_325 = arith.index_cast %add3A_324 : i32 to index
        %get3A_326 = arith.constant 16 : index
        %get3A_327 = tpu.vector_load %arg11[%get3A_325, %get3A_326] {strides = array<i32>} : memref<200x64xf32, #tpu.memory_space<vmem>>, vector<1x16xf32>,
        %get3A_328 = vector.shape_cast %get3A_327 : vector<1x16xf32> to vector<16xf32>
        %mul3A_329 = arith.constant 8.000000e+00 : f32
        %mul3A_330 = vector.broadcast %mul3A_329 : f32 to vector<16xf32>
        %mul3A_331 = arith.mulf %get3A_328, %mul3A_330 : vector<16xf32>
        %add3A_332 = arith.constant 1 : i32
        %add3A_333 = arith.addi %mul3A_209, %add3A_332 : i32
        %get3A_334 = arith.index_cast %add3A_333 : i32 to index
        %get3A_335 = arith.constant 16 : index
        %get3A_336 = tpu.vector_load %arg7[%get3A_334, %get3A_335] {strides = array<i32>} : memref<200x64xf32, #tpu.memory_space<vmem>>, vector<1x16xf32>,
        %get3A_337 = vector.shape_cast %get3A_336 : vector<1x16xf32> to vector<16xf32>
        %add3A_338 = arith.addf %mul3A_331, %get3A_337 : vector<16xf32>
        %add3A_339 = arith.constant 1 : i32
        %add3A_340 = arith.addi %mul3A_209, %add3A_339 : i32
        %swap3A_341 = arith.index_cast %add3A_340 : i32 to index
        %swap3A_342 = arith.constant 16 : index
        %swap3A_343 = tpu.vector_load %arg15[%swap3A_341, %swap3A_342] {strides = array<i32>} : memref<200x64xf32, #tpu.memory_space<vmem>>, vector<1x16xf32>,
        %swap3A_344 = vector.shape_cast %swap3A_343 : vector<1x16xf32> to vector<16xf32>
        %swap3A_345 = vector.shape_cast %add3A_338 : vector<16xf32> to vector<1x16xf32>
        tpu.vector_store %arg15[%swap3A_341, %swap3A_342], %swap3A_345 {strides = array<i32>} : memref<200x64xf32, #tpu.memory_space<vmem>>, vector<1x16xf32>,
        %add3A_346 = arith.constant 1 : i32
        %add3A_347 = arith.addi %mul3A_209, %add3A_346 : i32
        %get3A_348 = arith.index_cast %add3A_347 : i32 to index
        %get3A_349 = arith.constant 32 : index
        %get3A_350 = tpu.vector_load %arg11[%get3A_348, %get3A_349] {strides = array<i32>} : memref<200x64xf32, #tpu.memory_space<vmem>>, vector<1x16xf32>,
        %get3A_351 = vector.shape_cast %get3A_350 : vector<1x16xf32> to vector<16xf32>
        %mul3A_352 = arith.constant 8.000000e+00 : f32
        %mul3A_353 = vector.broadcast %mul3A_352 : f32 to vector<16xf32>
        %mul3A_354 = arith.mulf %get3A_351, %mul3A_353 : vector<16xf32>
        %add3A_355 = arith.constant 1 : i32
        %add3A_356 = arith.addi %mul3A_209, %add3A_355 : i32
        %get3A_357 = arith.index_cast %add3A_356 : i32 to index
        %get3A_358 = arith.constant 32 : index
        %get3A_359 = tpu.vector_load %arg7[%get3A_357, %get3A_358] {strides = array<i32>} : memref<200x64xf32, #tpu.memory_space<vmem>>, vector<1x16xf32>,
        %get3A_360 = vector.shape_cast %get3A_359 : vector<1x16xf32> to vector<16xf32>
        %add3A_361 = arith.addf %mul3A_354, %get3A_360 : vector<16xf32>
        %add3A_362 = arith.constant 1 : i32
        %add3A_363 = arith.addi %mul3A_209, %add3A_362 : i32
        %swap3A_364 = arith.index_cast %add3A_363 : i32 to index
        %swap3A_365 = arith.constant 32 : index
        %swap3A_366 = tpu.vector_load %arg15[%swap3A_364, %swap3A_365] {strides = array<i32>} : memref<200x64xf32, #tpu.memory_space<vmem>>, vector<1x16xf32>,
        %swap3A_367 = vector.shape_cast %swap3A_366 : vector<1x16xf32> to vector<16xf32>
        %swap3A_368 = vector.shape_cast %add3A_361 : vector<16xf32> to vector<1x16xf32>
        tpu.vector_store %arg15[%swap3A_364, %swap3A_365], %swap3A_368 {strides = array<i32>} : memref<200x64xf32, #tpu.memory_space<vmem>>, vector<1x16xf32>,
        %add3A_369 = arith.constant 1 : i32
        %add3A_370 = arith.addi %mul3A_209, %add3A_369 : i32
        %get3A_371 = arith.index_cast %add3A_370 : i32 to index
        %get3A_372 = arith.constant 48 : index
        %get3A_373 = tpu.vector_load %arg11[%get3A_371, %get3A_372] {strides = array<i32>} : memref<200x64xf32, #tpu.memory_space<vmem>>, vector<1x16xf32>,
        %get3A_374 = vector.shape_cast %get3A_373 : vector<1x16xf32> to vector<16xf32>
        %mul3A_375 = arith.constant 8.000000e+00 : f32
        %mul3A_376 = vector.broadcast %mul3A_375 : f32 to vector<16xf32>
        %mul3A_377 = arith.mulf %get3A_374, %mul3A_376 : vector<16xf32>
        %add3A_378 = arith.constant 1 : i32
        %add3A_379 = arith.addi %mul3A_209, %add3A_378 : i32
        %get3A_380 = arith.index_cast %add3A_379 : i32 to index
        %get3A_381 = arith.constant 48 : index
        %get3A_382 = tpu.vector_load %arg7[%get3A_380, %get3A_381] {strides = array<i32>} : memref<200x64xf32, #tpu.memory_space<vmem>>, vector<1x16xf32>,
        %get3A_383 = vector.shape_cast %get3A_382 : vector<1x16xf32> to vector<16xf32>
        %add3A_384 = arith.addf %mul3A_377, %get3A_383 : vector<16xf32>
        %add3A_385 = arith.constant 1 : i32
        %add3A_386 = arith.addi %mul3A_209, %add3A_385 : i32
        %swap3A_387 = arith.index_cast %add3A_386 : i32 to index
        %swap3A_388 = arith.constant 48 : index
        %swap3A_389 = tpu.vector_load %arg15[%swap3A_387, %swap3A_388] {strides = array<i32>} : memref<200x64xf32, #tpu.memory_space<vmem>>, vector<1x16xf32>,
        %swap3A_390 = vector.shape_cast %swap3A_389 : vector<1x16xf32> to vector<16xf32>
        %swap3A_391 = vector.shape_cast %add3A_384 : vector<16xf32> to vector<1x16xf32>
        tpu.vector_store %arg15[%swap3A_387, %swap3A_388], %swap3A_391 {strides = array<i32>} : memref<200x64xf32, #tpu.memory_space<vmem>>, vector<1x16xf32>,
        %add3A_392 = arith.constant 2 : i32
        %add3A_393 = arith.addi %mul3A_209, %add3A_392 : i32
        %get3A_394 = arith.index_cast %add3A_393 : i32 to index
        %get3A_395 = arith.constant 0 : index
        %get3A_396 = tpu.vector_load %arg11[%get3A_394, %get3A_395] {strides = array<i32>} : memref<200x64xf32, #tpu.memory_space<vmem>>, vector<1x16xf32>,
        %get3A_397 = vector.shape_cast %get3A_396 : vector<1x16xf32> to vector<16xf32>
        %mul3A_398 = arith.constant 8.000000e+00 : f32
        %mul3A_399 = vector.broadcast %mul3A_398 : f32 to vector<16xf32>
        %mul3A_400 = arith.mulf %get3A_397, %mul3A_399 : vector<16xf32>
        %add3A_401 = arith.constant 2 : i32
        %add3A_402 = arith.addi %mul3A_209, %add3A_401 : i32
        %get3A_403 = arith.index_cast %add3A_402 : i32 to index
        %get3A_404 = arith.constant 0 : index
        %get3A_405 = tpu.vector_load %arg7[%get3A_403, %get3A_404] {strides = array<i32>} : memref<200x64xf32, #tpu.memory_space<vmem>>, vector<1x16xf32>,
        %get3A_406 = vector.shape_cast %get3A_405 : vector<1x16xf32> to vector<16xf32>
        %add3A_407 = arith.addf %mul3A_400, %get3A_406 : vector<16xf32>
        %add3A_408 = arith.constant 2 : i32
        %add3A_409 = arith.addi %mul3A_209, %add3A_408 : i32
        %swap3A_410 = arith.index_cast %add3A_409 : i32 to index
        %swap3A_411 = arith.constant 0 : index
        %swap3A_412 = tpu.vector_load %arg15[%swap3A_410, %swap3A_411] {strides = array<i32>} : memref<200x64xf32, #tpu.memory_space<vmem>>, vector<1x16xf32>,
        %swap3A_413 = vector.shape_cast %swap3A_412 : vector<1x16xf32> to vector<16xf32>
        %swap3A_414 = vector.shape_cast %add3A_407 : vector<16xf32> to vector<1x16xf32>
        tpu.vector_store %arg15[%swap3A_410, %swap3A_411], %swap3A_414 {strides = array<i32>} : memref<200x64xf32, #tpu.memory_space<vmem>>, vector<1x16xf32>,
        %add3A_415 = arith.constant 2 : i32
        %add3A_416 = arith.addi %mul3A_209, %add3A_415 : i32
        %get3A_417 = arith.index_cast %add3A_416 : i32 to index
        %get3A_418 = arith.constant 16 : index
        %get3A_419 = tpu.vector_load %arg11[%get3A_417, %get3A_418] {strides = array<i32>} : memref<200x64xf32, #tpu.memory_space<vmem>>, vector<1x16xf32>,
        %get3A_420 = vector.shape_cast %get3A_419 : vector<1x16xf32> to vector<16xf32>
        %mul3A_421 = arith.constant 8.000000e+00 : f32
        %mul3A_422 = vector.broadcast %mul3A_421 : f32 to vector<16xf32>
        %mul3A_423 = arith.mulf %get3A_420, %mul3A_422 : vector<16xf32>
        %add3A_424 = arith.constant 2 : i32
        %add3A_425 = arith.addi %mul3A_209, %add3A_424 : i32
        %get3A_426 = arith.index_cast %add3A_425 : i32 to index
        %get3A_427 = arith.constant 16 : index
        %get3A_428 = tpu.vector_load %arg7[%get3A_426, %get3A_427] {strides = array<i32>} : memref<200x64xf32, #tpu.memory_space<vmem>>, vector<1x16xf32>,
        %get3A_429 = vector.shape_cast %get3A_428 : vector<1x16xf32> to vector<16xf32>
        %add3A_430 = arith.addf %mul3A_423, %get3A_429 : vector<16xf32>
        %add3A_431 = arith.constant 2 : i32
        %add3A_432 = arith.addi %mul3A_209, %add3A_431 : i32
        %swap3A_433 = arith.index_cast %add3A_432 : i32 to index
        %swap3A_434 = arith.constant 16 : index
        %swap3A_435 = tpu.vector_load %arg15[%swap3A_433, %swap3A_434] {strides = array<i32>} : memref<200x64xf32, #tpu.memory_space<vmem>>, vector<1x16xf32>,
        %swap3A_436 = vector.shape_cast %swap3A_435 : vector<1x16xf32> to vector<16xf32>
        %swap3A_437 = vector.shape_cast %add3A_430 : vector<16xf32> to vector<1x16xf32>
        tpu.vector_store %arg15[%swap3A_433, %swap3A_434], %swap3A_437 {strides = array<i32>} : memref<200x64xf32, #tpu.memory_space<vmem>>, vector<1x16xf32>,
        %add3A_438 = arith.constant 2 : i32
        %add3A_439 = arith.addi %mul3A_209, %add3A_438 : i32
        %get3A_440 = arith.index_cast %add3A_439 : i32 to index
        %get3A_441 = arith.constant 32 : index
        %get3A_442 = tpu.vector_load %arg11[%get3A_440, %get3A_441] {strides = array<i32>} : memref<200x64xf32, #tpu.memory_space<vmem>>, vector<1x16xf32>,
        %get3A_443 = vector.shape_cast %get3A_442 : vector<1x16xf32> to vector<16xf32>
        %mul3A_444 = arith.constant 8.000000e+00 : f32
        %mul3A_445 = vector.broadcast %mul3A_444 : f32 to vector<16xf32>
        %mul3A_446 = arith.mulf %get3A_443, %mul3A_445 : vector<16xf32>
        %add3A_447 = arith.constant 2 : i32
        %add3A_448 = arith.addi %mul3A_209, %add3A_447 : i32
        %get3A_449 = arith.index_cast %add3A_448 : i32 to index
        %get3A_450 = arith.constant 32 : index
        %get3A_451 = tpu.vector_load %arg7[%get3A_449, %get3A_450] {strides = array<i32>} : memref<200x64xf32, #tpu.memory_space<vmem>>, vector<1x16xf32>,
        %get3A_452 = vector.shape_cast %get3A_451 : vector<1x16xf32> to vector<16xf32>
        %add3A_453 = arith.addf %mul3A_446, %get3A_452 : vector<16xf32>
        %add3A_454 = arith.constant 2 : i32
        %add3A_455 = arith.addi %mul3A_209, %add3A_454 : i32
        %swap3A_456 = arith.index_cast %add3A_455 : i32 to index
        %swap3A_457 = arith.constant 32 : index
        %swap3A_458 = tpu.vector_load %arg15[%swap3A_456, %swap3A_457] {strides = array<i32>} : memref<200x64xf32, #tpu.memory_space<vmem>>, vector<1x16xf32>,
        %swap3A_459 = vector.shape_cast %swap3A_458 : vector<1x16xf32> to vector<16xf32>
        %swap3A_460 = vector.shape_cast %add3A_453 : vector<16xf32> to vector<1x16xf32>
        tpu.vector_store %arg15[%swap3A_456, %swap3A_457], %swap3A_460 {strides = array<i32>} : memref<200x64xf32, #tpu.memory_space<vmem>>, vector<1x16xf32>,
        %add3A_461 = arith.constant 2 : i32
        %add3A_462 = arith.addi %mul3A_209, %add3A_461 : i32
        %get3A_463 = arith.index_cast %add3A_462 : i32 to index
        %get3A_464 = arith.constant 48 : index
        %get3A_465 = tpu.vector_load %arg11[%get3A_463, %get3A_464] {strides = array<i32>} : memref<200x64xf32, #tpu.memory_space<vmem>>, vector<1x16xf32>,
        %get3A_466 = vector.shape_cast %get3A_465 : vector<1x16xf32> to vector<16xf32>
        %mul3A_467 = arith.constant 8.000000e+00 : f32
        %mul3A_468 = vector.broadcast %mul3A_467 : f32 to vector<16xf32>
        %mul3A_469 = arith.mulf %get3A_466, %mul3A_468 : vector<16xf32>
        %add3A_470 = arith.constant 2 : i32
        %add3A_471 = arith.addi %mul3A_209, %add3A_470 : i32
        %get3A_472 = arith.index_cast %add3A_471 : i32 to index
        %get3A_473 = arith.constant 48 : index
        %get3A_474 = tpu.vector_load %arg7[%get3A_472, %get3A_473] {strides = array<i32>} : memref<200x64xf32, #tpu.memory_space<vmem>>, vector<1x16xf32>,
        %get3A_475 = vector.shape_cast %get3A_474 : vector<1x16xf32> to vector<16xf32>
        %add3A_476 = arith.addf %mul3A_469, %get3A_475 : vector<16xf32>
        %add3A_477 = arith.constant 2 : i32
        %add3A_478 = arith.addi %mul3A_209, %add3A_477 : i32
        %swap3A_479 = arith.index_cast %add3A_478 : i32 to index
        %swap3A_480 = arith.constant 48 : index
        %swap3A_481 = tpu.vector_load %arg15[%swap3A_479, %swap3A_480] {strides = array<i32>} : memref<200x64xf32, #tpu.memory_space<vmem>>, vector<1x16xf32>,
        %swap3A_482 = vector.shape_cast %swap3A_481 : vector<1x16xf32> to vector<16xf32>
        %swap3A_483 = vector.shape_cast %add3A_476 : vector<16xf32> to vector<1x16xf32>
        tpu.vector_store %arg15[%swap3A_479, %swap3A_480], %swap3A_483 {strides = array<i32>} : memref<200x64xf32, #tpu.memory_space<vmem>>, vector<1x16xf32>,
        %add3A_484 = arith.constant 3 : i32
        %add3A_485 = arith.addi %mul3A_209, %add3A_484 : i32
        %get3A_486 = arith.index_cast %add3A_485 : i32 to index
        %get3A_487 = arith.constant 0 : index
        %get3A_488 = tpu.vector_load %arg11[%get3A_486, %get3A_487] {strides = array<i32>} : memref<200x64xf32, #tpu.memory_space<vmem>>, vector<1x16xf32>,
        %get3A_489 = vector.shape_cast %get3A_488 : vector<1x16xf32> to vector<16xf32>
        %mul3A_490 = arith.constant 8.000000e+00 : f32
        %mul3A_491 = vector.broadcast %mul3A_490 : f32 to vector<16xf32>
        %mul3A_492 = arith.mulf %get3A_489, %mul3A_491 : vector<16xf32>
        %add3A_493 = arith.constant 3 : i32
        %add3A_494 = arith.addi %mul3A_209, %add3A_493 : i32
        %get3A_495 = arith.index_cast %add3A_494 : i32 to index
        %get3A_496 = arith.constant 0 : index
        %get3A_497 = tpu.vector_load %arg7[%get3A_495, %get3A_496] {strides = array<i32>} : memref<200x64xf32, #tpu.memory_space<vmem>>, vector<1x16xf32>,
        %get3A_498 = vector.shape_cast %get3A_497 : vector<1x16xf32> to vector<16xf32>
        %add3A_499 = arith.addf %mul3A_492, %get3A_498 : vector<16xf32>
        %add3A_500 = arith.constant 3 : i32
        %add3A_501 = arith.addi %mul3A_209, %add3A_500 : i32
        %swap3A_502 = arith.index_cast %add3A_501 : i32 to index
        %swap3A_503 = arith.constant 0 : index
        %swap3A_504 = tpu.vector_load %arg15[%swap3A_502, %swap3A_503] {strides = array<i32>} : memref<200x64xf32, #tpu.memory_space<vmem>>, vector<1x16xf32>,
        %swap3A_505 = vector.shape_cast %swap3A_504 : vector<1x16xf32> to vector<16xf32>
        %swap3A_506 = vector.shape_cast %add3A_499 : vector<16xf32> to vector<1x16xf32>
        tpu.vector_store %arg15[%swap3A_502, %swap3A_503], %swap3A_506 {strides = array<i32>} : memref<200x64xf32, #tpu.memory_space<vmem>>, vector<1x16xf32>,
        %add3A_507 = arith.constant 3 : i32
        %add3A_508 = arith.addi %mul3A_209, %add3A_507 : i32
        %get3A_509 = arith.index_cast %add3A_508 : i32 to index
        %get3A_510 = arith.constant 16 : index
        %get3A_511 = tpu.vector_load %arg11[%get3A_509, %get3A_510] {strides = array<i32>} : memref<200x64xf32, #tpu.memory_space<vmem>>, vector<1x16xf32>,
        %get3A_512 = vector.shape_cast %get3A_511 : vector<1x16xf32> to vector<16xf32>
        %mul3A_513 = arith.constant 8.000000e+00 : f32
        %mul3A_514 = vector.broadcast %mul3A_513 : f32 to vector<16xf32>
        %mul3A_515 = arith.mulf %get3A_512, %mul3A_514 : vector<16xf32>
        %add3A_516 = arith.constant 3 : i32
        %add3A_517 = arith.addi %mul3A_209, %add3A_516 : i32
        %get3A_518 = arith.index_cast %add3A_517 : i32 to index
        %get3A_519 = arith.constant 16 : index
        %get3A_520 = tpu.vector_load %arg7[%get3A_518, %get3A_519] {strides = array<i32>} : memref<200x64xf32, #tpu.memory_space<vmem>>, vector<1x16xf32>,
        %get3A_521 = vector.shape_cast %get3A_520 : vector<1x16xf32> to vector<16xf32>
        %add3A_522 = arith.addf %mul3A_515, %get3A_521 : vector<16xf32>
        %add3A_523 = arith.constant 3 : i32
        %add3A_524 = arith.addi %mul3A_209, %add3A_523 : i32
        %swap3A_525 = arith.index_cast %add3A_524 : i32 to index
        %swap3A_526 = arith.constant 16 : index
        %swap3A_527 = tpu.vector_load %arg15[%swap3A_525, %swap3A_526] {strides = array<i32>} : memref<200x64xf32, #tpu.memory_space<vmem>>, vector<1x16xf32>,
        %swap3A_528 = vector.shape_cast %swap3A_527 : vector<1x16xf32> to vector<16xf32>
        %swap3A_529 = vector.shape_cast %add3A_522 : vector<16xf32> to vector<1x16xf32>
        tpu.vector_store %arg15[%swap3A_525, %swap3A_526], %swap3A_529 {strides = array<i32>} : memref<200x64xf32, #tpu.memory_space<vmem>>, vector<1x16xf32>,
        %add3A_530 = arith.constant 3 : i32
        %add3A_531 = arith.addi %mul3A_209, %add3A_530 : i32
        %get3A_532 = arith.index_cast %add3A_531 : i32 to index
        %get3A_533 = arith.constant 32 : index
        %get3A_534 = tpu.vector_load %arg11[%get3A_532, %get3A_533] {strides = array<i32>} : memref<200x64xf32, #tpu.memory_space<vmem>>, vector<1x16xf32>,
        %get3A_535 = vector.shape_cast %get3A_534 : vector<1x16xf32> to vector<16xf32>
        %mul3A_536 = arith.constant 8.000000e+00 : f32
        %mul3A_537 = vector.broadcast %mul3A_536 : f32 to vector<16xf32>
        %mul3A_538 = arith.mulf %get3A_535, %mul3A_537 : vector<16xf32>
        %add3A_539 = arith.constant 3 : i32
        %add3A_540 = arith.addi %mul3A_209, %add3A_539 : i32
        %get3A_541 = arith.index_cast %add3A_540 : i32 to index
        %get3A_542 = arith.constant 32 : index
        %get3A_543 = tpu.vector_load %arg7[%get3A_541, %get3A_542] {strides = array<i32>} : memref<200x64xf32, #tpu.memory_space<vmem>>, vector<1x16xf32>,
        %get3A_544 = vector.shape_cast %get3A_543 : vector<1x16xf32> to vector<16xf32>
        %add3A_545 = arith.addf %mul3A_538, %get3A_544 : vector<16xf32>
        %add3A_546 = arith.constant 3 : i32
        %add3A_547 = arith.addi %mul3A_209, %add3A_546 : i32
        %swap3A_548 = arith.index_cast %add3A_547 : i32 to index
        %swap3A_549 = arith.constant 32 : index
        %swap3A_550 = tpu.vector_load %arg15[%swap3A_548, %swap3A_549] {strides = array<i32>} : memref<200x64xf32, #tpu.memory_space<vmem>>, vector<1x16xf32>,
        %swap3A_551 = vector.shape_cast %swap3A_550 : vector<1x16xf32> to vector<16xf32>
        %swap3A_552 = vector.shape_cast %add3A_545 : vector<16xf32> to vector<1x16xf32>
        tpu.vector_store %arg15[%swap3A_548, %swap3A_549], %swap3A_552 {strides = array<i32>} : memref<200x64xf32, #tpu.memory_space<vmem>>, vector<1x16xf32>,
        %add3A_553 = arith.constant 3 : i32
        %add3A_554 = arith.addi %mul3A_209, %add3A_553 : i32
        %get3A_555 = arith.index_cast %add3A_554 : i32 to index
        %get3A_556 = arith.constant 48 : index
        %get3A_557 = tpu.vector_load %arg11[%get3A_555, %get3A_556] {strides = array<i32>} : memref<200x64xf32, #tpu.memory_space<vmem>>, vector<1x16xf32>,
        %get3A_558 = vector.shape_cast %get3A_557 : vector<1x16xf32> to vector<16xf32>
        %mul3A_559 = arith.constant 8.000000e+00 : f32
        %mul3A_560 = vector.broadcast %mul3A_559 : f32 to vector<16xf32>
        %mul3A_561 = arith.mulf %get3A_558, %mul3A_560 : vector<16xf32>
        %add3A_562 = arith.constant 3 : i32
        %add3A_563 = arith.addi %mul3A_209, %add3A_562 : i32
        %get3A_564 = arith.index_cast %add3A_563 : i32 to index
        %get3A_565 = arith.constant 48 : index
        %get3A_566 = tpu.vector_load %arg7[%get3A_564, %get3A_565] {strides = array<i32>} : memref<200x64xf32, #tpu.memory_space<vmem>>, vector<1x16xf32>,
        %get3A_567 = vector.shape_cast %get3A_566 : vector<1x16xf32> to vector<16xf32>
        %add3A_568 = arith.addf %mul3A_561, %get3A_567 : vector<16xf32>
        %add3A_569 = arith.constant 3 : i32
        %add3A_570 = arith.addi %mul3A_209, %add3A_569 : i32
        %swap3A_571 = arith.index_cast %add3A_570 : i32 to index
        %swap3A_572 = arith.constant 48 : index
        %swap3A_573 = tpu.vector_load %arg15[%swap3A_571, %swap3A_572] {strides = array<i32>} : memref<200x64xf32, #tpu.memory_space<vmem>>, vector<1x16xf32>,
        %swap3A_574 = vector.shape_cast %swap3A_573 : vector<1x16xf32> to vector<16xf32>
        %swap3A_575 = vector.shape_cast %add3A_568 : vector<16xf32> to vector<1x16xf32>
        tpu.vector_store %arg15[%swap3A_571, %swap3A_572], %swap3A_575 {strides = array<i32>} : memref<200x64xf32, #tpu.memory_space<vmem>>, vector<1x16xf32>,
      }
      %scan3A_192 = arith.constant 50 : i32
      %lt3A_193 = arith.constant 7 : i32
      %lt3A_194 = arith.cmpi slt, %scan3A_66, %lt3A_193 : i32
      %convert_element_type3A_195 = arith.extui %lt3A_194 : i1 to i32
      %cond3A_196 = arith.constant 0 : i32
      %cond3A_197 = arith.cmpi ne, %convert_element_type3A_195, %cond3A_196 : i32
      scf.if %cond3A_197 {
        %add3A_207 = arith.constant 4 : i32
        %add3A_208 = arith.addi %add3A_174, %add3A_207 : i32
        %dma_start3A_209 = arith.constant 0 : i32
        %dma_start3A_210 = tpu.memref_slice %arg6[%add3A_208, %dma_start3A_209] : memref<32x200xi32, #tpu.memory_space<vmem>> -> memref<1x200xi32, #tpu.memory_space<vmem>>
        %dma_start3A_211 = tpu.memref_squeeze %dma_start3A_210 : memref<1x200xi32, #tpu.memory_space<vmem>> -> memref<200xi32, #tpu.memory_space<vmem>>
        %dma_start3A_212 = arith.constant 0 : i32
        %dma_start3A_213 = arith.constant 0 : i32
        %dma_start3A_214 = tpu.memref_slice %arg3[%dma_start3A_212, %dma_start3A_213] : memref<1000000x64xf32, #tpu.memory_space<hbm>> -> memref<1000000x64xf32, #tpu.memory_space<hbm>>
        tpu.enqueue_indirect_dma source(%dma_start3A_214 : memref<1000000x64xf32, #tpu.memory_space<hbm>>) target(%arg11 : memref<200x64xf32, #tpu.memory_space<vmem>>) offsets(%dma_start3A_211 : memref<200xi32, #tpu.memory_space<vmem>>) semaphore(%arg19 : memref<!tpu.dma_semaphore, #tpu.memory_space<semaphore_mem>>)
      } else {
      }
      %add3A_198 = arith.addi %mul3A_2, %add3A_174 : i32
      %dma_start3A_199 = arith.constant 0 : i32
      %dma_start3A_200 = arith.constant 0 : i32
      %dma_start3A_201 = tpu.memref_slice %arg5[%add3A_198, %dma_start3A_199, %dma_start3A_200] : memref<1024x200x64xf32, #tpu.memory_space<hbm>> -> memref<1x200x64xf32, #tpu.memory_space<hbm>>
      %dma_start3A_202 = tpu.memref_squeeze %dma_start3A_201 : memref<1x200x64xf32, #tpu.memory_space<hbm>> -> memref<200x64xf32, #tpu.memory_space<hbm>>
      %dma_start3A_203 = arith.constant 0 : i32
      %dma_start3A_204 = arith.constant 0 : i32
      %dma_start3A_205 = tpu.memref_slice %arg5[%add3A_198, %dma_start3A_203, %dma_start3A_204] : memref<1024x200x64xf32, #tpu.memory_space<hbm>> -> memref<1x200x64xf32, #tpu.memory_space<hbm>>
      %dma_start3A_206 = tpu.memref_squeeze %dma_start3A_205 : memref<1x200x64xf32, #tpu.memory_space<hbm>> -> memref<200x64xf32, #tpu.memory_space<hbm>>
      tpu.enqueue_dma source(%arg15 : memref<200x64xf32, #tpu.memory_space<vmem>>) target(%dma_start3A_206 : memref<200x64xf32, #tpu.memory_space<hbm>>) target_semaphore(%arg23 : memref<!tpu.dma_semaphore, #tpu.memory_space<semaphore_mem>>)
    }
    %scan3A_34 = arith.constant 8 : i32
    %dma_wait3A = arith.constant 0 : i32
    %dma_wait3A_35 = arith.constant 0 : i32
    %dma_wait3A_36 = tpu.memref_slice %arg5[%mul3A_2, %dma_wait3A, %dma_wait3A_35] : memref<1024x200x64xf32, #tpu.memory_space<hbm>> -> memref<1x200x64xf32, #tpu.memory_space<hbm>>
    %dma_wait3A_37 = tpu.memref_squeeze %dma_wait3A_36 : memref<1x200x64xf32, #tpu.memory_space<hbm>> -> memref<200x64xf32, #tpu.memory_space<hbm>>
    %dma_wait3A_38 = arith.constant 0 : i32
    %dma_wait3A_39 = arith.constant 0 : i32
    %dma_wait3A_40 = tpu.memref_slice %arg5[%mul3A_2, %dma_wait3A_38, %dma_wait3A_39] : memref<1024x200x64xf32, #tpu.memory_space<hbm>> -> memref<1x200x64xf32, #tpu.memory_space<hbm>>
    %dma_wait3A_41 = tpu.memref_squeeze %dma_wait3A_40 : memref<1x200x64xf32, #tpu.memory_space<hbm>> -> memref<200x64xf32, #tpu.memory_space<hbm>>
    tpu.wait_dma2 semaphore(%arg20 : memref<!tpu.dma_semaphore, #tpu.memory_space<semaphore_mem>>) src(%arg12 : memref<200x64xf32, #tpu.memory_space<vmem>>) dst(%dma_wait3A_41 : memref<200x64xf32, #tpu.memory_space<hbm>>)
    %dma_wait3A_42 = arith.constant 0 : i32
    %dma_wait3A_43 = arith.constant 0 : i32
    %dma_wait3A_44 = tpu.memref_slice %arg5[%mul3A_2, %dma_wait3A_42, %dma_wait3A_43] : memref<1024x200x64xf32, #tpu.memory_space<hbm>> -> memref<1x200x64xf32, #tpu.memory_space<hbm>>
    %dma_wait3A_45 = tpu.memref_squeeze %dma_wait3A_44 : memref<1x200x64xf32, #tpu.memory_space<hbm>> -> memref<200x64xf32, #tpu.memory_space<hbm>>
    %dma_wait3A_46 = arith.constant 0 : i32
    %dma_wait3A_47 = arith.constant 0 : i32
    %dma_wait3A_48 = tpu.memref_slice %arg5[%mul3A_2, %dma_wait3A_46, %dma_wait3A_47] : memref<1024x200x64xf32, #tpu.memory_space<hbm>> -> memref<1x200x64xf32, #tpu.memory_space<hbm>>
    %dma_wait3A_49 = tpu.memref_squeeze %dma_wait3A_48 : memref<1x200x64xf32, #tpu.memory_space<hbm>> -> memref<200x64xf32, #tpu.memory_space<hbm>>
    tpu.wait_dma2 semaphore(%arg21 : memref<!tpu.dma_semaphore, #tpu.memory_space<semaphore_mem>>) src(%arg13 : memref<200x64xf32, #tpu.memory_space<vmem>>) dst(%dma_wait3A_49 : memref<200x64xf32, #tpu.memory_space<hbm>>)
    %dma_wait3A_50 = arith.constant 0 : i32
    %dma_wait3A_51 = arith.constant 0 : i32
    %dma_wait3A_52 = tpu.memref_slice %arg5[%mul3A_2, %dma_wait3A_50, %dma_wait3A_51] : memref<1024x200x64xf32, #tpu.memory_space<hbm>> -> memref<1x200x64xf32, #tpu.memory_space<hbm>>
    %dma_wait3A_53 = tpu.memref_squeeze %dma_wait3A_52 : memref<1x200x64xf32, #tpu.memory_space<hbm>> -> memref<200x64xf32, #tpu.memory_space<hbm>>
    %dma_wait3A_54 = arith.constant 0 : i32
    %dma_wait3A_55 = arith.constant 0 : i32
    %dma_wait3A_56 = tpu.memref_slice %arg5[%mul3A_2, %dma_wait3A_54, %dma_wait3A_55] : memref<1024x200x64xf32, #tpu.memory_space<hbm>> -> memref<1x200x64xf32, #tpu.memory_space<hbm>>
    %dma_wait3A_57 = tpu.memref_squeeze %dma_wait3A_56 : memref<1x200x64xf32, #tpu.memory_space<hbm>> -> memref<200x64xf32, #tpu.memory_space<hbm>>
    tpu.wait_dma2 semaphore(%arg22 : memref<!tpu.dma_semaphore, #tpu.memory_space<semaphore_mem>>) src(%arg14 : memref<200x64xf32, #tpu.memory_space<vmem>>) dst(%dma_wait3A_57 : memref<200x64xf32, #tpu.memory_space<hbm>>)
    %dma_wait3A_58 = arith.constant 0 : i32
    %dma_wait3A_59 = arith.constant 0 : i32
    %dma_wait3A_60 = tpu.memref_slice %arg5[%mul3A_2, %dma_wait3A_58, %dma_wait3A_59] : memref<1024x200x64xf32, #tpu.memory_space<hbm>> -> memref<1x200x64xf32, #tpu.memory_space<hbm>>
    %dma_wait3A_61 = tpu.memref_squeeze %dma_wait3A_60 : memref<1x200x64xf32, #tpu.memory_space<hbm>> -> memref<200x64xf32, #tpu.memory_space<hbm>>
    %dma_wait3A_62 = arith.constant 0 : i32
    %dma_wait3A_63 = arith.constant 0 : i32
    %dma_wait3A_64 = tpu.memref_slice %arg5[%mul3A_2, %dma_wait3A_62, %dma_wait3A_63] : memref<1024x200x64xf32, #tpu.memory_space<hbm>> -> memref<1x200x64xf32, #tpu.memory_space<hbm>>
    %dma_wait3A_65 = tpu.memref_squeeze %dma_wait3A_64 : memref<1x200x64xf32, #tpu.memory_space<hbm>> -> memref<200x64xf32, #tpu.memory_space<hbm>>
    tpu.wait_dma2 semaphore(%arg23 : memref<!tpu.dma_semaphore, #tpu.memory_space<semaphore_mem>>) src(%arg15 : memref<200x64xf32, #tpu.memory_space<vmem>>) dst(%dma_wait3A_65 : memref<200x64xf32, #tpu.memory_space<hbm>>)
    return
  }
}

</mosaic_0001>

<sc_bundles>
// kernel: _encode.3.cloned.1.call-start
scs
__scs_entry_jumppad:
0x0: {  	(pc) =	sbr.rel $0x88, $3  }
0x1: {  	(tag) =	ssettag $0x0;
	lr =	simm.s32 $0x1  }
0x2: {  	[smem:$0x3F9E] =	sst lr;
	_ =	strace $0xD0000000  }
0x3: {  	_ = 	snop  }
0x4: {  	_ = 	snop  }
0x5: {  	_ = 	snop  }
0x6: {  	_ = 	snop  }
0x7: {  	_ = 	snop  }
__scs_overlays_trampoline_lowered:
0x8: {  	[smem:$0x3FAD] =	sst s0  }
0x9: {  	[smem:$0x3FAE] =	sst s1  }
0xa: {  	[smem:$0x3FAF] =	sst s2  }
0xb: {  	[smem:$0x3FB0] =	sst s3  }
0xc: {  	[smem:$0x3FB1] =	sst s4  }
0xd: {  	[smem:$0x3FB2] =	sst s5  }
0xe: {  	[smem:$0x3FB3] =	sst s6  }
0xf: {  	[smem:$0x3FB4] =	sst s7  }
0x10: {  	[smem:$0x3FB5] =	sst s8  }
0x11: {  	[smem:$0x3FB6] =	sst s9;
	s0 =	simm.s32 @!p0 $0x0  }
0x12: {  	s1 =	sld [smem:$0x3F9C];
	s0 =	simm.s32 @p0 $0x1  }
0x13: {  	[smem:$0x3FB7] =	sst s0;
	s0 =	simm.s32 @!p1 $0x0  }
0x14: {  	s2 =	sld [smem:$0x3F9B];
	s0 =	simm.s32 @p1 $0x1  }
0x15: {  	[smem:$0x3FB8] =	sst s0;
	s0 =	simm.s32 @!p2 $0x0  }
0x16: {  	s3 =	sld [smem:$0x3FDB];
	s0 =	simm.s32 @p2 $0x1  }
0x17: {  	s4 =	simm.s32 $0x1BF5;
	[smem:$0x3FBA] =	sst s0  }
0x18: {  	s0 =	sld [smem:$0x3F9D];
	_ =	swait.ge [sflag:s4], $0x0  }
0x19: {  	s7 =	sld [smem:$0x3F9E]  }
0x1a: {  	s8 =	sadd.s32 $0xFFFFE003, lr  }
0x1b: {  	s9 =	sadd.s32 $0xFFFFFEF7, lr;
	s5 =	simm.s32 $0xFFFFFFFF;
	p2 =	slt.u32 s8, $0xFFFFF086  }
0x1c: {  	p1 =	slt.u32 s9, $0xF7A;
	s5 =	simm.s32 @!p2 $0x0  }
0x1d: {  	s5 =	simm.s32 @p1 $0x1;
	p0 =	seq.s32 s7, s2  }
0x1e: {  	s7 =	smul.u32 @!p0 $0xF7A, s2;
	p2 =	seq.s32 @!p0 s5, $0x0  }
0x1f: {  	s9 =	smul.u32 $0xF7A, s1;
	s8 =	simm.s32 @!p0 $0x1BF5;
	p2 =	por !p2, p0  }
0x20: {  	[sflag:s8] =	ssyncset.s32 @!p0 $0xFFFFF086;
	s6 =	sadd.s32 @!p0 s3, s7;
	s7 =	simm.s32 @!p0 $0x108  }
0x21: {  	s3 =	sadd.s32 s3, s9;
	s6 =	sadd.s32 @!p0 $0x88, s6;
	s7 =	simm.s32 @p2 $0x1082  }
0x22: {  	[simem:s7], [sflag:s8] =	dma.local @!p0 [hbm:s6], $0xF7A  }
0x23: {  	s9 =	sor.u32 $0xD0000000, s2;
	s6 =	simm.s32 $0x108;
	_ =	swait.ge @!p0 [sflag:s8], $0x0  }
0x24: {  	s3 =	sadd.s32 $0x88, s3;
	s6 =	simm.s32 @!p1 $0x1082;
	[sflag:s4] =	ssyncset.s32 $0xFFFFF086  }
0x25: {  	[simem:s6], [sflag:s4] =	dma.local [hbm:s3], $0xF7A  }
0x26: {  	[smem:$0x3F9E] =	sst s1;
	(tag) =	ssettag s2;
	_ =	strace s9  }
0x27: {  	s1 =	sld [smem:$0x3FAE]  }
0x28: {  	s2 =	sld [smem:$0x3FAF]  }
0x29: {  	s4 =	sld [smem:$0x3FB1]  }
0x2a: {  	p0 =	seq.s32 s5, $0x0;
	s5 =	sld [smem:$0x3FB2]  }
0x2b: {  	s6 =	sld [smem:$0x3FB3]  }
0x2c: {  	s7 =	sld [smem:$0x3FB4]  }
0x2d: {  	s3 =	simm.s32 $0x108;
	s8 =	sld [smem:$0x3FB5]  }
0x2e: {  	s3 =	simm.s32 @!p0 $0x1082;
	s9 =	sld [smem:$0x3FB6]  }
0x2f: {  	lr =	sadd.s32 s0, s3;
	s0 =	sld [smem:$0x3FAD]  }
0x30: {  	s3 =	sld [smem:$0x3FB0]  }
0x31: {  	[smem:$0x3FB9] =	sst s10  }
0x32: {  	s10 =	sld [smem:$0x3FB7];
	_ =	sdelay $0x3  }
0x33: {  	p0 =	seq.s32 s10, $0x1;
	s10 =	sld [smem:$0x3FB9];
	_ =	sdelay $0x3  }
0x34: {  	[smem:$0x3FB9] =	sst s10  }
0x35: {  	s10 =	sld [smem:$0x3FB8];
	_ =	sdelay $0x3  }
0x36: {  	p1 =	seq.s32 s10, $0x1;
	s10 =	sld [smem:$0x3FB9];
	_ =	sdelay $0x3  }
0x37: {  	[smem:$0x3FB9] =	sst s10  }
0x38: {  	s10 =	sld [smem:$0x3FBA]  }
0x39: {  	_ = 	snop;
	(pc) =	sbr.ind lr, $3  }
0x3a: {  	_ = 	snop  }
0x3b: {  	_ = 	snop  }
0x3c: {  	p2 =	seq.s32 s10, $0x1;
	s10 =	sld [smem:$0x3FB9]  }
0x3d: {  	_ =	shalt  }
0x3e: {  	_ =	shalt  }
0x3f: {  	_ =	shalt  }
0x40: {  	_ =	shalt  }
0x41: {  	_ =	shalt  }
0x42: {  	_ =	shalt  }
0x43: {  	_ =	shalt  }
0x44: {  	_ =	shalt  }
0x45: {  	_ =	shalt  }
0x46: {  	_ =	shalt  }
0x47: {  	_ =	shalt  }
0x48: {  	_ =	shalt  }
0x49: {  	_ =	shalt  }
0x4a: {  	_ =	shalt  }
0x4b: {  	_ =	shalt  }
0x4c: {  	_ =	shalt  }
0x4d: {  	_ =	shalt  }
0x4e: {  	_ =	shalt  }
0x4f: {  	_ =	shalt  }
0x50: {  	_ =	shalt  }
0x51: {  	_ =	shalt  }
0x52: {  	_ =	shalt  }
0x53: {  	_ =	shalt  }
0x54: {  	_ =	shalt  }
0x55: {  	_ =	shalt  }
0x56: {  	_ =	shalt  }
0x57: {  	_ =	shalt  }
0x58: {  	_ =	shalt  }
0x59: {  	_ =	shalt  }
0x5a: {  	_ =	shalt  }
0x5b: {  	_ =	shalt  }
0x5c: {  	_ =	shalt  }
0x5d: {  	_ =	shalt  }
0x5e: {  	_ =	shalt  }
0x5f: {  	_ =	shalt  }
0x60: {  	_ =	shalt  }
0x61: {  	_ =	shalt  }
0x62: {  	_ =	shalt  }
0x63: {  	_ =	shalt  }
0x64: {  	_ =	shalt  }
0x65: {  	_ =	shalt  }
0x66: {  	_ =	shalt  }
0x67: {  	_ =	shalt  }
0x68: {  	_ =	shalt  }
0x69: {  	_ =	shalt  }
0x6a: {  	_ =	shalt  }
0x6b: {  	_ =	shalt  }
0x6c: {  	_ =	shalt  }
0x6d: {  	_ =	shalt  }
0x6e: {  	_ =	shalt  }
0x6f: {  	_ =	shalt  }
0x70: {  	_ =	shalt  }
0x71: {  	_ =	shalt  }
0x72: {  	_ =	shalt  }
0x73: {  	_ =	shalt  }
0x74: {  	_ =	shalt  }
0x75: {  	_ =	shalt  }
0x76: {  	_ =	shalt  }
0x77: {  	_ =	shalt  }
0x78: {  	_ =	shalt  }
0x79: {  	_ =	shalt  }
0x7a: {  	_ =	shalt  }
0x7b: {  	_ =	shalt  }
0x7c: {  	_ =	shalt  }
0x7d: {  	_ =	shalt  }
0x7e: {  	_ =	shalt  }
0x7f: {  	_ =	shalt  }
0x80: {  	_ =	shalt  }
0x81: {  	_ =	shalt  }
0x82: {  	_ =	shalt  }
0x83: {  	_ =	shalt  }
0x84: {  	_ =	shalt  }
0x85: {  	_ =	shalt  }
0x86: {  	_ =	shalt  }
0x87: {  	_ =	shalt  }
.Lfunc_end0:
.L_simem_size_0:
called_computation.1_lowered:
.L_overlay_start_0:
0x88: {  	s2 =	sld [smem:$0x3FD9]  }
0x89: {  	s3 =	sld [smem:$0x3FFE];
	_ =	sdelay $0x1  }
0x8a: {  	s1 =	srdreg.scid  }
0x8b: {  	s0 =	sand.u32 $0x1, s1  }
0x8c: {  	s17 =	sshll.u32 s0, $0xA;
	s2 =	sadd.s32 s3, s2  }
0x8d: {  	s2 =	sadd.s32 s2, s17  }
0x8e: {  	[smem:$0x3FC5] =	sst s2  }
0x8f: {  	_ = 	snop  }
0x90: {  	s2 =	sld [smem:$0x3FD0];
	(tm) =	ssettm $0x1  }
0x91: {  	s18 =	sld [smem:$0x3FFB];
	_ =	sdelay $0x3  }
0x92: {  	_ =	strace s18  }
0x93: {  	s3 =	sld [smem:$0x3FFC];
	_ =	sdelay $0x3  }
0x94: {  	_ =	strace s3  }
0x95: {  	s3 =	sld [smem:$0x3FFD];
	_ =	sdelay $0x3  }
0x96: {  	_ =	strace s3  }
0x97: {  	_ =	strace $0x8FFFFFFF  }
0x98: {  	s19 =	sld [smem:$0x3FDB];
	_ =	sdelay $0x1  }
0x99: {  	s4 =	simm.s32 $_scs_section_size  }
0x9a: {  	s5 =	simm.s32 $_size__tile_overlayer_lowered;
	s6 =	simm.s32 $_tile_overlayer_lowered  }
0x9b: {  	s22 =	simm.s32 $0x1BFF;
	s21 =	sshll.u32 s6, $0x1;
	s3 =	sadd.s32 s4, s19  }
0x9c: {  	s7 =	simm.s32 $0x0;
	s20 =	sshll.u32 s5, $0x1;
	s5 =	sadd.s32 s21, s3  }
0x9d: {  	[timem:s7], [sflag:s22] =	dma.local [hbm:s5], s20  }
0x9e: {  	_ =	swait.ge [sflag:s22], s20  }
0x9f: {  	s4 =	ssub.s32 $0x0, s20;
	[sflag:s22] =	ssyncset.done $0x0  }
0xa0: {  	[sflag:s22] =	ssyncadd.s32 s4;
	_ =	sdelay $0x1  }
0xa1: {  	s23 =	simm.s32 $0x1B8B  }
0xa2: {  	_ =	swait.ge [sflag:s23], $0x1  }
0xa3: {  	[sflag:s23] =	ssyncset.done $0x0  }
0xa4: {  	s25 =	simm.s32 $0x1B8E;
	s24 =	sld [smem:$0x3FFE];
	[sflag:s23] =	ssyncadd.s32 $0xFFFFFFFF  }
0xa5: {  	s26 =	simm.s32 $execute0_lowered;
	[smem:$0x3FD2] =	sst s25  }
0xa6: {  	s5 =	sshll.u32 s26, $0x1;
	_ =	strace $0x80000046;
	[dreg:$0x1] =	wrdreg $0xFFFFFFFF  }
0xa7: {  	s28 =	simm.s32 $_size_execute0_lowered;
	s3 =	sadd.s32 s3, s5;
	[dreg:$0x0] =	wrdreg $0x0  }
0xa8: {  	s5 =	sshll.u32 s28, $0x1;
	[dreg:$0x2] =	wrdreg s3  }
0xa9: {  	[dreg:$0x3] =	wrdreg s5  }
0xaa: {  	[dreg:$0x4] =	wrdreg $0xC0  }
0xab: {  	_ =	task [dreg:s7], $0x5FFFF  }
0xac: {  	[dreg:$0x1] =	wrdreg $0xFFFFFFFF  }
0xad: {  	[dreg:$0x0] =	wrdreg $0x60  }
0xae: {  	[dreg:$0x2] =	wrdreg s24  }
0xaf: {  	[dreg:$0x3] =	wrdreg s2  }
0xb0: {  	[dreg:$0x4] =	wrdreg $0x9  }
0xb1: {  	_ =	task.clear_ibuf [dreg:s7], $0x5FFFF;
	_ =	strace $0x90000046  }
0xb2: {  	s29 =	simm.s32 $0x9;
	_ =	strace $0x80000048  }
0xb3: {  	_ =	swait.ge [sflag:s29], $0x1  }
0xb4: {  	[sflag:s29] =	ssyncadd.s32 $0xFFFFFFFF  }
0xb5: {  	_ =	strace $0x90000048  }
0xb6: {  	_ =	sfence  }
0xb7: {  	s30 =	sld [smem:$0x0];
	_ =	sdelay $0x2  }
0xb8: {  	s31 =	sshll.u32 s1, $0xD;
	s1 =	sshrl.u32 s1, $0x2  }
0xb9: {  	s3 =	sand.u32 $0x4000, s31;
	s1 =	sadd.s32 s1, s30  }
0xba: {  	s0 =	sor.u32 s3, s0;
	s1 =	sshll.u32 s1, $0x11  }
0xbb: {  	s0 =	sor.u32 s1, s0  }
0xbc: {  	s0 =	sadd.s32 $0x8F2B, s0  }
0xbd: {  	[sflag:s0] =	ssyncadd.remote.s32 $0x1  }
0xbe: {  	_ =	sfence.sel $0xFFFF  }
0xbf: {  	[dreg:$0x0] =	wrdreg $0xFFFFFFFF;
	(pc) =	sbr.abs _section_cstart, $3  }
0xc0: {  	[dreg:$0x1] =	wrdreg $0xFFFFFFFF  }
0xc1: {  	_ =	task.clear_ibuf [dreg:s7], $0x2FFFF;
	_ =	strace $0x9FFFFFFF  }
0xc2: {  	(tm) =	ssettm $0x7FFFFFFF  }
0xc3: {  	_ =	shalt  }
tec
execute0_lowered:
.L_overlay_start_1:
0x0: {  	(tag) =	ssettag $0x1  }
0x1: {  	s0 =	srdreg.scid  }
0x2: {  	s2 =	stileid.u32;
	s1 =	rddreg [dreg:$0x0];
	s9 =	simm.s32 $0x9  }
0x3: {  	s11 =	simm.s32 $0xC8;
	s16 =	simm.s32 $0x258;
	s17 =	simm.s32 $0xE100  }
0x4: {  	s18 =	simm.s32 $0x1;
	s19 =	simm.s32 $0x11300;
	s20 =	simm.s32 $0x2  }
0x5: {  	s21 =	simm.s32 $0x14500;
	s22 =	simm.s32 $0x3;
	s23 =	simm.s32 $0x17700  }
0x6: {  	s24 =	simm.s32 $0x4;
	s25 =	simm.s32 $0x1A900;
	s26 =	simm.s32 $0x5  }
0x7: {  	s28 =	simm.s32 $0x6;
	s29 =	simm.s32 $0x7;
	s0 =	sand.u32 $0x1, s0  }
0x8: {  	s30 =	simm.s32 $0x8;
	s3 =	sshll.u32 s2, $0x6;
	s4 =	sshll.u32 s0, $0x5  }
0x9: {  	s31 =	simm.s32 $0x0;
	s2 =	rddreg [dreg:$0x1];
	s3 =	sor.u32 s4, s3  }
0xa: {  	s0 =	ssub.s32 $0x2, s0;
	s4 =	simm.s32 $0x0;
	s5 =	smul.u32 $0x19, s3  }
0xb: {  	s6 =	sadd.s32 $0x7000, s1;
	s8 =	sshrl.u32 s0, $0x1;
	[smem:$0x7FF] =	sst s4  }
0xc: {  	s0 =	ssub.s32 s0, s8;
	_ =	strace $0x80000047;
	s7 =	sadd.s32 s5, s1  }
0xd: {  	s8 =	smax.u32 s0, $0x1;
	s5 =	sadd.s32 $0xF43000, s1;
	s7 =	sadd.s32 $0xC00, s7  }
.LBB2_1:
0xe: {  	[tilespmem:s4], [sflag:$0x9] =	stream.linear.gather [hbm4b:s7+s4], $0x1900, $0x38;
	[tilespmem:$0x1DB00] =	vst v63  }
0xf: {  	_ =	swait.ge [sflag:s9], $0x1900  }
0x10: {  	[sflag:s9] =	ssyncset.done $0x0  }
0x11: {  	s0 =	simm.s32 $0x1900;
	[sflag:s9] =	ssyncadd.s32 $0xFFFFE700  }
0x12: {  	[tilespmem:s0], [sflag:$0x9] =	stream.linear.gather [hbm4b:s6+s4], $0x3200, $0x38;
	[tilespmem:$0x1DB00] =	vst v63  }
0x13: {  	_ =	swait.ge [sflag:s9], $0x3200  }
0x14: {  	[sflag:s9] =	ssyncset.done $0x0  }
0x15: {  	s13 =	simm.s32 $0x4B00;
	[sflag:s9] =	ssyncadd.s32 $0xFFFFCE00  }
0x16: {  	[tilespmem:s13], [sflag:$0x1] =	stream.indirect.gather [hbm4b:s5+s11], $0x40, s4, s11, $0xb8;
	[tilespmem:$0x1DB00] =	vst v63  }
0x17: {  	s14 =	simm.s32 $0x7D00  }
0x18: {  	[tilespmem:s14], [sflag:$0x2] =	stream.indirect.gather [hbm4b:s5+s11], $0x40, s11, s11, $0xb8;
	[tilespmem:$0x1DB00] =	vst v63  }
0x19: {  	s15 =	simm.s32 $0x190;
	s1 =	simm.s32 $0xAF00  }
0x1a: {  	[tilespmem:s1], [sflag:$0x3] =	stream.indirect.gather [hbm4b:s5+s11], $0x40, s15, s11, $0xb8;
	[tilespmem:$0x1DB00] =	vst v63  }
0x1b: {  	s1 =	simm.s32 $0x0  }
0x1c: {  	[tilespmem:s17], [sflag:$0x4] =	stream.indirect.gather [hbm4b:s5+s11], $0x40, s16, s11, $0xb8;
	[tilespmem:$0x1DB00] =	vst v63  }
.LBB2_2:
0x1d: {  	_ =	swait.ge [sflag:s18], $0x3200  }
0x1e: {  	p1 =	seq.s32 s1, $0x0;
	[sflag:s18] =	ssyncset.done $0x0  }
0x1f: {  	s0 =	simm.s32 @!p1 $0x5;
	[sflag:s18] =	ssyncadd.s32 $0xFFFFCE00  }
0x20: {  	_ =	swait.ge @!p1 [sflag:s0], $0x3200  }
0x21: {  	[sflag:s0] =	ssyncset.done @!p1 $0x0  }
0x22: {  	s10 =	simm.s32 $0x0;
	[sflag:s0] =	ssyncadd.s32 @!p1 $0xFFFFCE00  }
0x23: {  	v0 =	vld [tilespmem:s10+$0x4BF0]  }
0x24: {  	v1 =	vld [tilespmem:s10+$0x4B00]  }
0x25: {  	v2 =	vld [tilespmem:s10+$0x19F0]  }
0x26: {  	v3 =	vld [tilespmem:s10+$0x4B10]  }
0x27: {  	v4 =	vld [tilespmem:s10+$0x4B20]  }
0x28: {  	v5 =	vld [tilespmem:s10+$0x4B30]  }
0x29: {  	v6 =	vld [tilespmem:s10+$0x4B40]  }
0x2a: {  	v7 =	vld [tilespmem:s10+$0x4B50]  }
0x2b: {  	v8 =	vld [tilespmem:s10+$0x4B70]  }
0x2c: {  	v9 =	vld [tilespmem:s10+$0x4B90]  }
0x2d: {  	v10 =	vld [tilespmem:s10+$0x4BA0]  }
0x2e: {  	v11 =	vld [tilespmem:s10+$0x4BB0]  }
0x2f: {  	v12 =	vld [tilespmem:s10+$0x4BC0]  }
0x30: {  	v13 =	vld [tilespmem:s10+$0x4BD0]  }
0x31: {  	v14 =	vld [tilespmem:s10+$0x4BE0]  }
0x32: {  	v15 =	vld [tilespmem:s10+$0x1900]  }
0x33: {  	v16 =	vld [tilespmem:s10+$0x1910]  }
0x34: {  	v17 =	vld [tilespmem:s10+$0x1920]  }
0x35: {  	v18 =	vld [tilespmem:s10+$0x1930];
	v0 =	vmul.f32 $8.000000000e+00, v0  }
0x36: {  	v19 =	vld [tilespmem:s10+$0x1940];
	v3 =	vmul.f32 $8.000000000e+00, v3  }
0x37: {  	v60 =	vld [tilespmem:s10+$0x1950];
	v1 =	vmul.f32 $8.000000000e+00, v1;
	v0 =	vadd.f32 v2, v0  }
0x38: {  	v4 =	vmul.f32 $8.000000000e+00, v4;
	v2 =	vld [tilespmem:s10+$0x4B60];
	v3 =	vadd.f32 v16, v3  }
0x39: {  	v20 =	vld [tilespmem:s10+$0x1960];
	v5 =	vmul.f32 $8.000000000e+00, v5;
	v1 =	vadd.f32 v15, v1;
	[tilespmem:s10+$0x113F0] =	vst v0  }
0x3a: {  	v4 =	vadd.f32 v17, v4;
	v0 =	vld [tilespmem:s10+$0x4B80];
	[tilespmem:s10+$0x11310] =	vst v3;
	v3 =	vmul.f32 $8.000000000e+00, v6  }
0x3b: {  	v5 =	vadd.f32 v18, v5;
	[tilespmem:s10+$0x11300] =	vst v1;
	v1 =	vld [tilespmem:s10+$0x1970]  }
0x3c: {  	v61 =	vld [tilespmem:s10+$0x1980];
	[tilespmem:s10+$0x11320] =	vst v4;
	v4 =	vmul.f32 $8.000000000e+00, v7;
	v3 =	vadd.f32 v19, v3  }
0x3d: {  	v62 =	vld [tilespmem:s10+$0x1990];
	[tilespmem:s10+$0x11330] =	vst v5;
	v2 =	vmul.f32 $8.000000000e+00, v2  }
0x3e: {  	v5 =	vld [tilespmem:s10+$0x19A0];
	v4 =	vadd.f32 v60, v4;
	[tilespmem:s10+$0x11340] =	vst v3;
	v3 =	vmul.f32 $8.000000000e+00, v8  }
0x3f: {  	v6 =	vld [tilespmem:s10+$0x19B0];
	v2 =	vadd.f32 v20, v2;
	v63 =	vmul.f32 $8.000000000e+00, v0  }
0x40: {  	v9 =	vmul.f32 $8.000000000e+00, v9;
	v7 =	vld [tilespmem:s10+$0x19C0];
	[tilespmem:s10+$0x11350] =	vst v4;
	v4 =	vmul.f32 $8.000000000e+00, v10;
	v0 =	vadd.f32 v1, v3  }
0x41: {  	v8 =	vld [tilespmem:s10+$0x19D0];
	v3 =	vmul.f32 $8.000000000e+00, v11;
	v1 =	vmul.f32 $8.000000000e+00, v13;
	[tilespmem:s10+$0x11360] =	vst v2;
	v10 =	vadd.f32 v61, v63  }
0x42: {  	s12 =	simm.s32 $0x100;
	s13 =	simm.s32 $0x800;
	s0 =	sshll.u32 s1, $0x2;
	v11 =	vadd.f32 v62, v9;
	v9 =	vld [tilespmem:s10+$0x19E0];
	v2 =	vmul.f32 $8.000000000e+00, v12;
	[tilespmem:s10+$0x11370] =	vst v0;
	v0 =	vmul.f32 $8.000000000e+00, v14  }
.LBB2_3:
0x43: {  	p0 =	sne.s32 s13, $0xC400;
	v12 =	vld [tilespmem:s12+$0x4BF0];
	[tilespmem:s10+$0x11380] =	vst v10;
	v4 =	vadd.f32 v5, v4  }
0x44: {  	v5 =	vld [tilespmem:s12+$0x4B00];
	[tilespmem:s10+$0x11390] =	vst v11;
	v3 =	vadd.f32 v6, v3  }
0x45: {  	v6 =	vld [tilespmem:s12+$0x19F0];
	[tilespmem:s10+$0x113A0] =	vst v4;
	v2 =	vadd.f32 v7, v2  }
0x46: {  	v4 =	vld [tilespmem:s12+$0x4B10];
	[tilespmem:s10+$0x113B0] =	vst v3;
	v1 =	vadd.f32 v8, v1  }
0x47: {  	v3 =	vld [tilespmem:s12+$0x4B20];
	[tilespmem:s10+$0x113C0] =	vst v2;
	v0 =	vadd.f32 v9, v0  }
0x48: {  	v2 =	vld [tilespmem:s12+$0x4B30];
	v7 =	vmul.f32 $8.000000000e+00, v12;
	[tilespmem:s10+$0x113D0] =	vst v1  }
0x49: {  	v5 =	vmul.f32 $8.000000000e+00, v5;
	v1 =	vld [tilespmem:s12+$0x4B40];
	[tilespmem:s10+$0x113E0] =	vst v0;
	s10 =	smov.u32 s12  }
0x4a: {  	v0 =	vld [tilespmem:s10+$0x4B50];
	v6 =	vadd.f32 v6, v7  }
0x4b: {  	v7 =	vmul.f32 $8.000000000e+00, v4;
	v4 =	vld [tilespmem:s10+$0x4B60]  }
0x4c: {  	v8 =	vmul.f32 $8.000000000e+00, v3;
	v3 =	vld [tilespmem:s10+$0x4B70];
	[tilespmem:s10+$0x113F0] =	vst v6  }
0x4d: {  	v6 =	vmul.f32 $8.000000000e+00, v2;
	v2 =	vld [tilespmem:s10+$0x4B80]  }
0x4e: {  	v9 =	vmul.f32 $8.000000000e+00, v1;
	v1 =	vld [tilespmem:s10+$0x4B90]  }
0x4f: {  	v10 =	vmul.f32 $8.000000000e+00, v0;
	v0 =	vld [tilespmem:s10+$0x4BA0]  }
0x50: {  	v11 =	vmul.f32 $8.000000000e+00, v4;
	v12 =	vld [tilespmem:s10+$0x4BB0]  }
0x51: {  	v13 =	vmul.f32 $8.000000000e+00, v3;
	v14 =	vld [tilespmem:s10+$0x4BC0]  }
0x52: {  	v15 =	vmul.f32 $8.000000000e+00, v2;
	v16 =	vld [tilespmem:s10+$0x4BD0]  }
0x53: {  	v17 =	vmul.f32 $8.000000000e+00, v1;
	v18 =	vld [tilespmem:s10+$0x4BE0]  }
0x54: {  	v19 =	vld [tilespmem:s10+$0x1900];
	v4 =	vmul.f32 $8.000000000e+00, v0  }
0x55: {  	v20 =	vld [tilespmem:s10+$0x1910];
	v3 =	vmul.f32 $8.000000000e+00, v12  }
0x56: {  	v12 =	vld [tilespmem:s10+$0x1920];
	v2 =	vmul.f32 $8.000000000e+00, v14  }
0x57: {  	v14 =	vld [tilespmem:s10+$0x1930];
	v1 =	vmul.f32 $8.000000000e+00, v16  }
0x58: {  	v16 =	vld [tilespmem:s10+$0x1940];
	v0 =	vmul.f32 $8.000000000e+00, v18  }
0x59: {  	v5 =	vadd.f32 v19, v5;
	v18 =	vld [tilespmem:s10+$0x1950]  }
0x5a: {  	v7 =	vadd.f32 v20, v7;
	v19 =	vld [tilespmem:s10+$0x1960]  }
0x5b: {  	[tilespmem:s10+$0x11300] =	vst v5;
	v5 =	vadd.f32 v12, v8;
	v8 =	vld [tilespmem:s10+$0x1970]  }
0x5c: {  	[tilespmem:s10+$0x11310] =	vst v7;
	v6 =	vadd.f32 v14, v6;
	v12 =	vld [tilespmem:s10+$0x1980]  }
0x5d: {  	[tilespmem:s10+$0x11320] =	vst v5;
	v7 =	vadd.f32 v16, v9;
	v9 =	vld [tilespmem:s10+$0x1990]  }
.Ltmp0:
0x5e: {  	[tilespmem:s10+$0x11330] =	vst v6;
	v10 =	vadd.f32 v18, v10;
	v5 =	vld [tilespmem:s10+$0x19A0];
	(pc) =	sbr.rel @p0 .LBB2_3-.Ltmp0, $4  }
0x5f: {  	[tilespmem:s10+$0x11340] =	vst v7;
	v11 =	vadd.f32 v19, v11;
	v6 =	vld [tilespmem:s10+$0x19B0]  }
0x60: {  	[tilespmem:s10+$0x11350] =	vst v10;
	v13 =	vadd.f32 v8, v13;
	v7 =	vld [tilespmem:s10+$0x19C0]  }
0x61: {  	[tilespmem:s10+$0x11360] =	vst v11;
	v10 =	vadd.f32 v12, v15;
	v8 =	vld [tilespmem:s10+$0x19D0]  }
0x62: {  	s12 =	sshra.s32 s13, $0x2;
	s13 =	sadd.s32 $0x400, s13;
	[tilespmem:s10+$0x11370] =	vst v13;
	v11 =	vadd.f32 v9, v17;
	v9 =	vld [tilespmem:s10+$0x19E0]  }
0x63: {  	v12 =	vld [tilespmem:s12+$0x4BF0];
	[tilespmem:s10+$0x11380] =	vst v10;
	v4 =	vadd.f32 v5, v4  }
0x64: {  	v10 =	vld [tilespmem:s12+$0x4B00];
	[tilespmem:s10+$0x11390] =	vst v11;
	v3 =	vadd.f32 v6, v3  }
0x65: {  	v5 =	vld [tilespmem:s12+$0x19F0];
	[tilespmem:s10+$0x113A0] =	vst v4;
	v2 =	vadd.f32 v7, v2  }
0x66: {  	v4 =	vld [tilespmem:s12+$0x4B10];
	[tilespmem:s10+$0x113B0] =	vst v3;
	v1 =	vadd.f32 v8, v1  }
0x67: {  	v3 =	vld [tilespmem:s12+$0x4B20];
	[tilespmem:s10+$0x113C0] =	vst v2;
	v0 =	vadd.f32 v9, v0  }
0x68: {  	v2 =	vld [tilespmem:s12+$0x4B30];
	[tilespmem:s10+$0x113D0] =	vst v1  }
0x69: {  	v6 =	vmul.f32 $8.000000000e+00, v12;
	v1 =	vld [tilespmem:s12+$0x4B40];
	[tilespmem:s10+$0x113E0] =	vst v0  }
0x6a: {  	v0 =	vld [tilespmem:s12+$0x4B50]  }
0x6b: {  	v5 =	vadd.f32 v5, v6;
	v6 =	vld [tilespmem:s12+$0x4B60]  }
0x6c: {  	v7 =	vld [tilespmem:s12+$0x4B70]  }
0x6d: {  	v8 =	vld [tilespmem:s12+$0x4B90]  }
0x6e: {  	v9 =	vld [tilespmem:s12+$0x4BA0]  }
0x6f: {  	v11 =	vld [tilespmem:s12+$0x4BB0]  }
0x70: {  	v49 =	vld [tilespmem:s12+$0x4BC0]  }
0x71: {  	v13 =	vld [tilespmem:s12+$0x4BD0]  }
0x72: {  	v14 =	vld [tilespmem:s12+$0x4BE0]  }
0x73: {  	v15 =	vld [tilespmem:s12+$0x1900]  }
0x74: {  	v16 =	vld [tilespmem:s12+$0x1910]  }
0x75: {  	v17 =	vld [tilespmem:s12+$0x1920]  }
0x76: {  	v10 =	vmul.f32 $8.000000000e+00, v10;
	v18 =	vld [tilespmem:s12+$0x1930]  }
0x77: {  	v19 =	vld [tilespmem:s12+$0x1940];
	v4 =	vmul.f32 $8.000000000e+00, v4  }
0x78: {  	v50 =	vld [tilespmem:s12+$0x1950];
	v3 =	vmul.f32 $8.000000000e+00, v3;
	v10 =	vadd.f32 v15, v10  }
0x79: {  	v20 =	vld [tilespmem:s12+$0x1960];
	[tilespmem:s12+$0x113F0] =	vst v5;
	v2 =	vmul.f32 $8.000000000e+00, v2;
	v4 =	vadd.f32 v16, v4  }
0x7a: {  	v5 =	vld [tilespmem:s12+$0x4B80];
	v1 =	vmul.f32 $8.000000000e+00, v1;
	v3 =	vadd.f32 v17, v3;
	[tilespmem:s12+$0x11300] =	vst v10  }
0x7b: {  	v2 =	vadd.f32 v18, v2;
	v0 =	vmul.f32 $8.000000000e+00, v0;
	v10 =	vld [tilespmem:s12+$0x1970];
	[tilespmem:s12+$0x11310] =	vst v4  }
0x7c: {  	v6 =	vmul.f32 $8.000000000e+00, v6;
	v1 =	vadd.f32 v19, v1;
	v4 =	vld [tilespmem:s12+$0x1980];
	[tilespmem:s12+$0x11320] =	vst v3  }
0x7d: {  	v3 =	vld [tilespmem:s12+$0x1990];
	[tilespmem:s12+$0x11330] =	vst v2;
	v0 =	vadd.f32 v50, v0  }
0x7e: {  	v7 =	vmul.f32 $8.000000000e+00, v7;
	v2 =	vld [tilespmem:s12+$0x19A0];
	v6 =	vadd.f32 v20, v6;
	[tilespmem:s12+$0x11340] =	vst v1  }
0x7f: {  	v5 =	vmul.f32 $8.000000000e+00, v5;
	v1 =	vld [tilespmem:s12+$0x19B0];
	[tilespmem:s12+$0x11350] =	vst v0  }
0x80: {  	v0 =	vld [tilespmem:s12+$0x19C0];
	[tilespmem:s12+$0x11360] =	vst v6;
	v6 =	vmul.f32 $8.000000000e+00, v8;
	v7 =	vadd.f32 v10, v7  }
0x81: {  	v9 =	vmul.f32 $8.000000000e+00, v9;
	v8 =	vld [tilespmem:s12+$0x19D0];
	v4 =	vadd.f32 v4, v5  }
0x82: {  	v5 =	vmul.f32 $8.000000000e+00, v11;
	v3 =	vadd.f32 v3, v6;
	v6 =	vld [tilespmem:s12+$0x19E0];
	[tilespmem:s12+$0x11370] =	vst v7  }
0x83: {  	v2 =	vadd.f32 v2, v9;
	v7 =	vmul.f32 $8.000000000e+00, v49;
	[tilespmem:s12+$0x11380] =	vst v4  }
0x84: {  	v4 =	vmul.f32 $8.000000000e+00, v13;
	[tilespmem:s12+$0x11390] =	vst v3;
	v1 =	vadd.f32 v1, v5  }
0x85: {  	p0 =	seq.s32 s1, $0x7;
	v3 =	vmul.f32 $8.000000000e+00, v14;
	[tilespmem:s12+$0x113A0] =	vst v2;
	v0 =	vadd.f32 v0, v7  }
0x86: {  	s10 =	smul.u32 @!p0 $0xC80, s1;
	[tilespmem:s12+$0x113B0] =	vst v1;
	v1 =	vadd.f32 v8, v4  }
0x87: {  	[tilespmem:s12+$0x113C0] =	vst v0;
	v0 =	vadd.f32 v6, v3  }
0x88: {  	s14 =	sadd.s32 s3, s0;
	s15 =	simm.s32 @!p0 $0x4B00;
	s10 =	sshra.s32 @!p0 s10, $0x2;
	[tilespmem:s12+$0x113D0] =	vst v1  }
0x89: {  	s14 =	smul.u32 $0x640, s14;
	s13 =	sadd.s32 @!p0 $0x320, s10;
	[tilespmem:s12+$0x113E0] =	vst v0;
	s12 =	simm.s32 @!p0 $0xC8  }
0x8a: {  	[tilespmem:s15], [sflag:$0x1] =	stream.indirect.gather @!p0 [hbm4b:s5+s12], $0x40, s13, s12, $0xb8;
	[tilespmem:$0x1DB00] =	vst v63  }
0x8b: {  	s15 =	sadd.s32 s2, s14  }
0x8c: {  	[hbm4b:s15+s4] =	stream.linear.scatter [tilespmem:s19], [sflag:$0x5], $0x3200, $0x38;
	[tilespmem:$0x1DB00] =	vst v63  }
0x8d: {  	_ =	swait.ge [sflag:s20], $0x3200  }
0x8e: {  	[sflag:s20] =	ssyncset.done $0x0  }
0x8f: {  	s12 =	simm.s32 @!p1 $0x6;
	[sflag:s20] =	ssyncadd.s32 $0xFFFFCE00  }
0x90: {  	_ =	swait.ge @!p1 [sflag:s12], $0x3200  }
0x91: {  	[sflag:s12] =	ssyncset.done @!p1 $0x0  }
0x92: {  	s13 =	simm.s32 $0x0;
	[sflag:s12] =	ssyncadd.s32 @!p1 $0xFFFFCE00  }
0x93: {  	v0 =	vld [tilespmem:s13+$0x7DF0]  }
0x94: {  	v1 =	vld [tilespmem:s13+$0x7D00]  }
0x95: {  	v2 =	vld [tilespmem:s13+$0x19F0]  }
0x96: {  	v3 =	vld [tilespmem:s13+$0x7D10]  }
0x97: {  	v4 =	vld [tilespmem:s13+$0x7D20]  }
0x98: {  	v5 =	vld [tilespmem:s13+$0x7D30]  }
0x99: {  	v6 =	vld [tilespmem:s13+$0x7D40]  }
0x9a: {  	v7 =	vld [tilespmem:s13+$0x7D50]  }
0x9b: {  	v8 =	vld [tilespmem:s13+$0x7D70]  }
0x9c: {  	v9 =	vld [tilespmem:s13+$0x7D90]  }
0x9d: {  	v10 =	vld [tilespmem:s13+$0x7DA0]  }
0x9e: {  	v11 =	vld [tilespmem:s13+$0x7DB0]  }
0x9f: {  	v51 =	vld [tilespmem:s13+$0x7DC0]  }
0xa0: {  	v52 =	vld [tilespmem:s13+$0x7DD0]  }
0xa1: {  	v53 =	vld [tilespmem:s13+$0x7DE0]  }
0xa2: {  	v54 =	vld [tilespmem:s13+$0x1900]  }
0xa3: {  	v55 =	vld [tilespmem:s13+$0x1910]  }
0xa4: {  	v56 =	vld [tilespmem:s13+$0x1920]  }
0xa5: {  	v57 =	vld [tilespmem:s13+$0x1930];
	v0 =	vmul.f32 $8.000000000e+00, v0  }
0xa6: {  	v58 =	vld [tilespmem:s13+$0x1940];
	v3 =	vmul.f32 $8.000000000e+00, v3  }
0xa7: {  	v59 =	vld [tilespmem:s13+$0x1950];
	v1 =	vmul.f32 $8.000000000e+00, v1;
	v0 =	vadd.f32 v2, v0  }
0xa8: {  	v4 =	vmul.f32 $8.000000000e+00, v4;
	v2 =	vld [tilespmem:s13+$0x7D60];
	v3 =	vadd.f32 v55, v3  }
0xa9: {  	v60 =	vld [tilespmem:s13+$0x1960];
	v5 =	vmul.f32 $8.000000000e+00, v5;
	v1 =	vadd.f32 v54, v1;
	[tilespmem:s13+$0x145F0] =	vst v0  }
0xaa: {  	v4 =	vadd.f32 v56, v4;
	v0 =	vld [tilespmem:s13+$0x7D80];
	[tilespmem:s13+$0x14510] =	vst v3;
	v3 =	vmul.f32 $8.000000000e+00, v6  }
0xab: {  	v5 =	vadd.f32 v57, v5;
	[tilespmem:s13+$0x14500] =	vst v1;
	v1 =	vld [tilespmem:s13+$0x1970]  }
0xac: {  	v61 =	vld [tilespmem:s13+$0x1980];
	[tilespmem:s13+$0x14520] =	vst v4;
	v4 =	vmul.f32 $8.000000000e+00, v7;
	v3 =	vadd.f32 v58, v3  }
0xad: {  	v62 =	vld [tilespmem:s13+$0x1990];
	[tilespmem:s13+$0x14530] =	vst v5;
	v2 =	vmul.f32 $8.000000000e+00, v2  }
0xae: {  	v5 =	vld [tilespmem:s13+$0x19A0];
	v4 =	vadd.f32 v59, v4;
	[tilespmem:s13+$0x14540] =	vst v3;
	v3 =	vmul.f32 $8.000000000e+00, v8  }
0xaf: {  	v6 =	vld [tilespmem:s13+$0x19B0];
	v2 =	vadd.f32 v60, v2;
	v63 =	vmul.f32 $8.000000000e+00, v0  }
0xb0: {  	v9 =	vmul.f32 $8.000000000e+00, v9;
	v7 =	vld [tilespmem:s13+$0x19C0];
	[tilespmem:s13+$0x14550] =	vst v4;
	v4 =	vmul.f32 $8.000000000e+00, v10;
	v0 =	vadd.f32 v1, v3  }
0xb1: {  	v8 =	vld [tilespmem:s13+$0x19D0];
	v3 =	vmul.f32 $8.000000000e+00, v11;
	v1 =	vmul.f32 $8.000000000e+00, v52;
	[tilespmem:s13+$0x14560] =	vst v2;
	v10 =	vadd.f32 v61, v63  }
0xb2: {  	s14 =	simm.s32 $0x100;
	s15 =	simm.s32 $0x800;
	s12 =	sor.u32 $0x1, s0;
	v11 =	vadd.f32 v62, v9;
	v9 =	vld [tilespmem:s13+$0x19E0];
	v2 =	vmul.f32 $8.000000000e+00, v51;
	[tilespmem:s13+$0x14570] =	vst v0;
	v0 =	vmul.f32 $8.000000000e+00, v53  }
.LBB2_5:
0xb3: {  	p2 =	sne.s32 s15, $0xC400;
	v12 =	vld [tilespmem:s14+$0x7DF0];
	[tilespmem:s13+$0x14580] =	vst v10;
	v4 =	vadd.f32 v5, v4  }
0xb4: {  	v5 =	vld [tilespmem:s14+$0x7D00];
	[tilespmem:s13+$0x14590] =	vst v11;
	v3 =	vadd.f32 v6, v3  }
0xb5: {  	v6 =	vld [tilespmem:s14+$0x19F0];
	[tilespmem:s13+$0x145A0] =	vst v4;
	v2 =	vadd.f32 v7, v2  }
0xb6: {  	v4 =	vld [tilespmem:s14+$0x7D10];
	[tilespmem:s13+$0x145B0] =	vst v3;
	v1 =	vadd.f32 v8, v1  }
0xb7: {  	v3 =	vld [tilespmem:s14+$0x7D20];
	[tilespmem:s13+$0x145C0] =	vst v2;
	v0 =	vadd.f32 v9, v0  }
0xb8: {  	v2 =	vld [tilespmem:s14+$0x7D30];
	v7 =	vmul.f32 $8.000000000e+00, v12;
	[tilespmem:s13+$0x145D0] =	vst v1  }
0xb9: {  	v5 =	vmul.f32 $8.000000000e+00, v5;
	v1 =	vld [tilespmem:s14+$0x7D40];
	[tilespmem:s13+$0x145E0] =	vst v0;
	s13 =	smov.u32 s14  }
0xba: {  	v0 =	vld [tilespmem:s13+$0x7D50];
	v6 =	vadd.f32 v6, v7  }
0xbb: {  	v7 =	vmul.f32 $8.000000000e+00, v4;
	v4 =	vld [tilespmem:s13+$0x7D60]  }
0xbc: {  	v8 =	vmul.f32 $8.000000000e+00, v3;
	v3 =	vld [tilespmem:s13+$0x7D70];
	[tilespmem:s13+$0x145F0] =	vst v6  }
0xbd: {  	v6 =	vmul.f32 $8.000000000e+00, v2;
	v2 =	vld [tilespmem:s13+$0x7D80]  }
0xbe: {  	v9 =	vmul.f32 $8.000000000e+00, v1;
	v1 =	vld [tilespmem:s13+$0x7D90]  }
0xbf: {  	v10 =	vmul.f32 $8.000000000e+00, v0;
	v0 =	vld [tilespmem:s13+$0x7DA0]  }
0xc0: {  	v11 =	vmul.f32 $8.000000000e+00, v4;
	v12 =	vld [tilespmem:s13+$0x7DB0]  }
0xc1: {  	v13 =	vmul.f32 $8.000000000e+00, v3;
	v14 =	vld [tilespmem:s13+$0x7DC0]  }
0xc2: {  	v15 =	vmul.f32 $8.000000000e+00, v2;
	v16 =	vld [tilespmem:s13+$0x7DD0]  }
0xc3: {  	v17 =	vmul.f32 $8.000000000e+00, v1;
	v18 =	vld [tilespmem:s13+$0x7DE0]  }
0xc4: {  	v19 =	vld [tilespmem:s13+$0x1900];
	v4 =	vmul.f32 $8.000000000e+00, v0  }
0xc5: {  	v20 =	vld [tilespmem:s13+$0x1910];
	v3 =	vmul.f32 $8.000000000e+00, v12  }
0xc6: {  	v12 =	vld [tilespmem:s13+$0x1920];
	v2 =	vmul.f32 $8.000000000e+00, v14  }
0xc7: {  	v14 =	vld [tilespmem:s13+$0x1930];
	v1 =	vmul.f32 $8.000000000e+00, v16  }
0xc8: {  	v16 =	vld [tilespmem:s13+$0x1940];
	v0 =	vmul.f32 $8.000000000e+00, v18  }
0xc9: {  	v5 =	vadd.f32 v19, v5;
	v18 =	vld [tilespmem:s13+$0x1950]  }
0xca: {  	v7 =	vadd.f32 v20, v7;
	v19 =	vld [tilespmem:s13+$0x1960]  }
0xcb: {  	[tilespmem:s13+$0x14500] =	vst v5;
	v5 =	vadd.f32 v12, v8;
	v8 =	vld [tilespmem:s13+$0x1970]  }
0xcc: {  	[tilespmem:s13+$0x14510] =	vst v7;
	v6 =	vadd.f32 v14, v6;
	v12 =	vld [tilespmem:s13+$0x1980]  }
0xcd: {  	[tilespmem:s13+$0x14520] =	vst v5;
	v7 =	vadd.f32 v16, v9;
	v9 =	vld [tilespmem:s13+$0x1990]  }
.Ltmp1:
0xce: {  	[tilespmem:s13+$0x14530] =	vst v6;
	v10 =	vadd.f32 v18, v10;
	v5 =	vld [tilespmem:s13+$0x19A0];
	(pc) =	sbr.rel @p2 .LBB2_5-.Ltmp1, $4  }
0xcf: {  	[tilespmem:s13+$0x14540] =	vst v7;
	v11 =	vadd.f32 v19, v11;
	v6 =	vld [tilespmem:s13+$0x19B0]  }
0xd0: {  	[tilespmem:s13+$0x14550] =	vst v10;
	v13 =	vadd.f32 v8, v13;
	v7 =	vld [tilespmem:s13+$0x19C0]  }
0xd1: {  	[tilespmem:s13+$0x14560] =	vst v11;
	v10 =	vadd.f32 v12, v15;
	v8 =	vld [tilespmem:s13+$0x19D0]  }
0xd2: {  	s14 =	sshra.s32 s15, $0x2;
	s15 =	sadd.s32 $0x400, s15;
	[tilespmem:s13+$0x14570] =	vst v13;
	v11 =	vadd.f32 v9, v17;
	v9 =	vld [tilespmem:s13+$0x19E0]  }
0xd3: {  	v12 =	vld [tilespmem:s14+$0x7DF0];
	[tilespmem:s13+$0x14580] =	vst v10;
	v4 =	vadd.f32 v5, v4  }
0xd4: {  	v10 =	vld [tilespmem:s14+$0x7D00];
	[tilespmem:s13+$0x14590] =	vst v11;
	v3 =	vadd.f32 v6, v3  }
0xd5: {  	v5 =	vld [tilespmem:s14+$0x19F0];
	[tilespmem:s13+$0x145A0] =	vst v4;
	v2 =	vadd.f32 v7, v2  }
0xd6: {  	v4 =	vld [tilespmem:s14+$0x7D10];
	[tilespmem:s13+$0x145B0] =	vst v3;
	v1 =	vadd.f32 v8, v1  }
0xd7: {  	v3 =	vld [tilespmem:s14+$0x7D20];
	[tilespmem:s13+$0x145C0] =	vst v2;
	v0 =	vadd.f32 v9, v0  }
0xd8: {  	v2 =	vld [tilespmem:s14+$0x7D30];
	[tilespmem:s13+$0x145D0] =	vst v1  }
0xd9: {  	v6 =	vmul.f32 $8.000000000e+00, v12;
	v1 =	vld [tilespmem:s14+$0x7D40];
	[tilespmem:s13+$0x145E0] =	vst v0  }
0xda: {  	v0 =	vld [tilespmem:s14+$0x7D50]  }
0xdb: {  	v5 =	vadd.f32 v5, v6;
	v6 =	vld [tilespmem:s14+$0x7D60]  }
0xdc: {  	v7 =	vld [tilespmem:s14+$0x7D70]  }
0xdd: {  	v8 =	vld [tilespmem:s14+$0x7D90]  }
0xde: {  	v9 =	vld [tilespmem:s14+$0x7DA0]  }
0xdf: {  	v11 =	vld [tilespmem:s14+$0x7DB0]  }
0xe0: {  	v49 =	vld [tilespmem:s14+$0x7DC0]  }
0xe1: {  	v13 =	vld [tilespmem:s14+$0x7DD0]  }
0xe2: {  	v14 =	vld [tilespmem:s14+$0x7DE0]  }
0xe3: {  	v15 =	vld [tilespmem:s14+$0x1900]  }
0xe4: {  	v16 =	vld [tilespmem:s14+$0x1910]  }
0xe5: {  	v17 =	vld [tilespmem:s14+$0x1920]  }
0xe6: {  	v10 =	vmul.f32 $8.000000000e+00, v10;
	v18 =	vld [tilespmem:s14+$0x1930]  }
0xe7: {  	v19 =	vld [tilespmem:s14+$0x1940];
	v4 =	vmul.f32 $8.000000000e+00, v4  }
0xe8: {  	v50 =	vld [tilespmem:s14+$0x1950];
	v3 =	vmul.f32 $8.000000000e+00, v3;
	v10 =	vadd.f32 v15, v10  }
0xe9: {  	v20 =	vld [tilespmem:s14+$0x1960];
	[tilespmem:s14+$0x145F0] =	vst v5;
	v2 =	vmul.f32 $8.000000000e+00, v2;
	v4 =	vadd.f32 v16, v4  }
0xea: {  	v5 =	vld [tilespmem:s14+$0x7D80];
	v1 =	vmul.f32 $8.000000000e+00, v1;
	v3 =	vadd.f32 v17, v3;
	[tilespmem:s14+$0x14500] =	vst v10  }
0xeb: {  	v2 =	vadd.f32 v18, v2;
	v0 =	vmul.f32 $8.000000000e+00, v0;
	v10 =	vld [tilespmem:s14+$0x1970];
	[tilespmem:s14+$0x14510] =	vst v4  }
0xec: {  	v6 =	vmul.f32 $8.000000000e+00, v6;
	v1 =	vadd.f32 v19, v1;
	v4 =	vld [tilespmem:s14+$0x1980];
	[tilespmem:s14+$0x14520] =	vst v3  }
0xed: {  	v3 =	vld [tilespmem:s14+$0x1990];
	[tilespmem:s14+$0x14530] =	vst v2;
	v0 =	vadd.f32 v50, v0  }
0xee: {  	v7 =	vmul.f32 $8.000000000e+00, v7;
	v2 =	vld [tilespmem:s14+$0x19A0];
	v6 =	vadd.f32 v20, v6;
	[tilespmem:s14+$0x14540] =	vst v1  }
0xef: {  	v5 =	vmul.f32 $8.000000000e+00, v5;
	v1 =	vld [tilespmem:s14+$0x19B0];
	[tilespmem:s14+$0x14550] =	vst v0  }
0xf0: {  	v0 =	vld [tilespmem:s14+$0x19C0];
	[tilespmem:s14+$0x14560] =	vst v6;
	v6 =	vmul.f32 $8.000000000e+00, v8;
	v7 =	vadd.f32 v10, v7  }
0xf1: {  	v9 =	vmul.f32 $8.000000000e+00, v9;
	v8 =	vld [tilespmem:s14+$0x19D0];
	v4 =	vadd.f32 v4, v5  }
0xf2: {  	v5 =	vmul.f32 $8.000000000e+00, v11;
	v3 =	vadd.f32 v3, v6;
	v6 =	vld [tilespmem:s14+$0x19E0];
	[tilespmem:s14+$0x14570] =	vst v7  }
0xf3: {  	v2 =	vadd.f32 v2, v9;
	v7 =	vmul.f32 $8.000000000e+00, v49;
	[tilespmem:s14+$0x14580] =	vst v4  }
0xf4: {  	v4 =	vmul.f32 $8.000000000e+00, v13;
	[tilespmem:s14+$0x14590] =	vst v3;
	v1 =	vadd.f32 v1, v5  }
0xf5: {  	v3 =	vmul.f32 $8.000000000e+00, v14;
	[tilespmem:s14+$0x145A0] =	vst v2;
	v0 =	vadd.f32 v0, v7  }
0xf6: {  	[tilespmem:s14+$0x145B0] =	vst v1;
	v1 =	vadd.f32 v8, v4  }
0xf7: {  	[tilespmem:s14+$0x145C0] =	vst v0;
	v0 =	vadd.f32 v6, v3  }
0xf8: {  	s12 =	sadd.s32 s3, s12;
	s15 =	simm.s32 @!p0 $0x7D00;
	[tilespmem:s14+$0x145D0] =	vst v1  }
0xf9: {  	s12 =	smul.u32 $0x640, s12;
	s13 =	sadd.s32 @!p0 $0x3E8, s10;
	[tilespmem:s14+$0x145E0] =	vst v0;
	s14 =	simm.s32 @!p0 $0xC8  }
0xfa: {  	[tilespmem:s15], [sflag:$0x2] =	stream.indirect.gather @!p0 [hbm4b:s5+s14], $0x40, s13, s14, $0xb8;
	[tilespmem:$0x1DB00] =	vst v63  }
0xfb: {  	s12 =	sadd.s32 s2, s12  }
0xfc: {  	[hbm4b:s12+s4] =	stream.linear.scatter [tilespmem:s21], [sflag:$0x6], $0x3200, $0x38;
	[tilespmem:$0x1DB00] =	vst v63  }
0xfd: {  	_ =	swait.ge [sflag:s22], $0x3200  }
0xfe: {  	[sflag:s22] =	ssyncset.done $0x0  }
0xff: {  	s12 =	simm.s32 @!p1 $0x7;
	[sflag:s22] =	ssyncadd.s32 $0xFFFFCE00  }
0x100: {  	_ =	swait.ge @!p1 [sflag:s12], $0x3200  }
0x101: {  	[sflag:s12] =	ssyncset.done @!p1 $0x0  }
0x102: {  	s13 =	simm.s32 $0x0;
	[sflag:s12] =	ssyncadd.s32 @!p1 $0xFFFFCE00  }
0x103: {  	v0 =	vld [tilespmem:s13+$0xAFF0]  }
0x104: {  	v1 =	vld [tilespmem:s13+$0xAF00]  }
0x105: {  	v2 =	vld [tilespmem:s13+$0x19F0]  }
0x106: {  	v3 =	vld [tilespmem:s13+$0xAF10]  }
0x107: {  	v4 =	vld [tilespmem:s13+$0xAF20]  }
0x108: {  	v5 =	vld [tilespmem:s13+$0xAF30]  }
0x109: {  	v6 =	vld [tilespmem:s13+$0xAF40]  }
0x10a: {  	v7 =	vld [tilespmem:s13+$0xAF50]  }
0x10b: {  	v8 =	vld [tilespmem:s13+$0xAF70]  }
0x10c: {  	v9 =	vld [tilespmem:s13+$0xAF90]  }
0x10d: {  	v10 =	vld [tilespmem:s13+$0xAFA0]  }
0x10e: {  	v11 =	vld [tilespmem:s13+$0xAFB0]  }
0x10f: {  	v51 =	vld [tilespmem:s13+$0xAFC0]  }
0x110: {  	v52 =	vld [tilespmem:s13+$0xAFD0]  }
0x111: {  	v53 =	vld [tilespmem:s13+$0xAFE0]  }
0x112: {  	v54 =	vld [tilespmem:s13+$0x1900]  }
0x113: {  	v55 =	vld [tilespmem:s13+$0x1910]  }
0x114: {  	v56 =	vld [tilespmem:s13+$0x1920]  }
0x115: {  	v57 =	vld [tilespmem:s13+$0x1930];
	v0 =	vmul.f32 $8.000000000e+00, v0  }
0x116: {  	v58 =	vld [tilespmem:s13+$0x1940];
	v3 =	vmul.f32 $8.000000000e+00, v3  }
0x117: {  	v59 =	vld [tilespmem:s13+$0x1950];
	v1 =	vmul.f32 $8.000000000e+00, v1;
	v0 =	vadd.f32 v2, v0  }
0x118: {  	v4 =	vmul.f32 $8.000000000e+00, v4;
	v2 =	vld [tilespmem:s13+$0xAF60];
	v3 =	vadd.f32 v55, v3  }
0x119: {  	v60 =	vld [tilespmem:s13+$0x1960];
	v5 =	vmul.f32 $8.000000000e+00, v5;
	v1 =	vadd.f32 v54, v1;
	[tilespmem:s13+$0x177F0] =	vst v0  }
0x11a: {  	v4 =	vadd.f32 v56, v4;
	v0 =	vld [tilespmem:s13+$0xAF80];
	[tilespmem:s13+$0x17710] =	vst v3;
	v3 =	vmul.f32 $8.000000000e+00, v6  }
0x11b: {  	v5 =	vadd.f32 v57, v5;
	[tilespmem:s13+$0x17700] =	vst v1;
	v1 =	vld [tilespmem:s13+$0x1970]  }
0x11c: {  	v61 =	vld [tilespmem:s13+$0x1980];
	[tilespmem:s13+$0x17720] =	vst v4;
	v4 =	vmul.f32 $8.000000000e+00, v7;
	v3 =	vadd.f32 v58, v3  }
0x11d: {  	v62 =	vld [tilespmem:s13+$0x1990];
	[tilespmem:s13+$0x17730] =	vst v5;
	v2 =	vmul.f32 $8.000000000e+00, v2  }
0x11e: {  	v5 =	vld [tilespmem:s13+$0x19A0];
	v4 =	vadd.f32 v59, v4;
	[tilespmem:s13+$0x17740] =	vst v3;
	v3 =	vmul.f32 $8.000000000e+00, v8  }
0x11f: {  	v6 =	vld [tilespmem:s13+$0x19B0];
	v2 =	vadd.f32 v60, v2;
	v63 =	vmul.f32 $8.000000000e+00, v0  }
0x120: {  	v9 =	vmul.f32 $8.000000000e+00, v9;
	v7 =	vld [tilespmem:s13+$0x19C0];
	[tilespmem:s13+$0x17750] =	vst v4;
	v4 =	vmul.f32 $8.000000000e+00, v10;
	v0 =	vadd.f32 v1, v3  }
0x121: {  	v8 =	vld [tilespmem:s13+$0x19D0];
	v3 =	vmul.f32 $8.000000000e+00, v11;
	v1 =	vmul.f32 $8.000000000e+00, v52;
	[tilespmem:s13+$0x17760] =	vst v2;
	v10 =	vadd.f32 v61, v63  }
0x122: {  	s14 =	simm.s32 $0x100;
	s15 =	simm.s32 $0x800;
	s12 =	sor.u32 $0x2, s0;
	v11 =	vadd.f32 v62, v9;
	v9 =	vld [tilespmem:s13+$0x19E0];
	v2 =	vmul.f32 $8.000000000e+00, v51;
	[tilespmem:s13+$0x17770] =	vst v0;
	v0 =	vmul.f32 $8.000000000e+00, v53  }
.LBB2_7:
0x123: {  	p2 =	sne.s32 s15, $0xC400;
	v12 =	vld [tilespmem:s14+$0xAFF0];
	[tilespmem:s13+$0x17780] =	vst v10;
	v4 =	vadd.f32 v5, v4  }
0x124: {  	v5 =	vld [tilespmem:s14+$0xAF00];
	[tilespmem:s13+$0x17790] =	vst v11;
	v3 =	vadd.f32 v6, v3  }
0x125: {  	v6 =	vld [tilespmem:s14+$0x19F0];
	[tilespmem:s13+$0x177A0] =	vst v4;
	v2 =	vadd.f32 v7, v2  }
0x126: {  	v4 =	vld [tilespmem:s14+$0xAF10];
	[tilespmem:s13+$0x177B0] =	vst v3;
	v1 =	vadd.f32 v8, v1  }
0x127: {  	v3 =	vld [tilespmem:s14+$0xAF20];
	[tilespmem:s13+$0x177C0] =	vst v2;
	v0 =	vadd.f32 v9, v0  }
0x128: {  	v2 =	vld [tilespmem:s14+$0xAF30];
	v7 =	vmul.f32 $8.000000000e+00, v12;
	[tilespmem:s13+$0x177D0] =	vst v1  }
0x129: {  	v5 =	vmul.f32 $8.000000000e+00, v5;
	v1 =	vld [tilespmem:s14+$0xAF40];
	[tilespmem:s13+$0x177E0] =	vst v0;
	s13 =	smov.u32 s14  }
0x12a: {  	v0 =	vld [tilespmem:s13+$0xAF50];
	v6 =	vadd.f32 v6, v7  }
0x12b: {  	v7 =	vmul.f32 $8.000000000e+00, v4;
	v4 =	vld [tilespmem:s13+$0xAF60]  }
0x12c: {  	v8 =	vmul.f32 $8.000000000e+00, v3;
	v3 =	vld [tilespmem:s13+$0xAF70];
	[tilespmem:s13+$0x177F0] =	vst v6  }
0x12d: {  	v6 =	vmul.f32 $8.000000000e+00, v2;
	v2 =	vld [tilespmem:s13+$0xAF80]  }
0x12e: {  	v9 =	vmul.f32 $8.000000000e+00, v1;
	v1 =	vld [tilespmem:s13+$0xAF90]  }
0x12f: {  	v10 =	vmul.f32 $8.000000000e+00, v0;
	v0 =	vld [tilespmem:s13+$0xAFA0]  }
0x130: {  	v11 =	vmul.f32 $8.000000000e+00, v4;
	v12 =	vld [tilespmem:s13+$0xAFB0]  }
0x131: {  	v13 =	vmul.f32 $8.000000000e+00, v3;
	v14 =	vld [tilespmem:s13+$0xAFC0]  }
0x132: {  	v15 =	vmul.f32 $8.000000000e+00, v2;
	v16 =	vld [tilespmem:s13+$0xAFD0]  }
0x133: {  	v17 =	vmul.f32 $8.000000000e+00, v1;
	v18 =	vld [tilespmem:s13+$0xAFE0]  }
0x134: {  	v19 =	vld [tilespmem:s13+$0x1900];
	v4 =	vmul.f32 $8.000000000e+00, v0  }
0x135: {  	v20 =	vld [tilespmem:s13+$0x1910];
	v3 =	vmul.f32 $8.000000000e+00, v12  }
0x136: {  	v12 =	vld [tilespmem:s13+$0x1920];
	v2 =	vmul.f32 $8.000000000e+00, v14  }
0x137: {  	v14 =	vld [tilespmem:s13+$0x1930];
	v1 =	vmul.f32 $8.000000000e+00, v16  }
0x138: {  	v16 =	vld [tilespmem:s13+$0x1940];
	v0 =	vmul.f32 $8.000000000e+00, v18  }
0x139: {  	v5 =	vadd.f32 v19, v5;
	v18 =	vld [tilespmem:s13+$0x1950]  }
0x13a: {  	v7 =	vadd.f32 v20, v7;
	v19 =	vld [tilespmem:s13+$0x1960]  }
0x13b: {  	[tilespmem:s13+$0x17700] =	vst v5;
	v5 =	vadd.f32 v12, v8;
	v8 =	vld [tilespmem:s13+$0x1970]  }
0x13c: {  	[tilespmem:s13+$0x17710] =	vst v7;
	v6 =	vadd.f32 v14, v6;
	v12 =	vld [tilespmem:s13+$0x1980]  }
0x13d: {  	[tilespmem:s13+$0x17720] =	vst v5;
	v7 =	vadd.f32 v16, v9;
	v9 =	vld [tilespmem:s13+$0x1990]  }
.Ltmp2:
0x13e: {  	[tilespmem:s13+$0x17730] =	vst v6;
	v10 =	vadd.f32 v18, v10;
	v5 =	vld [tilespmem:s13+$0x19A0];
	(pc) =	sbr.rel @p2 .LBB2_7-.Ltmp2, $4  }
0x13f: {  	[tilespmem:s13+$0x17740] =	vst v7;
	v11 =	vadd.f32 v19, v11;
	v6 =	vld [tilespmem:s13+$0x19B0]  }
0x140: {  	[tilespmem:s13+$0x17750] =	vst v10;
	v13 =	vadd.f32 v8, v13;
	v7 =	vld [tilespmem:s13+$0x19C0]  }
0x141: {  	[tilespmem:s13+$0x17760] =	vst v11;
	v10 =	vadd.f32 v12, v15;
	v8 =	vld [tilespmem:s13+$0x19D0]  }
0x142: {  	s14 =	sshra.s32 s15, $0x2;
	s15 =	sadd.s32 $0x400, s15;
	[tilespmem:s13+$0x17770] =	vst v13;
	v11 =	vadd.f32 v9, v17;
	v9 =	vld [tilespmem:s13+$0x19E0]  }
0x143: {  	v12 =	vld [tilespmem:s14+$0xAFF0];
	[tilespmem:s13+$0x17780] =	vst v10;
	v4 =	vadd.f32 v5, v4  }
0x144: {  	v10 =	vld [tilespmem:s14+$0xAF00];
	[tilespmem:s13+$0x17790] =	vst v11;
	v3 =	vadd.f32 v6, v3  }
0x145: {  	v5 =	vld [tilespmem:s14+$0x19F0];
	[tilespmem:s13+$0x177A0] =	vst v4;
	v2 =	vadd.f32 v7, v2  }
0x146: {  	v4 =	vld [tilespmem:s14+$0xAF10];
	[tilespmem:s13+$0x177B0] =	vst v3;
	v1 =	vadd.f32 v8, v1  }
0x147: {  	v3 =	vld [tilespmem:s14+$0xAF20];
	[tilespmem:s13+$0x177C0] =	vst v2;
	v0 =	vadd.f32 v9, v0  }
0x148: {  	v2 =	vld [tilespmem:s14+$0xAF30];
	[tilespmem:s13+$0x177D0] =	vst v1  }
0x149: {  	v6 =	vmul.f32 $8.000000000e+00, v12;
	v1 =	vld [tilespmem:s14+$0xAF40];
	[tilespmem:s13+$0x177E0] =	vst v0  }
0x14a: {  	v0 =	vld [tilespmem:s14+$0xAF50]  }
0x14b: {  	v5 =	vadd.f32 v5, v6;
	v6 =	vld [tilespmem:s14+$0xAF60]  }
0x14c: {  	v7 =	vld [tilespmem:s14+$0xAF70]  }
0x14d: {  	v8 =	vld [tilespmem:s14+$0xAF90]  }
0x14e: {  	v9 =	vld [tilespmem:s14+$0xAFA0]  }
0x14f: {  	v11 =	vld [tilespmem:s14+$0xAFB0]  }
0x150: {  	v49 =	vld [tilespmem:s14+$0xAFC0]  }
0x151: {  	v13 =	vld [tilespmem:s14+$0xAFD0]  }
0x152: {  	v14 =	vld [tilespmem:s14+$0xAFE0]  }
0x153: {  	v15 =	vld [tilespmem:s14+$0x1900]  }
0x154: {  	v16 =	vld [tilespmem:s14+$0x1910]  }
0x155: {  	v17 =	vld [tilespmem:s14+$0x1920]  }
0x156: {  	v10 =	vmul.f32 $8.000000000e+00, v10;
	v18 =	vld [tilespmem:s14+$0x1930]  }
0x157: {  	v19 =	vld [tilespmem:s14+$0x1940];
	v4 =	vmul.f32 $8.000000000e+00, v4  }
0x158: {  	v50 =	vld [tilespmem:s14+$0x1950];
	v3 =	vmul.f32 $8.000000000e+00, v3;
	v10 =	vadd.f32 v15, v10  }
0x159: {  	v20 =	vld [tilespmem:s14+$0x1960];
	[tilespmem:s14+$0x177F0] =	vst v5;
	v2 =	vmul.f32 $8.000000000e+00, v2;
	v4 =	vadd.f32 v16, v4  }
0x15a: {  	v5 =	vld [tilespmem:s14+$0xAF80];
	v1 =	vmul.f32 $8.000000000e+00, v1;
	v3 =	vadd.f32 v17, v3;
	[tilespmem:s14+$0x17700] =	vst v10  }
0x15b: {  	v2 =	vadd.f32 v18, v2;
	v0 =	vmul.f32 $8.000000000e+00, v0;
	v10 =	vld [tilespmem:s14+$0x1970];
	[tilespmem:s14+$0x17710] =	vst v4  }
0x15c: {  	v6 =	vmul.f32 $8.000000000e+00, v6;
	v1 =	vadd.f32 v19, v1;
	v4 =	vld [tilespmem:s14+$0x1980];
	[tilespmem:s14+$0x17720] =	vst v3  }
0x15d: {  	v3 =	vld [tilespmem:s14+$0x1990];
	[tilespmem:s14+$0x17730] =	vst v2;
	v0 =	vadd.f32 v50, v0  }
0x15e: {  	v7 =	vmul.f32 $8.000000000e+00, v7;
	v2 =	vld [tilespmem:s14+$0x19A0];
	v6 =	vadd.f32 v20, v6;
	[tilespmem:s14+$0x17740] =	vst v1  }
0x15f: {  	v5 =	vmul.f32 $8.000000000e+00, v5;
	v1 =	vld [tilespmem:s14+$0x19B0];
	[tilespmem:s14+$0x17750] =	vst v0  }
0x160: {  	v0 =	vld [tilespmem:s14+$0x19C0];
	[tilespmem:s14+$0x17760] =	vst v6;
	v6 =	vmul.f32 $8.000000000e+00, v8;
	v7 =	vadd.f32 v10, v7  }
0x161: {  	v9 =	vmul.f32 $8.000000000e+00, v9;
	v8 =	vld [tilespmem:s14+$0x19D0];
	v4 =	vadd.f32 v4, v5  }
0x162: {  	v5 =	vmul.f32 $8.000000000e+00, v11;
	v3 =	vadd.f32 v3, v6;
	v6 =	vld [tilespmem:s14+$0x19E0];
	[tilespmem:s14+$0x17770] =	vst v7  }
0x163: {  	v2 =	vadd.f32 v2, v9;
	v7 =	vmul.f32 $8.000000000e+00, v49;
	[tilespmem:s14+$0x17780] =	vst v4  }
0x164: {  	v4 =	vmul.f32 $8.000000000e+00, v13;
	[tilespmem:s14+$0x17790] =	vst v3;
	v1 =	vadd.f32 v1, v5  }
0x165: {  	v3 =	vmul.f32 $8.000000000e+00, v14;
	[tilespmem:s14+$0x177A0] =	vst v2;
	v0 =	vadd.f32 v0, v7  }
0x166: {  	[tilespmem:s14+$0x177B0] =	vst v1;
	v1 =	vadd.f32 v8, v4  }
0x167: {  	[tilespmem:s14+$0x177C0] =	vst v0;
	v0 =	vadd.f32 v6, v3  }
0x168: {  	s12 =	sadd.s32 s3, s12;
	s15 =	simm.s32 @!p0 $0xAF00;
	[tilespmem:s14+$0x177D0] =	vst v1  }
0x169: {  	s12 =	smul.u32 $0x640, s12;
	s13 =	sadd.s32 @!p0 $0x4B0, s10;
	[tilespmem:s14+$0x177E0] =	vst v0;
	s14 =	simm.s32 @!p0 $0xC8  }
0x16a: {  	[tilespmem:s15], [sflag:$0x3] =	stream.indirect.gather @!p0 [hbm4b:s5+s14], $0x40, s13, s14, $0xb8;
	[tilespmem:$0x1DB00] =	vst v63  }
0x16b: {  	s12 =	sadd.s32 s2, s12  }
0x16c: {  	[hbm4b:s12+s4] =	stream.linear.scatter [tilespmem:s23], [sflag:$0x7], $0x3200, $0x38;
	[tilespmem:$0x1DB00] =	vst v63  }
0x16d: {  	_ =	swait.ge [sflag:s24], $0x3200  }
0x16e: {  	[sflag:s24] =	ssyncset.done $0x0  }
0x16f: {  	s12 =	simm.s32 @!p1 $0x8;
	[sflag:s24] =	ssyncadd.s32 $0xFFFFCE00  }
0x170: {  	_ =	swait.ge @!p1 [sflag:s12], $0x3200  }
0x171: {  	[sflag:s12] =	ssyncset.done @!p1 $0x0  }
0x172: {  	[sflag:s12] =	ssyncadd.s32 @!p1 $0xFFFFCE00;
	s12 =	simm.s32 $0x0  }
0x173: {  	v0 =	vld [tilespmem:s12+$0xE1F0]  }
0x174: {  	v1 =	vld [tilespmem:s12+$0xE100]  }
0x175: {  	v2 =	vld [tilespmem:s12+$0x19F0]  }
0x176: {  	v3 =	vld [tilespmem:s12+$0xE110]  }
0x177: {  	v4 =	vld [tilespmem:s12+$0xE120]  }
0x178: {  	v5 =	vld [tilespmem:s12+$0xE130]  }
0x179: {  	v6 =	vld [tilespmem:s12+$0xE140]  }
0x17a: {  	v7 =	vld [tilespmem:s12+$0xE150]  }
0x17b: {  	v8 =	vld [tilespmem:s12+$0xE170]  }
0x17c: {  	v9 =	vld [tilespmem:s12+$0xE190]  }
0x17d: {  	v10 =	vld [tilespmem:s12+$0xE1A0]  }
0x17e: {  	v11 =	vld [tilespmem:s12+$0xE1B0]  }
0x17f: {  	v51 =	vld [tilespmem:s12+$0xE1C0]  }
0x180: {  	v52 =	vld [tilespmem:s12+$0xE1D0]  }
0x181: {  	v53 =	vld [tilespmem:s12+$0xE1E0]  }
0x182: {  	v54 =	vld [tilespmem:s12+$0x1900]  }
0x183: {  	v55 =	vld [tilespmem:s12+$0x1910]  }
0x184: {  	v56 =	vld [tilespmem:s12+$0x1920]  }
0x185: {  	v57 =	vld [tilespmem:s12+$0x1930];
	v0 =	vmul.f32 $8.000000000e+00, v0  }
0x186: {  	v58 =	vld [tilespmem:s12+$0x1940];
	v3 =	vmul.f32 $8.000000000e+00, v3  }
0x187: {  	v59 =	vld [tilespmem:s12+$0x1950];
	v1 =	vmul.f32 $8.000000000e+00, v1;
	v0 =	vadd.f32 v2, v0  }
0x188: {  	v4 =	vmul.f32 $8.000000000e+00, v4;
	v2 =	vld [tilespmem:s12+$0xE160];
	v3 =	vadd.f32 v55, v3  }
0x189: {  	v60 =	vld [tilespmem:s12+$0x1960];
	v5 =	vmul.f32 $8.000000000e+00, v5;
	v1 =	vadd.f32 v54, v1;
	[tilespmem:s12+$0x1A9F0] =	vst v0  }
0x18a: {  	v4 =	vadd.f32 v56, v4;
	v0 =	vld [tilespmem:s12+$0xE180];
	[tilespmem:s12+$0x1A910] =	vst v3;
	v3 =	vmul.f32 $8.000000000e+00, v6  }
0x18b: {  	v5 =	vadd.f32 v57, v5;
	[tilespmem:s12+$0x1A900] =	vst v1;
	v1 =	vld [tilespmem:s12+$0x1970]  }
0x18c: {  	v61 =	vld [tilespmem:s12+$0x1980];
	[tilespmem:s12+$0x1A920] =	vst v4;
	v4 =	vmul.f32 $8.000000000e+00, v7;
	v3 =	vadd.f32 v58, v3  }
0x18d: {  	v62 =	vld [tilespmem:s12+$0x1990];
	[tilespmem:s12+$0x1A930] =	vst v5;
	v2 =	vmul.f32 $8.000000000e+00, v2  }
0x18e: {  	v5 =	vld [tilespmem:s12+$0x19A0];
	v4 =	vadd.f32 v59, v4;
	[tilespmem:s12+$0x1A940] =	vst v3;
	v3 =	vmul.f32 $8.000000000e+00, v8  }
0x18f: {  	v6 =	vld [tilespmem:s12+$0x19B0];
	v2 =	vadd.f32 v60, v2;
	v63 =	vmul.f32 $8.000000000e+00, v0  }
0x190: {  	v9 =	vmul.f32 $8.000000000e+00, v9;
	v7 =	vld [tilespmem:s12+$0x19C0];
	[tilespmem:s12+$0x1A950] =	vst v4;
	v4 =	vmul.f32 $8.000000000e+00, v10;
	v0 =	vadd.f32 v1, v3  }
0x191: {  	v8 =	vld [tilespmem:s12+$0x19D0];
	v3 =	vmul.f32 $8.000000000e+00, v11;
	v1 =	vmul.f32 $8.000000000e+00, v52;
	[tilespmem:s12+$0x1A960] =	vst v2;
	v10 =	vadd.f32 v61, v63  }
0x192: {  	s0 =	sor.u32 $0x3, s0;
	s13 =	simm.s32 $0x100;
	s14 =	simm.s32 $0x800;
	v11 =	vadd.f32 v62, v9;
	v9 =	vld [tilespmem:s12+$0x19E0];
	v2 =	vmul.f32 $8.000000000e+00, v51;
	[tilespmem:s12+$0x1A970] =	vst v0;
	v0 =	vmul.f32 $8.000000000e+00, v53  }
.LBB2_9:
0x193: {  	p1 =	sne.s32 s14, $0xC400;
	v12 =	vld [tilespmem:s13+$0xE1F0];
	[tilespmem:s12+$0x1A980] =	vst v10;
	v4 =	vadd.f32 v5, v4  }
0x194: {  	v5 =	vld [tilespmem:s13+$0xE100];
	[tilespmem:s12+$0x1A990] =	vst v11;
	v3 =	vadd.f32 v6, v3  }
0x195: {  	v6 =	vld [tilespmem:s13+$0x19F0];
	[tilespmem:s12+$0x1A9A0] =	vst v4;
	v2 =	vadd.f32 v7, v2  }
0x196: {  	v4 =	vld [tilespmem:s13+$0xE110];
	[tilespmem:s12+$0x1A9B0] =	vst v3;
	v1 =	vadd.f32 v8, v1  }
0x197: {  	v3 =	vld [tilespmem:s13+$0xE120];
	[tilespmem:s12+$0x1A9C0] =	vst v2;
	v0 =	vadd.f32 v9, v0  }
0x198: {  	v2 =	vld [tilespmem:s13+$0xE130];
	v7 =	vmul.f32 $8.000000000e+00, v12;
	[tilespmem:s12+$0x1A9D0] =	vst v1  }
0x199: {  	v5 =	vmul.f32 $8.000000000e+00, v5;
	v1 =	vld [tilespmem:s13+$0xE140];
	[tilespmem:s12+$0x1A9E0] =	vst v0;
	s12 =	smov.u32 s13  }
0x19a: {  	v0 =	vld [tilespmem:s12+$0xE150];
	v6 =	vadd.f32 v6, v7  }
0x19b: {  	v7 =	vmul.f32 $8.000000000e+00, v4;
	v4 =	vld [tilespmem:s12+$0xE160]  }
0x19c: {  	v8 =	vmul.f32 $8.000000000e+00, v3;
	v3 =	vld [tilespmem:s12+$0xE170];
	[tilespmem:s12+$0x1A9F0] =	vst v6  }
0x19d: {  	v6 =	vmul.f32 $8.000000000e+00, v2;
	v2 =	vld [tilespmem:s12+$0xE180]  }
0x19e: {  	v9 =	vmul.f32 $8.000000000e+00, v1;
	v1 =	vld [tilespmem:s12+$0xE190]  }
0x19f: {  	v10 =	vmul.f32 $8.000000000e+00, v0;
	v0 =	vld [tilespmem:s12+$0xE1A0]  }
0x1a0: {  	v11 =	vmul.f32 $8.000000000e+00, v4;
	v12 =	vld [tilespmem:s12+$0xE1B0]  }
0x1a1: {  	v13 =	vmul.f32 $8.000000000e+00, v3;
	v14 =	vld [tilespmem:s12+$0xE1C0]  }
0x1a2: {  	v15 =	vmul.f32 $8.000000000e+00, v2;
	v16 =	vld [tilespmem:s12+$0xE1D0]  }
0x1a3: {  	v17 =	vmul.f32 $8.000000000e+00, v1;
	v18 =	vld [tilespmem:s12+$0xE1E0]  }
0x1a4: {  	v19 =	vld [tilespmem:s12+$0x1900];
	v4 =	vmul.f32 $8.000000000e+00, v0  }
0x1a5: {  	v20 =	vld [tilespmem:s12+$0x1910];
	v3 =	vmul.f32 $8.000000000e+00, v12  }
0x1a6: {  	v12 =	vld [tilespmem:s12+$0x1920];
	v2 =	vmul.f32 $8.000000000e+00, v14  }
0x1a7: {  	v14 =	vld [tilespmem:s12+$0x1930];
	v1 =	vmul.f32 $8.000000000e+00, v16  }
0x1a8: {  	v16 =	vld [tilespmem:s12+$0x1940];
	v0 =	vmul.f32 $8.000000000e+00, v18  }
0x1a9: {  	v5 =	vadd.f32 v19, v5;
	v18 =	vld [tilespmem:s12+$0x1950]  }
0x1aa: {  	v7 =	vadd.f32 v20, v7;
	v19 =	vld [tilespmem:s12+$0x1960]  }
0x1ab: {  	[tilespmem:s12+$0x1A900] =	vst v5;
	v5 =	vadd.f32 v12, v8;
	v8 =	vld [tilespmem:s12+$0x1970]  }
0x1ac: {  	[tilespmem:s12+$0x1A910] =	vst v7;
	v6 =	vadd.f32 v14, v6;
	v12 =	vld [tilespmem:s12+$0x1980]  }
0x1ad: {  	[tilespmem:s12+$0x1A920] =	vst v5;
	v7 =	vadd.f32 v16, v9;
	v9 =	vld [tilespmem:s12+$0x1990]  }
.Ltmp3:
0x1ae: {  	[tilespmem:s12+$0x1A930] =	vst v6;
	v10 =	vadd.f32 v18, v10;
	v5 =	vld [tilespmem:s12+$0x19A0];
	(pc) =	sbr.rel @p1 .LBB2_9-.Ltmp3, $4  }
0x1af: {  	[tilespmem:s12+$0x1A940] =	vst v7;
	v11 =	vadd.f32 v19, v11;
	v6 =	vld [tilespmem:s12+$0x19B0]  }
0x1b0: {  	[tilespmem:s12+$0x1A950] =	vst v10;
	v13 =	vadd.f32 v8, v13;
	v7 =	vld [tilespmem:s12+$0x19C0]  }
0x1b1: {  	[tilespmem:s12+$0x1A960] =	vst v11;
	v10 =	vadd.f32 v12, v15;
	v8 =	vld [tilespmem:s12+$0x19D0]  }
0x1b2: {  	s13 =	sshra.s32 s14, $0x2;
	s14 =	sadd.s32 $0x400, s14;
	[tilespmem:s12+$0x1A970] =	vst v13;
	v11 =	vadd.f32 v9, v17;
	v9 =	vld [tilespmem:s12+$0x19E0]  }
0x1b3: {  	v12 =	vld [tilespmem:s13+$0xE1F0];
	[tilespmem:s12+$0x1A980] =	vst v10;
	v4 =	vadd.f32 v5, v4  }
0x1b4: {  	v10 =	vld [tilespmem:s13+$0xE100];
	[tilespmem:s12+$0x1A990] =	vst v11;
	v3 =	vadd.f32 v6, v3  }
0x1b5: {  	v40 =	vld [tilespmem:s13+$0x19F0];
	[tilespmem:s12+$0x1A9A0] =	vst v4;
	v2 =	vadd.f32 v7, v2  }
0x1b6: {  	v4 =	vld [tilespmem:s13+$0xE110];
	[tilespmem:s12+$0x1A9B0] =	vst v3;
	v1 =	vadd.f32 v8, v1  }
0x1b7: {  	v3 =	vld [tilespmem:s13+$0xE120];
	[tilespmem:s12+$0x1A9C0] =	vst v2;
	v0 =	vadd.f32 v9, v0  }
0x1b8: {  	v2 =	vld [tilespmem:s13+$0xE130];
	[tilespmem:s12+$0x1A9D0] =	vst v1  }
0x1b9: {  	v1 =	vld [tilespmem:s13+$0xE140];
	[tilespmem:s12+$0x1A9E0] =	vst v0  }
0x1ba: {  	v0 =	vld [tilespmem:s13+$0xE150]  }
0x1bb: {  	v42 =	vld [tilespmem:s13+$0xE160]  }
0x1bc: {  	v43 =	vld [tilespmem:s13+$0xE170]  }
0x1bd: {  	v44 =	vld [tilespmem:s13+$0xE180]  }
0x1be: {  	v45 =	vld [tilespmem:s13+$0xE190]  }
0x1bf: {  	v46 =	vld [tilespmem:s13+$0xE1A0]  }
0x1c0: {  	v11 =	vld [tilespmem:s13+$0xE1B0]  }
0x1c1: {  	v47 =	vld [tilespmem:s13+$0xE1C0]  }
0x1c2: {  	v13 =	vld [tilespmem:s13+$0xE1D0]  }
0x1c3: {  	v14 =	vld [tilespmem:s13+$0xE1E0]  }
0x1c4: {  	v15 =	vld [tilespmem:s13+$0x1900]  }
0x1c5: {  	v16 =	vld [tilespmem:s13+$0x1910]  }
0x1c6: {  	v41 =	vmul.f32 $8.000000000e+00, v12;
	v17 =	vld [tilespmem:s13+$0x1920]  }
0x1c7: {  	v10 =	vmul.f32 $8.000000000e+00, v10;
	v18 =	vld [tilespmem:s13+$0x1930]  }
0x1c8: {  	v5 =	vadd.f32 v40, v41;
	v19 =	vld [tilespmem:s13+$0x1940];
	v4 =	vmul.f32 $8.000000000e+00, v4  }
0x1c9: {  	v48 =	vld [tilespmem:s13+$0x1950];
	v3 =	vmul.f32 $8.000000000e+00, v3;
	v10 =	vadd.f32 v15, v10  }
0x1ca: {  	v20 =	vld [tilespmem:s13+$0x1960];
	[tilespmem:s13+$0x1A9F0] =	vst v5;
	v2 =	vmul.f32 $8.000000000e+00, v2;
	v4 =	vadd.f32 v16, v4  }
0x1cb: {  	v49 =	vld [tilespmem:s13+$0x1970];
	v1 =	vmul.f32 $8.000000000e+00, v1;
	v3 =	vadd.f32 v17, v3;
	[tilespmem:s13+$0x1A900] =	vst v10  }
0x1cc: {  	v50 =	vld [tilespmem:s13+$0x1980];
	v2 =	vadd.f32 v18, v2;
	v0 =	vmul.f32 $8.000000000e+00, v0;
	[tilespmem:s13+$0x1A910] =	vst v4  }
0x1cd: {  	v51 =	vld [tilespmem:s13+$0x1990];
	v6 =	vmul.f32 $8.000000000e+00, v42;
	v1 =	vadd.f32 v19, v1;
	[tilespmem:s13+$0x1A920] =	vst v3  }
0x1ce: {  	v52 =	vld [tilespmem:s13+$0x19A0];
	v7 =	vmul.f32 $8.000000000e+00, v43;
	[tilespmem:s13+$0x1A930] =	vst v2;
	v0 =	vadd.f32 v48, v0  }
0x1cf: {  	v56 =	vld [tilespmem:s13+$0x19D0];
	v5 =	vmul.f32 $8.000000000e+00, v44;
	v6 =	vadd.f32 v20, v6;
	[tilespmem:s13+$0x1A940] =	vst v1  }
0x1d0: {  	v58 =	vld [tilespmem:s13+$0x19E0];
	v55 =	vmul.f32 $8.000000000e+00, v45;
	v7 =	vadd.f32 v49, v7;
	[tilespmem:s13+$0x1A950] =	vst v0  }
0x1d1: {  	v53 =	vld [tilespmem:s13+$0x19B0];
	v9 =	vmul.f32 $8.000000000e+00, v46;
	v4 =	vadd.f32 v50, v5;
	[tilespmem:s13+$0x1A960] =	vst v6  }
0x1d2: {  	v54 =	vld [tilespmem:s13+$0x19C0];
	v60 =	vmul.f32 $8.000000000e+00, v13;
	v3 =	vadd.f32 v51, v55;
	[tilespmem:s13+$0x1A970] =	vst v7  }
0x1d3: {  	v61 =	vmul.f32 $8.000000000e+00, v14;
	v2 =	vadd.f32 v52, v9;
	[tilespmem:s13+$0x1A980] =	vst v4  }
0x1d4: {  	v57 =	vmul.f32 $8.000000000e+00, v11;
	v62 =	vadd.f32 v56, v60;
	[tilespmem:s13+$0x1A990] =	vst v3  }
0x1d5: {  	v59 =	vmul.f32 $8.000000000e+00, v47;
	v63 =	vadd.f32 v58, v61;
	[tilespmem:s13+$0x1A9A0] =	vst v2  }
0x1d6: {  	v1 =	vadd.f32 v53, v57;
	[tilespmem:s13+$0x1A9D0] =	vst v62  }
0x1d7: {  	v0 =	vadd.f32 v54, v59;
	[tilespmem:s13+$0x1A9E0] =	vst v63  }
0x1d8: {  	s10 =	sadd.s32 @!p0 $0x578, s10;
	[tilespmem:s13+$0x1A9B0] =	vst v1  }
0x1d9: {  	s1 =	sadd.s32 $0x1, s1;
	s12 =	simm.s32 @!p0 $0xC8;
	[tilespmem:s13+$0x1A9C0] =	vst v0;
	s13 =	simm.s32 @!p0 $0xE100  }
0x1da: {  	[tilespmem:s13], [sflag:$0x4] =	stream.indirect.gather @!p0 [hbm4b:s5+s12], $0x40, s10, s12, $0xb8;
	[tilespmem:$0x1DB00] =	vst v63  }
0x1db: {  	p0 =	sne.s32 s1, $0x8  }
.Ltmp4:
0x1dc: {  	s0 =	sadd.s32 s3, s0;
	(pc) =	sbr.rel @p0 .LBB2_2-.Ltmp4, $3  }
0x1dd: {  	s0 =	smul.u32 $0x640, s0;
	_ =	sdelay $0x1  }
0x1de: {  	s0 =	sadd.s32 s2, s0  }
0x1df: {  	[hbm4b:s0+s4] =	stream.linear.scatter [tilespmem:s25], [sflag:$0x8], $0x3200, $0x38;
	[tilespmem:$0x1DB00] =	vst v63  }
0x1e0: {  	_ =	swait.ge [sflag:s26], $0x3200  }
0x1e1: {  	[sflag:s26] =	ssyncset.done $0x0  }
0x1e2: {  	[sflag:s26] =	ssyncadd.s32 $0xFFFFCE00  }
0x1e3: {  	_ =	swait.ge [sflag:s28], $0x3200  }
0x1e4: {  	[sflag:s28] =	ssyncset.done $0x0  }
0x1e5: {  	s31 =	sadd.s32 $0x1, s31;
	[sflag:s28] =	ssyncadd.s32 $0xFFFFCE00  }
0x1e6: {  	p0 =	sne.s32 s31, s8;
	_ =	swait.ge [sflag:s29], $0x3200  }
.Ltmp5:
0x1e7: {  	[sflag:s29] =	ssyncset.done $0x0;
	(pc) =	sbr.rel @p0 .LBB2_1-.Ltmp5, $4  }
0x1e8: {  	[sflag:s29] =	ssyncadd.s32 $0xFFFFCE00  }
0x1e9: {  	_ =	swait.ge [sflag:s30], $0x3200  }
0x1ea: {  	[sflag:s30] =	ssyncset.done $0x0  }
0x1eb: {  	[sflag:s30] =	ssyncadd.s32 $0xFFFFCE00  }
0x1ec: {  	_ =	sfence.sel $0x180000  }
0x1ed: {  	[bflag:$0x0] =	sbarrier.arrive $0xFFFF  }
0x1ee: {  	_ =	strace $0x90000047  }
0x1ef: {  	s0 =	stileid.u32;
	[bflag:$0x2] =	sbarrier.arrive $0xFFFF  }
0x1f0: {  	p0 =	sne.s32 s0, $0x0;
	s0 =	rddreg [dreg:$0x2]  }
0x1f1: {  	s0 =	sadd.s32 @!p0 $0x100000, s0  }
0x1f2: {  	[sflag:s0] =	ssyncadd.tile.s32 @!p0 $0x1;
	_ =	shalt  }
.Lfunc_end2:
_tile_overlayer_lowered:
.L_overlay_start_2:
0x1f3: {  	(tag) =	ssettag $0x2  }
0x1f4: {  	s0 =	rddreg [dreg:$0x0];
	s2 =	stileid.u32  }
0x1f5: {  	s1 =	rddreg [dreg:$0x1];
	p0 =	sne.s32 s2, $0x0  }
0x1f6: {  	s3 =	rddreg [dreg:$0x2];
	[bflag:$0x3] =	sbarrier.arrive $0xFFFF;
	s2 =	simm.s32 @!p0 $0x1C09  }
0x1f7: {  	[timem:s3], [sflag:s2] =	dma.local @!p0 [hbm:s0], s1  }
0x1f8: {  	s0 =	simm.s32 @!p0 $0x9  }
0x1f9: {  	_ =	swait.ge @!p0 [sflag:s0], s1  }
0x1fa: {  	s1 =	ssub.s32 @!p0 $0x0, s1;
	[sflag:s0] =	ssyncset.done @!p0 $0x0  }
0x1fb: {  	[sflag:s0] =	ssyncadd.s32 @!p0 s1  }
0x1fc: {  	[bflag:$0x3] =	sbarrier.arrive $0xFFFF  }
0x1fd: {  	_ =	shalt  }

// kernel: sparse-core-data-format-call.cloned.1.call-start
scs
called_computation_lowered:
.L_overlay_start_0:
0x0: {  	s2 =	sld [smem:$0x3FD9]  }
0x1: {  	s3 =	sld [smem:$0x3FFE];
	_ =	sdelay $0x1  }
0x2: {  	s1 =	srdreg.scid  }
0x3: {  	s0 =	sand.u32 $0x1, s1  }
0x4: {  	s18 =	sshll.u32 s0, $0xA;
	s2 =	sadd.s32 s3, s2  }
0x5: {  	s2 =	sadd.s32 s2, s18  }
0x6: {  	[smem:$0x3FC5] =	sst s2  }
0x7: {  	_ = 	snop  }
0x8: {  	s2 =	sld [smem:$0x3FD0];
	(tm) =	ssettm $0x1  }
0x9: {  	s19 =	sld [smem:$0x3FFB];
	_ =	sdelay $0x3  }
0xa: {  	_ =	strace s19  }
0xb: {  	s3 =	sld [smem:$0x3FFC];
	_ =	sdelay $0x3  }
0xc: {  	_ =	strace s3  }
0xd: {  	s3 =	sld [smem:$0x3FFD];
	_ =	sdelay $0x3  }
0xe: {  	_ =	strace s3  }
0xf: {  	_ =	strace $0x8FFFFFFF  }
0x10: {  	s20 =	sld [smem:$0x3FDB];
	_ =	sdelay $0x1  }
0x11: {  	s4 =	simm.s32 $_scs_section_size  }
0x12: {  	s5 =	simm.s32 $_size__tile_overlayer_lowered;
	s6 =	simm.s32 $_tile_overlayer_lowered  }
0x13: {  	s23 =	simm.s32 $0x1BFF;
	s22 =	sshll.u32 s6, $0x1;
	s3 =	sadd.s32 s4, s20  }
0x14: {  	s7 =	simm.s32 $0x0;
	s21 =	sshll.u32 s5, $0x1;
	s5 =	sadd.s32 s22, s3  }
0x15: {  	[timem:s7], [sflag:s23] =	dma.local [hbm:s5], s21  }
0x16: {  	_ =	swait.ge [sflag:s23], s21  }
0x17: {  	s4 =	ssub.s32 $0x0, s21;
	[sflag:s23] =	ssyncset.done $0x0  }
0x18: {  	[sflag:s23] =	ssyncadd.s32 s4;
	_ =	sdelay $0x1  }
0x19: {  	s24 =	simm.s32 $0x1B8B  }
0x1a: {  	_ =	swait.ge [sflag:s24], $0x1  }
0x1b: {  	[sflag:s24] =	ssyncset.done $0x0  }
0x1c: {  	s26 =	simm.s32 $0x1B8E;
	s25 =	sld [smem:$0x3FFE];
	[sflag:s24] =	ssyncadd.s32 $0xFFFFFFFF  }
0x1d: {  	s27 =	simm.s32 $execute0_lowered;
	[smem:$0x3FD2] =	sst s26  }
0x1e: {  	s5 =	sshll.u32 s27, $0x1;
	_ =	strace $0x80000049;
	[dreg:$0x1] =	wrdreg $0xFFFFFFFF  }
0x1f: {  	s28 =	simm.s32 $_size_execute0_lowered;
	s3 =	sadd.s32 s3, s5;
	[dreg:$0x0] =	wrdreg $0x0  }
0x20: {  	s5 =	sshll.u32 s28, $0x1;
	[dreg:$0x2] =	wrdreg s3  }
0x21: {  	[dreg:$0x3] =	wrdreg s5  }
0x22: {  	[dreg:$0x4] =	wrdreg $0xC0  }
0x23: {  	_ =	task [dreg:s7], $0x5FFFF  }
0x24: {  	[dreg:$0x1] =	wrdreg $0xFFFFFFFF  }
0x25: {  	[dreg:$0x0] =	wrdreg $0x60  }
0x26: {  	[dreg:$0x2] =	wrdreg s25  }
0x27: {  	[dreg:$0x3] =	wrdreg s2  }
0x28: {  	[dreg:$0x4] =	wrdreg $0x9  }
0x29: {  	_ =	task.clear_ibuf [dreg:s7], $0x5FFFF;
	_ =	strace $0x90000049  }
0x2a: {  	s29 =	simm.s32 $0x9;
	_ =	strace $0x8000004B  }
0x2b: {  	_ =	swait.ge [sflag:s29], $0x1  }
0x2c: {  	[sflag:s29] =	ssyncadd.s32 $0xFFFFFFFF  }
0x2d: {  	_ =	strace $0x9000004B  }
0x2e: {  	_ =	sfence  }
0x2f: {  	s30 =	sld [smem:$0x0];
	_ =	sdelay $0x2  }
0x30: {  	s31 =	sshll.u32 s1, $0xD;
	s1 =	sshrl.u32 s1, $0x2  }
0x31: {  	s3 =	sand.u32 $0x4000, s31;
	s1 =	sadd.s32 s1, s30  }
0x32: {  	s0 =	sor.u32 s3, s0;
	s1 =	sshll.u32 s1, $0x11  }
0x33: {  	s0 =	sor.u32 s1, s0  }
0x34: {  	s0 =	sadd.s32 $0x8F2B, s0  }
0x35: {  	[sflag:s0] =	ssyncadd.remote.s32 $0x1  }
0x36: {  	_ =	sfence.sel $0xFFFF  }
0x37: {  	[dreg:$0x0] =	wrdreg $0xFFFFFFFF;
	(pc) =	sbr.abs _section_cstart, $3  }
0x38: {  	[dreg:$0x1] =	wrdreg $0xFFFFFFFF  }
0x39: {  	_ =	task.clear_ibuf [dreg:s7], $0x2FFFF;
	_ =	strace $0x9FFFFFFF  }
0x3a: {  	(tm) =	ssettm $0x7FFFFFFF  }
0x3b: {  	_ =	shalt  }
tec
execute0_lowered:
.L_overlay_start_1:
0x0: {  	(tag) =	ssettag $0x1  }
0x1: {  	s0 =	stileid.u32;
	s6 =	rddreg [dreg:$0x0]  }
0x2: {  	s2 =	rddreg [dreg:$0x1];
	s5 =	srdreg.scid  }
0x3: {  	s31 =	simm.s32 $0x2;
	s13 =	simm.s32 $0x0;
	s1 =	sshll.u32 s0, $0x7  }
0x4: {  	s14 =	simm.s32 $0x0;
	s12 =	simm.s32 $0x0;
	s3 =	sand.u32 $0x380, s1  }
0x5: {  	s5 =	sshll.u32 s5, $0x4;
	s6 =	sadd.s32 $0xC00, s6;
	s4 =	ssub.s32 $0x400, s3  }
0x6: {  	s1 =	rddreg [dreg:$0x2];
	_ =	strace $0x8000004A;
	s7 =	sand.u32 $0x380, s4  }
0x7: {  	s5 =	sand.u32 $0x10, s5;
	p0 =	sne.s32 s7, $0x0;
	s7 =	simm.s32 $0x1  }
.Ltmp0:
0x8: {  	s8 =	sshrl.u32 s4, $0xA;
	s7 =	simm.s32 @!p0 $0x0;
	(pc) =	sbr.rel .LBB1_1-.Ltmp0, $4  }
0x9: {  	s9 =	sor.u32 s0, s5;
	s4 =	simm.s32 $0x1;
	s30 =	sadd.s32 s7, s8  }
0xa: {  	s11 =	smov.u32 s3;
	[sflag:s4] =	ssyncpa.u1 $0x0;
	s5 =	smul.u32 $0x32, s30  }
0xb: {  	[sflag:s31] =	ssyncpa.u1 $0x0;
	p0 =	por $0x0, $0x0;
	s7 =	sshrl.u32 s9, $0x3  }
0xc: {  	s9 =	simm.s32 $0x2000;
	s10 =	smov.u32 s7;
	s8 =	sor.u32 $0x1, s5  }
.LBB1_4:
0xd: {  	s17 =	sand.u32 $0x1F80, s14;
	s13 =	sshll.u32 s13, $0xD  }
0xe: {  	[tilespmem:s16+$0x810 ss:$0x81] =	vst.msk $0xffff, v2;
	s18 =	sshrl.u32 s14, $0x3;
	s31 =	sand.u32 $0x7, s14;
	s17 =	sadd.s32 s2, s17  }
0xf: {  	[tilespmem:s16+$0x1020 ss:$0x81] =	vst.msk $0xffff, v0;
	s18 =	sand.u32 $0xF, s18;
	s14 =	sshll.u32 s31, $0x12;
	s13 =	sadd.s32 s13, s17  }
0x10: {  	[tilespmem:s16+$0x0 ss:$0x81] =	vst.msk $0xffff, v1;
	s14 =	sor.u32 $0x400, s14;
	s13 =	sadd.s32 s18, s13  }
0x11: {  	[hbm4b:s13+s14] =	stream.strided.scatter [tilespmem:s15], [sflag:$0x2], $0x2000, s9, s14, $0x20;
	[tilespmem:$0x8080] =	vst v63  }
.LBB1_5:
0x12: {  	s15 =	sadd.s32 $0x4, s10  }
0x13: {  	s13 =	sadd.s32 $0x400, s11;
	s17 =	smov.u32 s11;
	p2 =	sgt.s32 s15, $0xC7  }
0x14: {  	s17 =	smov.u32 @p2 s13  }
0x15: {  	s15 =	smov.u32 @p2 s7;
	p2 =	sgt.s32 s17, $0x3FF  }
0x16: {  	s17 =	smov.u32 @p2 s3;
	p2 =	sne.s32 s12, s8  }
.Ltmp1:
0x17: {  	p1 =	slt.u32 s12, $0x2;
	(pc) =	sbr.rel @!p2 .LBB1_6-.Ltmp1, $4  }
0x18: {  	s16 =	simm.s32 @!p1 $0x2  }
0x19: {  	s14 =	smov.u32 s11;
	p0 =	por !p0, !p0;
	_ =	swait.ge @!p1 [sflag:s16], $0x2000  }
0x1a: {  	s13 =	smov.u32 s10;
	[sflag:s16] =	ssyncset.done @!p1 $0x0;
	s10 =	smov.u32 s15  }
0x1b: {  	s12 =	sadd.s32 $0x1, s12;
	[sflag:s16] =	ssyncadd.s32 @!p1 $0xFFFFE000;
	s11 =	smov.u32 s17  }
.LBB1_1:
0x1c: {  	p1 =	sge.u32 s12, s5  }
0x1d: {  	s15 =	sand.u32 @!p1 $0x1FFFFFF, s10  }
0x1e: {  	s16 =	smulhi.u32 @!p1 $0x147AE15, s15;
	_ =	sdelay $0x1  }
0x1f: {  	s16 =	smul.u32 @!p1 $0xC8, s16  }
0x20: {  	s17 =	sxor.u32 @!p1 $0xFFFFFFFF, s12;
	s18 =	smul.u32 @!p1 $0xC80, s11  }
0x21: {  	s31 =	sadd.s32 $0xFFFFFFFF, s12;
	s17 =	sshll.u32 @!p1 s17, $0xD;
	s15 =	ssub.s32 @!p1 s15, s16  }
0x22: {  	s16 =	sand.u32 @!p1 $0x2000, s17;
	s17 =	sadd.s32 @!p1 s6, s18;
	s15 =	sshll.u32 @!p1 s15, $0x4  }
0x23: {  	s18 =	simm.s32 @!p1 $0x6400;
	s15 =	sadd.s32 @!p1 s15, s17;
	s17 =	simm.s32 @!p1 $0x40  }
0x24: {  	[tilespmem:s16], [sflag:$0x1] =	stream.strided.gather @!p1 [hbm4b:s15+s17], $0x2000, s18, s17, $0x38;
	[tilespmem:$0x8080] =	vst v63  }
0x25: {  	p1 =	sge.u32 s31, s5  }
.Ltmp2:
0x26: {  	_ = 	snop;
	(pc) =	sbr.rel @p1 .LBB1_5-.Ltmp2, $1  }
0x27: {  	_ =	sdelay $0x3  }
0x28: {  	s15 =	simm.s32 $0x1  }
0x29: {  	_ =	swait.ge [sflag:s4], $0x2000;
	s15 =	simm.s32 @!p0 $0x0  }
0x2a: {  	[sflag:s4] =	ssyncset.done $0x0;
	s16 =	sshll.u32 s15, $0xD  }
0x2b: {  	[sflag:s4] =	ssyncadd.s32 $0xFFFFE000;
	s19 =	sor.u32 $0x20, s16  }
0x2c: {  	s15 =	smul.u32 $0x8100, s15;
	v3 =	vld [tilespmem:s19+$0x10]  }
0x2d: {  	s30 =	sand.u32 $0x1, s12;
	v2 =	vld [tilespmem:s19+$0xFFFFFFF0]  }
0x2e: {  	s16 =	smul.u32 $0x8100, s30;
	s15 =	sshrl.u32 s15, $0x2;
	v0 =	vld [tilespmem:s19+$0x0]  }
0x2f: {  	v1 =	vld [tilespmem:s19+$0xFFFFFFE0];
	s17 =	sor.u32 $0x4000, s15  }
0x30: {  	s31 =	sshrl.u32 s16, $0x2;
	s16 =	sadd.s32 $0x0, s17  }
0x31: {  	s18 =	simm.s32 $0x4;
	s19 =	sadd.s32 $0x40, s19;
	s15 =	sor.u32 $0x4000, s31;
	[tilespmem:s16+$0x1830 ss:$0x81] =	vst.msk $0xffff, v3  }
.LBB1_3:
0x32: {  	v3 =	vld [tilespmem:s19+$0x10];
	p1 =	sne.s32 s18, $0x1FC;
	[tilespmem:s16+$0x810 ss:$0x81] =	vst.msk $0xffff, v2;
	s20 =	smov.u32 s18;
	s18 =	sadd.s32 $0x4, s18  }
.Ltmp3:
0x33: {  	v2 =	vld [tilespmem:s19+$0xFFFFFFF0];
	[tilespmem:s16+$0x1020 ss:$0x81] =	vst.msk $0xffff, v0;
	(pc) =	sbr.rel @p1 .LBB1_3-.Ltmp3, $4  }
0x34: {  	v0 =	vld [tilespmem:s19+$0x0];
	[tilespmem:s16+$0x0 ss:$0x81] =	vst.msk $0xffff, v1  }
0x35: {  	s16 =	sshra.s32 s20, $0x2;
	v1 =	vld [tilespmem:s19+$0xFFFFFFE0]  }
0x36: {  	s16 =	sadd.s32 s16, s17  }
0x37: {  	s19 =	sadd.s32 $0x40, s19;
	[tilespmem:s16+$0x1830 ss:$0x81] =	vst.msk $0xffff, v3  }
.Ltmp4:
0x38: {  	_ = 	snop;
	(pc) =	sbr.rel .LBB1_4-.Ltmp4, $1  }
0x39: {  	_ =	sdelay $0x3  }
.LBB1_6:
0x3a: {  	_ =	sfence.sel $0x180000  }
0x3b: {  	s2 =	simm.s32 $0x1;
	[bflag:$0x0] =	sbarrier.arrive $0xFFFF  }
0x3c: {  	s31 =	simm.s32 $0x2;
	[sflag:s2] =	ssyncpa.u1 $0x1  }
0x3d: {  	[sflag:s31] =	ssyncpa.u1 $0x1  }
0x3e: {  	p0 =	sne.s32 s0, $0x0;
	_ =	strace $0x9000004A  }
0x3f: {  	s0 =	sadd.s32 @!p0 $0x100000, s1;
	[bflag:$0x2] =	sbarrier.arrive $0xFFFF  }
0x40: {  	[sflag:s0] =	ssyncadd.tile.s32 @!p0 $0x1;
	_ =	shalt  }
.Lfunc_end1:
_tile_overlayer_lowered:
.L_overlay_start_2:
0x41: {  	(tag) =	ssettag $0x2  }
0x42: {  	s0 =	rddreg [dreg:$0x0];
	s2 =	stileid.u32  }
0x43: {  	s1 =	rddreg [dreg:$0x1];
	p0 =	sne.s32 s2, $0x0  }
0x44: {  	s3 =	rddreg [dreg:$0x2];
	[bflag:$0x3] =	sbarrier.arrive $0xFFFF;
	s2 =	simm.s32 @!p0 $0x1C01  }
0x45: {  	[timem:s3], [sflag:s2] =	dma.local @!p0 [hbm:s0], s1  }
0x46: {  	s0 =	simm.s32 @!p0 $0x1  }
0x47: {  	_ =	swait.ge @!p0 [sflag:s0], s1  }
0x48: {  	s1 =	ssub.s32 @!p0 $0x0, s1;
	[sflag:s0] =	ssyncset.done @!p0 $0x0  }
0x49: {  	[sflag:s0] =	ssyncadd.s32 @!p0 s1  }
0x4a: {  	[bflag:$0x3] =	sbarrier.arrive $0xFFFF  }
0x4b: {  	_ =	shalt  }

</sc_bundles>
